<compile_context>
chip_gen: v7x
topology: tpu7x:2x2x1
jax: 0.10.2.dev20260603
libtpu: 0.0.44.dev20260713+nightly
codegen_flags: <defaults>
</compile_context>

<pallas_src>
import functools

import jax
import jax.numpy as jnp
from jax import lax
from jax.experimental import pallas as pl
from jax.experimental.pallas import tpu as pltpu
from jax.experimental.pallas import tpu_sc as plsc

B, L, V, D, H, C = 1024, 200, 50003, 300, 256, 3
NC, NS = 2, 16
NW = NC * NS
BPW = B // NW
CH = 40
CPE = L // CH
NCH = BPW * CPE
NBUF = 5
GRP = CPE
EPG = 1
TPAD = 384
DP = 304
NV = DP // 16
CP = 128


def _sc_gather_sum(table, idx3):
    mesh = plsc.VectorSubcoreMesh(
        core_axis_name="c", subcore_axis_name="s",
        num_cores=NC, num_subcores=NS)

    @functools.partial(
        pl.kernel,
        out_type=jax.ShapeDtypeStruct((B, DP), jnp.float32),
        mesh=mesh,
        scratch_types=[
            pltpu.VMEM((NCH, CH), jnp.int32),
            pltpu.VMEM((NBUF, CH, TPAD), jnp.float32),
            pltpu.VMEM((BPW, DP), jnp.float32),
            [pltpu.SemaphoreType.DMA] * NBUF,
        ],
        compiler_params=pltpu.CompilerParams(use_tc_tiling_on_sc=True),
    )
    def k(table_hbm, idx_hbm, out_hbm, idx_v, bufs, out_v, sems):
        w = lax.axis_index("s") * NC + lax.axis_index("c")
        pltpu.sync_copy(idx_hbm.at[w], idx_v)

        def fire(g, slot):
            pltpu.make_async_copy(
                table_hbm.at[idx_v.at[g]], bufs.at[slot], sems[slot]).start()

        def drain(g, slot):
            pltpu.make_async_copy(
                table_hbm.at[idx_v.at[g]], bufs.at[slot], sems[slot]).wait()

        for s in range(NBUF):
            fire(s, s)

        def body(e4, carry):
            g0 = e4 * GRP
            accs = None
            for k in range(GRP):
                slot = k % NBUF
                g = g0 + k
                drain(g, slot)
                if k % CPE == 0:
                    accs = tuple(jnp.zeros((16,), jnp.float32)
                                 for _ in range(NV))

                def row_red(r, accs, slot=slot):
                    accs = list(accs)
                    for j in range(NV):
                        accs[j] = accs[j] + bufs[slot, r, pl.ds(j * 16, 16)]
                    return tuple(accs)

                accs = lax.fori_loop(0, CH, row_red, accs, unroll=2)

                @pl.when(g + NBUF < NCH)
                def _(g=g, slot=slot):
                    fire(g + NBUF, slot)

                if k % CPE == CPE - 1:
                    e_loc = e4 * EPG + k // CPE
                    for j in range(NV):
                        out_v[e_loc, pl.ds(j * 16, 16)] = accs[j]
            return carry

        lax.fori_loop(0, BPW // EPG, body, 0)
        pltpu.sync_copy(out_v, out_hbm.at[pl.ds(w * BPW, BPW)])

    return k(table, idx3)


def _tc_pad_table(table_t):
    vb = 4096
    grid = (pl.cdiv(V, vb),)

    def body(x_ref, o_ref):
        o_ref[...] = jnp.pad(x_ref[...].T, ((0, 0), (0, TPAD - D)))

    return pl.pallas_call(
        body,
        grid=grid,
        in_specs=[pl.BlockSpec((D, vb), lambda i: (0, i))],
        out_specs=pl.BlockSpec((vb, TPAD), lambda i: (i, 0)),
        out_shape=jax.ShapeDtypeStruct((V, TPAD), jnp.float32),
    )(table_t)


def _tc_head(sums, targets2d, w_h, b_h2, w_o, b_o2):

    def body(x_ref, t_ref, wh_ref, bh_ref, wo_ref, bo_ref, out_ref):
        x = x_ref[...] * jnp.float32(1.0 / L)
        conv = jnp.tanh(
            jnp.dot(x, wh_ref[...], preferred_element_type=jnp.float32,
                    precision=lax.Precision.HIGHEST)
            + bh_ref[...])
        logits = (jnp.dot(conv, wo_ref[...], preferred_element_type=jnp.float32,
                          precision=lax.Precision.HIGHEST)
                  + bo_ref[...])
        col = lax.broadcasted_iota(jnp.int32, logits.shape, 1)
        ml = jnp.where(col < C, logits, jnp.float32(-1e30))
        m = jnp.max(ml, axis=1, keepdims=True)
        s = jnp.sum(jnp.exp(ml - m), axis=1, keepdims=True)
        lse = m + jnp.log(s)
        tsel = jnp.sum(jnp.where(col == t_ref[...], ml, 0.0), axis=1,
                       keepdims=True)
        out_ref[0, 0] = jnp.sum(lse - tsel)

    return pl.pallas_call(
        body,
        out_shape=jax.ShapeDtypeStruct((1, 1), jnp.float32),
        out_specs=pl.BlockSpec(memory_space=pltpu.SMEM),
    )(sums, targets2d, w_h, b_h2, w_o, b_o2)


def kernel(input_words, targets, emb_table, W_h, b_h, W_o, b_o):
    idx3 = input_words.reshape(NW, NCH, CH)
    table_p = _tc_pad_table(emb_table.T)
    sums = _sc_gather_sum(table_p, idx3)
    w_h_p = jnp.zeros((DP, H), W_h.dtype).at[:D].set(W_h)
    w_o_p = jnp.zeros((H, CP), W_o.dtype).at[:, :C].set(W_o)
    b_o_p = jnp.zeros((1, CP), b_o.dtype).at[0, :C].set(b_o)
    loss = _tc_head(sums, targets.reshape(B, 1).astype(jnp.int32),
                    w_h_p, b_h.reshape(1, H), w_o_p, b_o_p)
    return loss[0, 0]

# --- scband reference (transcript-rebuilt; emitter-appended) ---
"""Pipeline reference for scband-model-56805237457212 (READ-ONLY COPY).

The authoritative reference and input builder live on the scoring server;
editing this copy changes nothing except your own understanding.
"""

import jax, jax.numpy as jnp
import numpy as np

B, L = 1024, 200
V, D, H, C = 50003, 300, 256, 3


def setup_inputs(seed: int = 0) -> dict:
    key = jax.random.key(seed)
    k1, k2, k3, k4, k5, k6, k7 = jax.random.split(key, 7)
    input_words = jax.random.randint(k1, (B, L), 0, V, dtype=jnp.int32)
    targets = jax.random.randint(k2, (B,), 0, C, dtype=jnp.int32)
    emb_table = jax.random.normal(k3, (V, D), dtype=jnp.float32)
    W_h = jax.random.normal(k4, (D, H), dtype=jnp.float32) * (1.0 / np.sqrt(D))
    b_h = jnp.zeros((H,), dtype=jnp.float32)
    W_o = jax.random.normal(k5, (H, C), dtype=jnp.float32) * (1.0 / np.sqrt(H))
    b_o = jnp.zeros((C,), dtype=jnp.float32)
    return {"input_words": input_words, "targets": targets, "emb_table": emb_table,
            "W_h": W_h, "b_h": b_h, "W_o": W_o, "b_o": b_o}


def reference(input_words, targets, emb_table, W_h, b_h, W_o, b_o):
    # Embedding lookup (detached in the original torch code)
    words_layer = jnp.take(emb_table, input_words, axis=0)  # [B, L, D]
    words_layer = jax.lax.stop_gradient(words_layer)
    # Dropout is identity in eval mode
    representation = words_layer.mean(axis=1)  # [B, D]
    convolved = jnp.tanh(representation @ W_h + b_h)  # [B, H]
    predicted = convolved @ W_o + b_o  # [B, C]
    # CrossEntropyLoss(reduction='none') then .sum()
    logp = jax.nn.log_softmax(predicted, axis=-1)
    per_sample = -jnp.take_along_axis(logp, targets[:, None].astype(jnp.int32), axis=1)[:, 0]
    loss_sum = per_sample.sum()
    return loss_sum

if __name__ == "__main__":
    import jax
    _d = setup_inputs()
    print(jax.jit(kernel)(*tuple(_d.values())))

</pallas_src>

<mosaic_0001>
#map = affine_map<(d0, d1) -> (0, 0)>
#map1 = affine_map<(d0, d1) -> (0, 0, 0)>
module attributes {stable_mosaic.version = 14 : i64} {
  func.func @k(%arg0: i32, %arg1: i32, %arg2: memref<50003x384xf32, #tpu.memory_space<hbm>>, %arg3: memref<32x160x40xi32, #tpu.memory_space<hbm>>, %arg4: memref<1024x304xf32, #tpu.memory_space<hbm>>, %arg5: memref<160x40xi32, #tpu.memory_space<vmem>>, %arg6: memref<5x40x384xf32, #tpu.memory_space<vmem>>, %arg7: memref<32x304xf32, #tpu.memory_space<vmem>>, %arg8: memref<!tpu.dma_semaphore, #tpu.memory_space<semaphore_mem>>, %arg9: memref<!tpu.dma_semaphore, #tpu.memory_space<semaphore_mem>>, %arg10: memref<!tpu.dma_semaphore, #tpu.memory_space<semaphore_mem>>, %arg11: memref<!tpu.dma_semaphore, #tpu.memory_space<semaphore_mem>>, %arg12: memref<!tpu.dma_semaphore, #tpu.memory_space<semaphore_mem>>) attributes {dimension_semantics = [#tpu.dimension_semantics<core_parallel>, #tpu.dimension_semantics<subcore_parallel>], iteration_bounds = array<i64: 2, 16>, scalar_prefetch = 0 : i64, scratch_operands = 8 : i64, tpu.core_type = #tpu.core_type<sc_vector_subcore>, window_params = [{transform_indices = #map}, {transform_indices = #map1}, {transform_indices = #map}]} {
    %mul3A = arith.constant 2 : i32
    %mul3A_0 = arith.muli %arg1, %mul3A : i32
    %add3A = arith.addi %mul3A_0, %arg0 : i32
    "tpu.region"() ({
      %run_scoped3A = tpu.sem_alloc : memref<!tpu.dma_semaphore, #tpu.memory_space<semaphore_mem>>
      %dma_start3A_67 = arith.constant 0 : i32
      %dma_start3A_68 = arith.constant 0 : i32
      %dma_start3A_69 = tpu.memref_slice %arg3[%add3A, %dma_start3A_67, %dma_start3A_68] : memref<32x160x40xi32, #tpu.memory_space<hbm>> -> memref<1x160x40xi32, #tpu.memory_space<hbm>>
      %dma_start3A_70 = tpu.memref_squeeze %dma_start3A_69 : memref<1x160x40xi32, #tpu.memory_space<hbm>> -> memref<160x40xi32, #tpu.memory_space<hbm>>
      %dma_start3A_71 = arith.constant 0 : i32
      %dma_start3A_72 = arith.constant 0 : i32
      %dma_start3A_73 = tpu.memref_slice %arg3[%add3A, %dma_start3A_71, %dma_start3A_72] : memref<32x160x40xi32, #tpu.memory_space<hbm>> -> memref<1x160x40xi32, #tpu.memory_space<hbm>>
      %dma_start3A_74 = tpu.memref_squeeze %dma_start3A_73 : memref<1x160x40xi32, #tpu.memory_space<hbm>> -> memref<160x40xi32, #tpu.memory_space<hbm>>
      tpu.enqueue_dma source(%dma_start3A_74 : memref<160x40xi32, #tpu.memory_space<hbm>>) target(%arg5 : memref<160x40xi32, #tpu.memory_space<vmem>>) target_semaphore(%run_scoped3A : memref<!tpu.dma_semaphore, #tpu.memory_space<semaphore_mem>>)
      %dma_wait3A = arith.constant 0 : i32
      %dma_wait3A_75 = arith.constant 0 : i32
      %dma_wait3A_76 = tpu.memref_slice %arg3[%add3A, %dma_wait3A, %dma_wait3A_75] : memref<32x160x40xi32, #tpu.memory_space<hbm>> -> memref<1x160x40xi32, #tpu.memory_space<hbm>>
      %dma_wait3A_77 = tpu.memref_squeeze %dma_wait3A_76 : memref<1x160x40xi32, #tpu.memory_space<hbm>> -> memref<160x40xi32, #tpu.memory_space<hbm>>
      %dma_wait3A_78 = arith.constant 0 : i32
      %dma_wait3A_79 = arith.constant 0 : i32
      %dma_wait3A_80 = tpu.memref_slice %arg3[%add3A, %dma_wait3A_78, %dma_wait3A_79] : memref<32x160x40xi32, #tpu.memory_space<hbm>> -> memref<1x160x40xi32, #tpu.memory_space<hbm>>
      %dma_wait3A_81 = tpu.memref_squeeze %dma_wait3A_80 : memref<1x160x40xi32, #tpu.memory_space<hbm>> -> memref<160x40xi32, #tpu.memory_space<hbm>>
      tpu.wait_dma2 semaphore(%run_scoped3A : memref<!tpu.dma_semaphore, #tpu.memory_space<semaphore_mem>>) src(%dma_wait3A_81 : memref<160x40xi32, #tpu.memory_space<hbm>>) dst(%arg5 : memref<160x40xi32, #tpu.memory_space<vmem>>)
      tpu.yield
    }) : () -> ()
    %dma_start3A = arith.constant 0 : i32
    %dma_start3A_1 = arith.constant 0 : i32
    %dma_start3A_2 = arith.constant 0 : i32
    %dma_start3A_3 = arith.constant 0 : i32
    %dma_start3A_4 = tpu.memref_slice %arg6[%dma_start3A_1, %dma_start3A_2, %dma_start3A_3] : memref<5x40x384xf32, #tpu.memory_space<vmem>> -> memref<1x40x384xf32, #tpu.memory_space<vmem>>
    %dma_start3A_5 = tpu.memref_squeeze %dma_start3A_4 : memref<1x40x384xf32, #tpu.memory_space<vmem>> -> memref<40x384xf32, #tpu.memory_space<vmem>>
    %dma_start3A_6 = arith.constant 0 : i32
    %dma_start3A_7 = tpu.memref_slice %arg5[%dma_start3A, %dma_start3A_6] : memref<160x40xi32, #tpu.memory_space<vmem>> -> memref<1x40xi32, #tpu.memory_space<vmem>>
    %dma_start3A_8 = tpu.memref_squeeze %dma_start3A_7 : memref<1x40xi32, #tpu.memory_space<vmem>> -> memref<40xi32, #tpu.memory_space<vmem>>
    %dma_start3A_9 = arith.constant 0 : i32
    %dma_start3A_10 = arith.constant 0 : i32
    %dma_start3A_11 = tpu.memref_slice %arg2[%dma_start3A_9, %dma_start3A_10] : memref<50003x384xf32, #tpu.memory_space<hbm>> -> memref<50003x384xf32, #tpu.memory_space<hbm>>
    tpu.enqueue_indirect_dma source(%dma_start3A_11 : memref<50003x384xf32, #tpu.memory_space<hbm>>) target(%dma_start3A_5 : memref<40x384xf32, #tpu.memory_space<vmem>>) offsets(%dma_start3A_8 : memref<40xi32, #tpu.memory_space<vmem>>) semaphore(%arg8 : memref<!tpu.dma_semaphore, #tpu.memory_space<semaphore_mem>>)
    %dma_start3A_12 = arith.constant 1 : i32
    %dma_start3A_13 = arith.constant 1 : i32
    %dma_start3A_14 = arith.constant 0 : i32
    %dma_start3A_15 = arith.constant 0 : i32
    %dma_start3A_16 = tpu.memref_slice %arg6[%dma_start3A_13, %dma_start3A_14, %dma_start3A_15] : memref<5x40x384xf32, #tpu.memory_space<vmem>> -> memref<1x40x384xf32, #tpu.memory_space<vmem>>
    %dma_start3A_17 = tpu.memref_squeeze %dma_start3A_16 : memref<1x40x384xf32, #tpu.memory_space<vmem>> -> memref<40x384xf32, #tpu.memory_space<vmem>>
    %dma_start3A_18 = arith.constant 0 : i32
    %dma_start3A_19 = tpu.memref_slice %arg5[%dma_start3A_12, %dma_start3A_18] : memref<160x40xi32, #tpu.memory_space<vmem>> -> memref<1x40xi32, #tpu.memory_space<vmem>>
    %dma_start3A_20 = tpu.memref_squeeze %dma_start3A_19 : memref<1x40xi32, #tpu.memory_space<vmem>> -> memref<40xi32, #tpu.memory_space<vmem>>
    %dma_start3A_21 = arith.constant 0 : i32
    %dma_start3A_22 = arith.constant 0 : i32
    %dma_start3A_23 = tpu.memref_slice %arg2[%dma_start3A_21, %dma_start3A_22] : memref<50003x384xf32, #tpu.memory_space<hbm>> -> memref<50003x384xf32, #tpu.memory_space<hbm>>
    tpu.enqueue_indirect_dma source(%dma_start3A_23 : memref<50003x384xf32, #tpu.memory_space<hbm>>) target(%dma_start3A_17 : memref<40x384xf32, #tpu.memory_space<vmem>>) offsets(%dma_start3A_20 : memref<40xi32, #tpu.memory_space<vmem>>) semaphore(%arg9 : memref<!tpu.dma_semaphore, #tpu.memory_space<semaphore_mem>>)
    %dma_start3A_24 = arith.constant 2 : i32
    %dma_start3A_25 = arith.constant 2 : i32
    %dma_start3A_26 = arith.constant 0 : i32
    %dma_start3A_27 = arith.constant 0 : i32
    %dma_start3A_28 = tpu.memref_slice %arg6[%dma_start3A_25, %dma_start3A_26, %dma_start3A_27] : memref<5x40x384xf32, #tpu.memory_space<vmem>> -> memref<1x40x384xf32, #tpu.memory_space<vmem>>
    %dma_start3A_29 = tpu.memref_squeeze %dma_start3A_28 : memref<1x40x384xf32, #tpu.memory_space<vmem>> -> memref<40x384xf32, #tpu.memory_space<vmem>>
    %dma_start3A_30 = arith.constant 0 : i32
    %dma_start3A_31 = tpu.memref_slice %arg5[%dma_start3A_24, %dma_start3A_30] : memref<160x40xi32, #tpu.memory_space<vmem>> -> memref<1x40xi32, #tpu.memory_space<vmem>>
    %dma_start3A_32 = tpu.memref_squeeze %dma_start3A_31 : memref<1x40xi32, #tpu.memory_space<vmem>> -> memref<40xi32, #tpu.memory_space<vmem>>
    %dma_start3A_33 = arith.constant 0 : i32
    %dma_start3A_34 = arith.constant 0 : i32
    %dma_start3A_35 = tpu.memref_slice %arg2[%dma_start3A_33, %dma_start3A_34] : memref<50003x384xf32, #tpu.memory_space<hbm>> -> memref<50003x384xf32, #tpu.memory_space<hbm>>
    tpu.enqueue_indirect_dma source(%dma_start3A_35 : memref<50003x384xf32, #tpu.memory_space<hbm>>) target(%dma_start3A_29 : memref<40x384xf32, #tpu.memory_space<vmem>>) offsets(%dma_start3A_32 : memref<40xi32, #tpu.memory_space<vmem>>) semaphore(%arg10 : memref<!tpu.dma_semaphore, #tpu.memory_space<semaphore_mem>>)
    %dma_start3A_36 = arith.constant 3 : i32
    %dma_start3A_37 = arith.constant 3 : i32
    %dma_start3A_38 = arith.constant 0 : i32
    %dma_start3A_39 = arith.constant 0 : i32
    %dma_start3A_40 = tpu.memref_slice %arg6[%dma_start3A_37, %dma_start3A_38, %dma_start3A_39] : memref<5x40x384xf32, #tpu.memory_space<vmem>> -> memref<1x40x384xf32, #tpu.memory_space<vmem>>
    %dma_start3A_41 = tpu.memref_squeeze %dma_start3A_40 : memref<1x40x384xf32, #tpu.memory_space<vmem>> -> memref<40x384xf32, #tpu.memory_space<vmem>>
    %dma_start3A_42 = arith.constant 0 : i32
    %dma_start3A_43 = tpu.memref_slice %arg5[%dma_start3A_36, %dma_start3A_42] : memref<160x40xi32, #tpu.memory_space<vmem>> -> memref<1x40xi32, #tpu.memory_space<vmem>>
    %dma_start3A_44 = tpu.memref_squeeze %dma_start3A_43 : memref<1x40xi32, #tpu.memory_space<vmem>> -> memref<40xi32, #tpu.memory_space<vmem>>
    %dma_start3A_45 = arith.constant 0 : i32
    %dma_start3A_46 = arith.constant 0 : i32
    %dma_start3A_47 = tpu.memref_slice %arg2[%dma_start3A_45, %dma_start3A_46] : memref<50003x384xf32, #tpu.memory_space<hbm>> -> memref<50003x384xf32, #tpu.memory_space<hbm>>
    tpu.enqueue_indirect_dma source(%dma_start3A_47 : memref<50003x384xf32, #tpu.memory_space<hbm>>) target(%dma_start3A_41 : memref<40x384xf32, #tpu.memory_space<vmem>>) offsets(%dma_start3A_44 : memref<40xi32, #tpu.memory_space<vmem>>) semaphore(%arg11 : memref<!tpu.dma_semaphore, #tpu.memory_space<semaphore_mem>>)
    %dma_start3A_48 = arith.constant 4 : i32
    %dma_start3A_49 = arith.constant 4 : i32
    %dma_start3A_50 = arith.constant 0 : i32
    %dma_start3A_51 = arith.constant 0 : i32
    %dma_start3A_52 = tpu.memref_slice %arg6[%dma_start3A_49, %dma_start3A_50, %dma_start3A_51] : memref<5x40x384xf32, #tpu.memory_space<vmem>> -> memref<1x40x384xf32, #tpu.memory_space<vmem>>
    %dma_start3A_53 = tpu.memref_squeeze %dma_start3A_52 : memref<1x40x384xf32, #tpu.memory_space<vmem>> -> memref<40x384xf32, #tpu.memory_space<vmem>>
    %dma_start3A_54 = arith.constant 0 : i32
    %dma_start3A_55 = tpu.memref_slice %arg5[%dma_start3A_48, %dma_start3A_54] : memref<160x40xi32, #tpu.memory_space<vmem>> -> memref<1x40xi32, #tpu.memory_space<vmem>>
    %dma_start3A_56 = tpu.memref_squeeze %dma_start3A_55 : memref<1x40xi32, #tpu.memory_space<vmem>> -> memref<40xi32, #tpu.memory_space<vmem>>
    %dma_start3A_57 = arith.constant 0 : i32
    %dma_start3A_58 = arith.constant 0 : i32
    %dma_start3A_59 = tpu.memref_slice %arg2[%dma_start3A_57, %dma_start3A_58] : memref<50003x384xf32, #tpu.memory_space<hbm>> -> memref<50003x384xf32, #tpu.memory_space<hbm>>
    tpu.enqueue_indirect_dma source(%dma_start3A_59 : memref<50003x384xf32, #tpu.memory_space<hbm>>) target(%dma_start3A_53 : memref<40x384xf32, #tpu.memory_space<vmem>>) offsets(%dma_start3A_56 : memref<40xi32, #tpu.memory_space<vmem>>) semaphore(%arg12 : memref<!tpu.dma_semaphore, #tpu.memory_space<semaphore_mem>>)
    %scan3A = arith.constant 0 : i32
    %scan3A_60 = arith.constant 0 : i32
    %scan3A_61 = arith.constant 32 : i32
    %scan3A_62 = arith.addi %scan3A_60, %scan3A_61 : i32
    %scan3A_63 = arith.constant 1 : i32
    scf.for %scan3A_67 = %scan3A_60 to %scan3A_62 step %scan3A_63  : i32 {
      %mul3A_68 = arith.constant 5 : i32
      %mul3A_69 = arith.muli %scan3A_67, %mul3A_68 : i32
      %add3A_70 = arith.constant 0 : i32
      %add3A_71 = arith.addi %mul3A_69, %add3A_70 : i32
      %dma_wait3A = arith.constant 0 : i32
      %dma_wait3A_72 = arith.constant 0 : i32
      %dma_wait3A_73 = arith.constant 0 : i32
      %dma_wait3A_74 = tpu.memref_slice %arg6[%dma_wait3A, %dma_wait3A_72, %dma_wait3A_73] : memref<5x40x384xf32, #tpu.memory_space<vmem>> -> memref<1x40x384xf32, #tpu.memory_space<vmem>>
      %dma_wait3A_75 = tpu.memref_squeeze %dma_wait3A_74 : memref<1x40x384xf32, #tpu.memory_space<vmem>> -> memref<40x384xf32, #tpu.memory_space<vmem>>
      %dma_wait3A_76 = arith.constant 0 : i32
      %dma_wait3A_77 = tpu.memref_slice %arg5[%add3A_71, %dma_wait3A_76] : memref<160x40xi32, #tpu.memory_space<vmem>> -> memref<1x40xi32, #tpu.memory_space<vmem>>
      %dma_wait3A_78 = tpu.memref_squeeze %dma_wait3A_77 : memref<1x40xi32, #tpu.memory_space<vmem>> -> memref<40xi32, #tpu.memory_space<vmem>>
      %dma_wait3A_79 = arith.constant 0 : i32
      %dma_wait3A_80 = arith.constant 0 : i32
      %dma_wait3A_81 = tpu.memref_slice %arg2[%dma_wait3A_79, %dma_wait3A_80] : memref<50003x384xf32, #tpu.memory_space<hbm>> -> memref<50003x384xf32, #tpu.memory_space<hbm>>
      tpu.wait_indirect_dma semaphore(%arg8 : memref<!tpu.dma_semaphore, #tpu.memory_space<semaphore_mem>>) src(%dma_wait3A_81 : memref<50003x384xf32, #tpu.memory_space<hbm>>) dst(%dma_wait3A_75 : memref<40x384xf32, #tpu.memory_space<vmem>>)
      %broadcast_in_dim3A = arith.constant 0.000000e+00 : f32
      %broadcast_in_dim3A_82 = vector.broadcast %broadcast_in_dim3A : f32 to vector<16xf32>
      %broadcast_in_dim3A_83 = arith.constant 0.000000e+00 : f32
      %broadcast_in_dim3A_84 = vector.broadcast %broadcast_in_dim3A_83 : f32 to vector<16xf32>
      %broadcast_in_dim3A_85 = arith.constant 0.000000e+00 : f32
      %broadcast_in_dim3A_86 = vector.broadcast %broadcast_in_dim3A_85 : f32 to vector<16xf32>
      %broadcast_in_dim3A_87 = arith.constant 0.000000e+00 : f32
      %broadcast_in_dim3A_88 = vector.broadcast %broadcast_in_dim3A_87 : f32 to vector<16xf32>
      %broadcast_in_dim3A_89 = arith.constant 0.000000e+00 : f32
      %broadcast_in_dim3A_90 = vector.broadcast %broadcast_in_dim3A_89 : f32 to vector<16xf32>
      %broadcast_in_dim3A_91 = arith.constant 0.000000e+00 : f32
      %broadcast_in_dim3A_92 = vector.broadcast %broadcast_in_dim3A_91 : f32 to vector<16xf32>
      %broadcast_in_dim3A_93 = arith.constant 0.000000e+00 : f32
      %broadcast_in_dim3A_94 = vector.broadcast %broadcast_in_dim3A_93 : f32 to vector<16xf32>
      %broadcast_in_dim3A_95 = arith.constant 0.000000e+00 : f32
      %broadcast_in_dim3A_96 = vector.broadcast %broadcast_in_dim3A_95 : f32 to vector<16xf32>
      %broadcast_in_dim3A_97 = arith.constant 0.000000e+00 : f32
      %broadcast_in_dim3A_98 = vector.broadcast %broadcast_in_dim3A_97 : f32 to vector<16xf32>
      %broadcast_in_dim3A_99 = arith.constant 0.000000e+00 : f32
      %broadcast_in_dim3A_100 = vector.broadcast %broadcast_in_dim3A_99 : f32 to vector<16xf32>
      %broadcast_in_dim3A_101 = arith.constant 0.000000e+00 : f32
      %broadcast_in_dim3A_102 = vector.broadcast %broadcast_in_dim3A_101 : f32 to vector<16xf32>
      %broadcast_in_dim3A_103 = arith.constant 0.000000e+00 : f32
      %broadcast_in_dim3A_104 = vector.broadcast %broadcast_in_dim3A_103 : f32 to vector<16xf32>
      %broadcast_in_dim3A_105 = arith.constant 0.000000e+00 : f32
      %broadcast_in_dim3A_106 = vector.broadcast %broadcast_in_dim3A_105 : f32 to vector<16xf32>
      %broadcast_in_dim3A_107 = arith.constant 0.000000e+00 : f32
      %broadcast_in_dim3A_108 = vector.broadcast %broadcast_in_dim3A_107 : f32 to vector<16xf32>
      %broadcast_in_dim3A_109 = arith.constant 0.000000e+00 : f32
      %broadcast_in_dim3A_110 = vector.broadcast %broadcast_in_dim3A_109 : f32 to vector<16xf32>
      %broadcast_in_dim3A_111 = arith.constant 0.000000e+00 : f32
      %broadcast_in_dim3A_112 = vector.broadcast %broadcast_in_dim3A_111 : f32 to vector<16xf32>
      %broadcast_in_dim3A_113 = arith.constant 0.000000e+00 : f32
      %broadcast_in_dim3A_114 = vector.broadcast %broadcast_in_dim3A_113 : f32 to vector<16xf32>
      %broadcast_in_dim3A_115 = arith.constant 0.000000e+00 : f32
      %broadcast_in_dim3A_116 = vector.broadcast %broadcast_in_dim3A_115 : f32 to vector<16xf32>
      %broadcast_in_dim3A_117 = arith.constant 0.000000e+00 : f32
      %broadcast_in_dim3A_118 = vector.broadcast %broadcast_in_dim3A_117 : f32 to vector<16xf32>
      %scan3A_119 = arith.constant 0 : i32
      %scan3A_120 = arith.constant 40 : i32
      %scan3A_121 = arith.addi %scan3A_119, %scan3A_120 : i32
      %scan3A_122 = arith.constant 2 : i32
      %scan3A_123:19 = scf.for %scan3A_331 = %scan3A_119 to %scan3A_121 step %scan3A_122 iter_args(%scan3A_332 = %broadcast_in_dim3A_82, %scan3A_333 = %broadcast_in_dim3A_84, %scan3A_334 = %broadcast_in_dim3A_86, %scan3A_335 = %broadcast_in_dim3A_88, %scan3A_336 = %broadcast_in_dim3A_90, %scan3A_337 = %broadcast_in_dim3A_92, %scan3A_338 = %broadcast_in_dim3A_94, %scan3A_339 = %broadcast_in_dim3A_96, %scan3A_340 = %broadcast_in_dim3A_98, %scan3A_341 = %broadcast_in_dim3A_100, %scan3A_342 = %broadcast_in_dim3A_102, %scan3A_343 = %broadcast_in_dim3A_104, %scan3A_344 = %broadcast_in_dim3A_106, %scan3A_345 = %broadcast_in_dim3A_108, %scan3A_346 = %broadcast_in_dim3A_110, %scan3A_347 = %broadcast_in_dim3A_112, %scan3A_348 = %broadcast_in_dim3A_114, %scan3A_349 = %broadcast_in_dim3A_116, %scan3A_350 = %broadcast_in_dim3A_118) -> (vector<16xf32>, vector<16xf32>, vector<16xf32>, vector<16xf32>, vector<16xf32>, vector<16xf32>, vector<16xf32>, vector<16xf32>, vector<16xf32>, vector<16xf32>, vector<16xf32>, vector<16xf32>, vector<16xf32>, vector<16xf32>, vector<16xf32>, vector<16xf32>, vector<16xf32>, vector<16xf32>, vector<16xf32>)  : i32 {
        %get3A = arith.constant 0 : i32
        %get3A_351 = arith.index_cast %get3A : i32 to index
        %get3A_352 = arith.index_cast %scan3A_331 : i32 to index
        %get3A_353 = arith.constant 0 : index
        %get3A_354 = tpu.vector_load %arg6[%get3A_351, %get3A_352, %get3A_353] {strides = array<i32>} : memref<5x40x384xf32, #tpu.memory_space<vmem>>, vector<1x1x16xf32>,
        %get3A_355 = vector.shape_cast %get3A_354 : vector<1x1x16xf32> to vector<16xf32>
        %add3A_356 = arith.addf %scan3A_332, %get3A_355 : vector<16xf32>
        %get3A_357 = arith.constant 0 : i32
        %get3A_358 = arith.index_cast %get3A_357 : i32 to index
        %get3A_359 = arith.index_cast %scan3A_331 : i32 to index
        %get3A_360 = arith.constant 16 : index
        %get3A_361 = tpu.vector_load %arg6[%get3A_358, %get3A_359, %get3A_360] {strides = array<i32>} : memref<5x40x384xf32, #tpu.memory_space<vmem>>, vector<1x1x16xf32>,
        %get3A_362 = vector.shape_cast %get3A_361 : vector<1x1x16xf32> to vector<16xf32>
        %add3A_363 = arith.addf %scan3A_333, %get3A_362 : vector<16xf32>
        %get3A_364 = arith.constant 0 : i32
        %get3A_365 = arith.index_cast %get3A_364 : i32 to index
        %get3A_366 = arith.index_cast %scan3A_331 : i32 to index
        %get3A_367 = arith.constant 32 : index
        %get3A_368 = tpu.vector_load %arg6[%get3A_365, %get3A_366, %get3A_367] {strides = array<i32>} : memref<5x40x384xf32, #tpu.memory_space<vmem>>, vector<1x1x16xf32>,
        %get3A_369 = vector.shape_cast %get3A_368 : vector<1x1x16xf32> to vector<16xf32>
        %add3A_370 = arith.addf %scan3A_334, %get3A_369 : vector<16xf32>
        %get3A_371 = arith.constant 0 : i32
        %get3A_372 = arith.index_cast %get3A_371 : i32 to index
        %get3A_373 = arith.index_cast %scan3A_331 : i32 to index
        %get3A_374 = arith.constant 48 : index
        %get3A_375 = tpu.vector_load %arg6[%get3A_372, %get3A_373, %get3A_374] {strides = array<i32>} : memref<5x40x384xf32, #tpu.memory_space<vmem>>, vector<1x1x16xf32>,
        %get3A_376 = vector.shape_cast %get3A_375 : vector<1x1x16xf32> to vector<16xf32>
        %add3A_377 = arith.addf %scan3A_335, %get3A_376 : vector<16xf32>
        %get3A_378 = arith.constant 0 : i32
        %get3A_379 = arith.index_cast %get3A_378 : i32 to index
        %get3A_380 = arith.index_cast %scan3A_331 : i32 to index
        %get3A_381 = arith.constant 64 : index
        %get3A_382 = tpu.vector_load %arg6[%get3A_379, %get3A_380, %get3A_381] {strides = array<i32>} : memref<5x40x384xf32, #tpu.memory_space<vmem>>, vector<1x1x16xf32>,
        %get3A_383 = vector.shape_cast %get3A_382 : vector<1x1x16xf32> to vector<16xf32>
        %add3A_384 = arith.addf %scan3A_336, %get3A_383 : vector<16xf32>
        %get3A_385 = arith.constant 0 : i32
        %get3A_386 = arith.index_cast %get3A_385 : i32 to index
        %get3A_387 = arith.index_cast %scan3A_331 : i32 to index
        %get3A_388 = arith.constant 80 : index
        %get3A_389 = tpu.vector_load %arg6[%get3A_386, %get3A_387, %get3A_388] {strides = array<i32>} : memref<5x40x384xf32, #tpu.memory_space<vmem>>, vector<1x1x16xf32>,
        %get3A_390 = vector.shape_cast %get3A_389 : vector<1x1x16xf32> to vector<16xf32>
        %add3A_391 = arith.addf %scan3A_337, %get3A_390 : vector<16xf32>
        %get3A_392 = arith.constant 0 : i32
        %get3A_393 = arith.index_cast %get3A_392 : i32 to index
        %get3A_394 = arith.index_cast %scan3A_331 : i32 to index
        %get3A_395 = arith.constant 96 : index
        %get3A_396 = tpu.vector_load %arg6[%get3A_393, %get3A_394, %get3A_395] {strides = array<i32>} : memref<5x40x384xf32, #tpu.memory_space<vmem>>, vector<1x1x16xf32>,
        %get3A_397 = vector.shape_cast %get3A_396 : vector<1x1x16xf32> to vector<16xf32>
        %add3A_398 = arith.addf %scan3A_338, %get3A_397 : vector<16xf32>
        %get3A_399 = arith.constant 0 : i32
        %get3A_400 = arith.index_cast %get3A_399 : i32 to index
        %get3A_401 = arith.index_cast %scan3A_331 : i32 to index
        %get3A_402 = arith.constant 112 : index
        %get3A_403 = tpu.vector_load %arg6[%get3A_400, %get3A_401, %get3A_402] {strides = array<i32>} : memref<5x40x384xf32, #tpu.memory_space<vmem>>, vector<1x1x16xf32>,
        %get3A_404 = vector.shape_cast %get3A_403 : vector<1x1x16xf32> to vector<16xf32>
        %add3A_405 = arith.addf %scan3A_339, %get3A_404 : vector<16xf32>
        %get3A_406 = arith.constant 0 : i32
        %get3A_407 = arith.index_cast %get3A_406 : i32 to index
        %get3A_408 = arith.index_cast %scan3A_331 : i32 to index
        %get3A_409 = arith.constant 128 : index
        %get3A_410 = tpu.vector_load %arg6[%get3A_407, %get3A_408, %get3A_409] {strides = array<i32>} : memref<5x40x384xf32, #tpu.memory_space<vmem>>, vector<1x1x16xf32>,
        %get3A_411 = vector.shape_cast %get3A_410 : vector<1x1x16xf32> to vector<16xf32>
        %add3A_412 = arith.addf %scan3A_340, %get3A_411 : vector<16xf32>
        %get3A_413 = arith.constant 0 : i32
        %get3A_414 = arith.index_cast %get3A_413 : i32 to index
        %get3A_415 = arith.index_cast %scan3A_331 : i32 to index
        %get3A_416 = arith.constant 144 : index
        %get3A_417 = tpu.vector_load %arg6[%get3A_414, %get3A_415, %get3A_416] {strides = array<i32>} : memref<5x40x384xf32, #tpu.memory_space<vmem>>, vector<1x1x16xf32>,
        %get3A_418 = vector.shape_cast %get3A_417 : vector<1x1x16xf32> to vector<16xf32>
        %add3A_419 = arith.addf %scan3A_341, %get3A_418 : vector<16xf32>
        %get3A_420 = arith.constant 0 : i32
        %get3A_421 = arith.index_cast %get3A_420 : i32 to index
        %get3A_422 = arith.index_cast %scan3A_331 : i32 to index
        %get3A_423 = arith.constant 160 : index
        %get3A_424 = tpu.vector_load %arg6[%get3A_421, %get3A_422, %get3A_423] {strides = array<i32>} : memref<5x40x384xf32, #tpu.memory_space<vmem>>, vector<1x1x16xf32>,
        %get3A_425 = vector.shape_cast %get3A_424 : vector<1x1x16xf32> to vector<16xf32>
        %add3A_426 = arith.addf %scan3A_342, %get3A_425 : vector<16xf32>
        %get3A_427 = arith.constant 0 : i32
        %get3A_428 = arith.index_cast %get3A_427 : i32 to index
        %get3A_429 = arith.index_cast %scan3A_331 : i32 to index
        %get3A_430 = arith.constant 176 : index
        %get3A_431 = tpu.vector_load %arg6[%get3A_428, %get3A_429, %get3A_430] {strides = array<i32>} : memref<5x40x384xf32, #tpu.memory_space<vmem>>, vector<1x1x16xf32>,
        %get3A_432 = vector.shape_cast %get3A_431 : vector<1x1x16xf32> to vector<16xf32>
        %add3A_433 = arith.addf %scan3A_343, %get3A_432 : vector<16xf32>
        %get3A_434 = arith.constant 0 : i32
        %get3A_435 = arith.index_cast %get3A_434 : i32 to index
        %get3A_436 = arith.index_cast %scan3A_331 : i32 to index
        %get3A_437 = arith.constant 192 : index
        %get3A_438 = tpu.vector_load %arg6[%get3A_435, %get3A_436, %get3A_437] {strides = array<i32>} : memref<5x40x384xf32, #tpu.memory_space<vmem>>, vector<1x1x16xf32>,
        %get3A_439 = vector.shape_cast %get3A_438 : vector<1x1x16xf32> to vector<16xf32>
        %add3A_440 = arith.addf %scan3A_344, %get3A_439 : vector<16xf32>
        %get3A_441 = arith.constant 0 : i32
        %get3A_442 = arith.index_cast %get3A_441 : i32 to index
        %get3A_443 = arith.index_cast %scan3A_331 : i32 to index
        %get3A_444 = arith.constant 208 : index
        %get3A_445 = tpu.vector_load %arg6[%get3A_442, %get3A_443, %get3A_444] {strides = array<i32>} : memref<5x40x384xf32, #tpu.memory_space<vmem>>, vector<1x1x16xf32>,
        %get3A_446 = vector.shape_cast %get3A_445 : vector<1x1x16xf32> to vector<16xf32>
        %add3A_447 = arith.addf %scan3A_345, %get3A_446 : vector<16xf32>
        %get3A_448 = arith.constant 0 : i32
        %get3A_449 = arith.index_cast %get3A_448 : i32 to index
        %get3A_450 = arith.index_cast %scan3A_331 : i32 to index
        %get3A_451 = arith.constant 224 : index
        %get3A_452 = tpu.vector_load %arg6[%get3A_449, %get3A_450, %get3A_451] {strides = array<i32>} : memref<5x40x384xf32, #tpu.memory_space<vmem>>, vector<1x1x16xf32>,
        %get3A_453 = vector.shape_cast %get3A_452 : vector<1x1x16xf32> to vector<16xf32>
        %add3A_454 = arith.addf %scan3A_346, %get3A_453 : vector<16xf32>
        %get3A_455 = arith.constant 0 : i32
        %get3A_456 = arith.index_cast %get3A_455 : i32 to index
        %get3A_457 = arith.index_cast %scan3A_331 : i32 to index
        %get3A_458 = arith.constant 240 : index
        %get3A_459 = tpu.vector_load %arg6[%get3A_456, %get3A_457, %get3A_458] {strides = array<i32>} : memref<5x40x384xf32, #tpu.memory_space<vmem>>, vector<1x1x16xf32>,
        %get3A_460 = vector.shape_cast %get3A_459 : vector<1x1x16xf32> to vector<16xf32>
        %add3A_461 = arith.addf %scan3A_347, %get3A_460 : vector<16xf32>
        %get3A_462 = arith.constant 0 : i32
        %get3A_463 = arith.index_cast %get3A_462 : i32 to index
        %get3A_464 = arith.index_cast %scan3A_331 : i32 to index
        %get3A_465 = arith.constant 256 : index
        %get3A_466 = tpu.vector_load %arg6[%get3A_463, %get3A_464, %get3A_465] {strides = array<i32>} : memref<5x40x384xf32, #tpu.memory_space<vmem>>, vector<1x1x16xf32>,
        %get3A_467 = vector.shape_cast %get3A_466 : vector<1x1x16xf32> to vector<16xf32>
        %add3A_468 = arith.addf %scan3A_348, %get3A_467 : vector<16xf32>
        %get3A_469 = arith.constant 0 : i32
        %get3A_470 = arith.index_cast %get3A_469 : i32 to index
        %get3A_471 = arith.index_cast %scan3A_331 : i32 to index
        %get3A_472 = arith.constant 272 : index
        %get3A_473 = tpu.vector_load %arg6[%get3A_470, %get3A_471, %get3A_472] {strides = array<i32>} : memref<5x40x384xf32, #tpu.memory_space<vmem>>, vector<1x1x16xf32>,
        %get3A_474 = vector.shape_cast %get3A_473 : vector<1x1x16xf32> to vector<16xf32>
        %add3A_475 = arith.addf %scan3A_349, %get3A_474 : vector<16xf32>
        %get3A_476 = arith.constant 0 : i32
        %get3A_477 = arith.index_cast %get3A_476 : i32 to index
        %get3A_478 = arith.index_cast %scan3A_331 : i32 to index
        %get3A_479 = arith.constant 288 : index
        %get3A_480 = tpu.vector_load %arg6[%get3A_477, %get3A_478, %get3A_479] {strides = array<i32>} : memref<5x40x384xf32, #tpu.memory_space<vmem>>, vector<1x1x16xf32>,
        %get3A_481 = vector.shape_cast %get3A_480 : vector<1x1x16xf32> to vector<16xf32>
        %add3A_482 = arith.addf %scan3A_350, %get3A_481 : vector<16xf32>
        %scan3A_483 = arith.constant 1 : i32
        %scan3A_484 = arith.addi %scan3A_331, %scan3A_483 : i32
        %get3A_485 = arith.constant 0 : i32
        %get3A_486 = arith.index_cast %get3A_485 : i32 to index
        %get3A_487 = arith.index_cast %scan3A_484 : i32 to index
        %get3A_488 = arith.constant 0 : index
        %get3A_489 = tpu.vector_load %arg6[%get3A_486, %get3A_487, %get3A_488] {strides = array<i32>} : memref<5x40x384xf32, #tpu.memory_space<vmem>>, vector<1x1x16xf32>,
        %get3A_490 = vector.shape_cast %get3A_489 : vector<1x1x16xf32> to vector<16xf32>
        %add3A_491 = arith.addf %add3A_356, %get3A_490 : vector<16xf32>
        %get3A_492 = arith.constant 0 : i32
        %get3A_493 = arith.index_cast %get3A_492 : i32 to index
        %get3A_494 = arith.index_cast %scan3A_484 : i32 to index
        %get3A_495 = arith.constant 16 : index
        %get3A_496 = tpu.vector_load %arg6[%get3A_493, %get3A_494, %get3A_495] {strides = array<i32>} : memref<5x40x384xf32, #tpu.memory_space<vmem>>, vector<1x1x16xf32>,
        %get3A_497 = vector.shape_cast %get3A_496 : vector<1x1x16xf32> to vector<16xf32>
        %add3A_498 = arith.addf %add3A_363, %get3A_497 : vector<16xf32>
        %get3A_499 = arith.constant 0 : i32
        %get3A_500 = arith.index_cast %get3A_499 : i32 to index
        %get3A_501 = arith.index_cast %scan3A_484 : i32 to index
        %get3A_502 = arith.constant 32 : index
        %get3A_503 = tpu.vector_load %arg6[%get3A_500, %get3A_501, %get3A_502] {strides = array<i32>} : memref<5x40x384xf32, #tpu.memory_space<vmem>>, vector<1x1x16xf32>,
        %get3A_504 = vector.shape_cast %get3A_503 : vector<1x1x16xf32> to vector<16xf32>
        %add3A_505 = arith.addf %add3A_370, %get3A_504 : vector<16xf32>
        %get3A_506 = arith.constant 0 : i32
        %get3A_507 = arith.index_cast %get3A_506 : i32 to index
        %get3A_508 = arith.index_cast %scan3A_484 : i32 to index
        %get3A_509 = arith.constant 48 : index
        %get3A_510 = tpu.vector_load %arg6[%get3A_507, %get3A_508, %get3A_509] {strides = array<i32>} : memref<5x40x384xf32, #tpu.memory_space<vmem>>, vector<1x1x16xf32>,
        %get3A_511 = vector.shape_cast %get3A_510 : vector<1x1x16xf32> to vector<16xf32>
        %add3A_512 = arith.addf %add3A_377, %get3A_511 : vector<16xf32>
        %get3A_513 = arith.constant 0 : i32
        %get3A_514 = arith.index_cast %get3A_513 : i32 to index
        %get3A_515 = arith.index_cast %scan3A_484 : i32 to index
        %get3A_516 = arith.constant 64 : index
        %get3A_517 = tpu.vector_load %arg6[%get3A_514, %get3A_515, %get3A_516] {strides = array<i32>} : memref<5x40x384xf32, #tpu.memory_space<vmem>>, vector<1x1x16xf32>,
        %get3A_518 = vector.shape_cast %get3A_517 : vector<1x1x16xf32> to vector<16xf32>
        %add3A_519 = arith.addf %add3A_384, %get3A_518 : vector<16xf32>
        %get3A_520 = arith.constant 0 : i32
        %get3A_521 = arith.index_cast %get3A_520 : i32 to index
        %get3A_522 = arith.index_cast %scan3A_484 : i32 to index
        %get3A_523 = arith.constant 80 : index
        %get3A_524 = tpu.vector_load %arg6[%get3A_521, %get3A_522, %get3A_523] {strides = array<i32>} : memref<5x40x384xf32, #tpu.memory_space<vmem>>, vector<1x1x16xf32>,
        %get3A_525 = vector.shape_cast %get3A_524 : vector<1x1x16xf32> to vector<16xf32>
        %add3A_526 = arith.addf %add3A_391, %get3A_525 : vector<16xf32>
        %get3A_527 = arith.constant 0 : i32
        %get3A_528 = arith.index_cast %get3A_527 : i32 to index
        %get3A_529 = arith.index_cast %scan3A_484 : i32 to index
        %get3A_530 = arith.constant 96 : index
        %get3A_531 = tpu.vector_load %arg6[%get3A_528, %get3A_529, %get3A_530] {strides = array<i32>} : memref<5x40x384xf32, #tpu.memory_space<vmem>>, vector<1x1x16xf32>,
        %get3A_532 = vector.shape_cast %get3A_531 : vector<1x1x16xf32> to vector<16xf32>
        %add3A_533 = arith.addf %add3A_398, %get3A_532 : vector<16xf32>
        %get3A_534 = arith.constant 0 : i32
        %get3A_535 = arith.index_cast %get3A_534 : i32 to index
        %get3A_536 = arith.index_cast %scan3A_484 : i32 to index
        %get3A_537 = arith.constant 112 : index
        %get3A_538 = tpu.vector_load %arg6[%get3A_535, %get3A_536, %get3A_537] {strides = array<i32>} : memref<5x40x384xf32, #tpu.memory_space<vmem>>, vector<1x1x16xf32>,
        %get3A_539 = vector.shape_cast %get3A_538 : vector<1x1x16xf32> to vector<16xf32>
        %add3A_540 = arith.addf %add3A_405, %get3A_539 : vector<16xf32>
        %get3A_541 = arith.constant 0 : i32
        %get3A_542 = arith.index_cast %get3A_541 : i32 to index
        %get3A_543 = arith.index_cast %scan3A_484 : i32 to index
        %get3A_544 = arith.constant 128 : index
        %get3A_545 = tpu.vector_load %arg6[%get3A_542, %get3A_543, %get3A_544] {strides = array<i32>} : memref<5x40x384xf32, #tpu.memory_space<vmem>>, vector<1x1x16xf32>,
        %get3A_546 = vector.shape_cast %get3A_545 : vector<1x1x16xf32> to vector<16xf32>
        %add3A_547 = arith.addf %add3A_412, %get3A_546 : vector<16xf32>
        %get3A_548 = arith.constant 0 : i32
        %get3A_549 = arith.index_cast %get3A_548 : i32 to index
        %get3A_550 = arith.index_cast %scan3A_484 : i32 to index
        %get3A_551 = arith.constant 144 : index
        %get3A_552 = tpu.vector_load %arg6[%get3A_549, %get3A_550, %get3A_551] {strides = array<i32>} : memref<5x40x384xf32, #tpu.memory_space<vmem>>, vector<1x1x16xf32>,
        %get3A_553 = vector.shape_cast %get3A_552 : vector<1x1x16xf32> to vector<16xf32>
        %add3A_554 = arith.addf %add3A_419, %get3A_553 : vector<16xf32>
        %get3A_555 = arith.constant 0 : i32
        %get3A_556 = arith.index_cast %get3A_555 : i32 to index
        %get3A_557 = arith.index_cast %scan3A_484 : i32 to index
        %get3A_558 = arith.constant 160 : index
        %get3A_559 = tpu.vector_load %arg6[%get3A_556, %get3A_557, %get3A_558] {strides = array<i32>} : memref<5x40x384xf32, #tpu.memory_space<vmem>>, vector<1x1x16xf32>,
        %get3A_560 = vector.shape_cast %get3A_559 : vector<1x1x16xf32> to vector<16xf32>
        %add3A_561 = arith.addf %add3A_426, %get3A_560 : vector<16xf32>
        %get3A_562 = arith.constant 0 : i32
        %get3A_563 = arith.index_cast %get3A_562 : i32 to index
        %get3A_564 = arith.index_cast %scan3A_484 : i32 to index
        %get3A_565 = arith.constant 176 : index
        %get3A_566 = tpu.vector_load %arg6[%get3A_563, %get3A_564, %get3A_565] {strides = array<i32>} : memref<5x40x384xf32, #tpu.memory_space<vmem>>, vector<1x1x16xf32>,
        %get3A_567 = vector.shape_cast %get3A_566 : vector<1x1x16xf32> to vector<16xf32>
        %add3A_568 = arith.addf %add3A_433, %get3A_567 : vector<16xf32>
        %get3A_569 = arith.constant 0 : i32
        %get3A_570 = arith.index_cast %get3A_569 : i32 to index
        %get3A_571 = arith.index_cast %scan3A_484 : i32 to index
        %get3A_572 = arith.constant 192 : index
        %get3A_573 = tpu.vector_load %arg6[%get3A_570, %get3A_571, %get3A_572] {strides = array<i32>} : memref<5x40x384xf32, #tpu.memory_space<vmem>>, vector<1x1x16xf32>,
        %get3A_574 = vector.shape_cast %get3A_573 : vector<1x1x16xf32> to vector<16xf32>
        %add3A_575 = arith.addf %add3A_440, %get3A_574 : vector<16xf32>
        %get3A_576 = arith.constant 0 : i32
        %get3A_577 = arith.index_cast %get3A_576 : i32 to index
        %get3A_578 = arith.index_cast %scan3A_484 : i32 to index
        %get3A_579 = arith.constant 208 : index
        %get3A_580 = tpu.vector_load %arg6[%get3A_577, %get3A_578, %get3A_579] {strides = array<i32>} : memref<5x40x384xf32, #tpu.memory_space<vmem>>, vector<1x1x16xf32>,
        %get3A_581 = vector.shape_cast %get3A_580 : vector<1x1x16xf32> to vector<16xf32>
        %add3A_582 = arith.addf %add3A_447, %get3A_581 : vector<16xf32>
        %get3A_583 = arith.constant 0 : i32
        %get3A_584 = arith.index_cast %get3A_583 : i32 to index
        %get3A_585 = arith.index_cast %scan3A_484 : i32 to index
        %get3A_586 = arith.constant 224 : index
        %get3A_587 = tpu.vector_load %arg6[%get3A_584, %get3A_585, %get3A_586] {strides = array<i32>} : memref<5x40x384xf32, #tpu.memory_space<vmem>>, vector<1x1x16xf32>,
        %get3A_588 = vector.shape_cast %get3A_587 : vector<1x1x16xf32> to vector<16xf32>
        %add3A_589 = arith.addf %add3A_454, %get3A_588 : vector<16xf32>
        %get3A_590 = arith.constant 0 : i32
        %get3A_591 = arith.index_cast %get3A_590 : i32 to index
        %get3A_592 = arith.index_cast %scan3A_484 : i32 to index
        %get3A_593 = arith.constant 240 : index
        %get3A_594 = tpu.vector_load %arg6[%get3A_591, %get3A_592, %get3A_593] {strides = array<i32>} : memref<5x40x384xf32, #tpu.memory_space<vmem>>, vector<1x1x16xf32>,
        %get3A_595 = vector.shape_cast %get3A_594 : vector<1x1x16xf32> to vector<16xf32>
        %add3A_596 = arith.addf %add3A_461, %get3A_595 : vector<16xf32>
        %get3A_597 = arith.constant 0 : i32
        %get3A_598 = arith.index_cast %get3A_597 : i32 to index
        %get3A_599 = arith.index_cast %scan3A_484 : i32 to index
        %get3A_600 = arith.constant 256 : index
        %get3A_601 = tpu.vector_load %arg6[%get3A_598, %get3A_599, %get3A_600] {strides = array<i32>} : memref<5x40x384xf32, #tpu.memory_space<vmem>>, vector<1x1x16xf32>,
        %get3A_602 = vector.shape_cast %get3A_601 : vector<1x1x16xf32> to vector<16xf32>
        %add3A_603 = arith.addf %add3A_468, %get3A_602 : vector<16xf32>
        %get3A_604 = arith.constant 0 : i32
        %get3A_605 = arith.index_cast %get3A_604 : i32 to index
        %get3A_606 = arith.index_cast %scan3A_484 : i32 to index
        %get3A_607 = arith.constant 272 : index
        %get3A_608 = tpu.vector_load %arg6[%get3A_605, %get3A_606, %get3A_607] {strides = array<i32>} : memref<5x40x384xf32, #tpu.memory_space<vmem>>, vector<1x1x16xf32>,
        %get3A_609 = vector.shape_cast %get3A_608 : vector<1x1x16xf32> to vector<16xf32>
        %add3A_610 = arith.addf %add3A_475, %get3A_609 : vector<16xf32>
        %get3A_611 = arith.constant 0 : i32
        %get3A_612 = arith.index_cast %get3A_611 : i32 to index
        %get3A_613 = arith.index_cast %scan3A_484 : i32 to index
        %get3A_614 = arith.constant 288 : index
        %get3A_615 = tpu.vector_load %arg6[%get3A_612, %get3A_613, %get3A_614] {strides = array<i32>} : memref<5x40x384xf32, #tpu.memory_space<vmem>>, vector<1x1x16xf32>,
        %get3A_616 = vector.shape_cast %get3A_615 : vector<1x1x16xf32> to vector<16xf32>
        %add3A_617 = arith.addf %add3A_482, %get3A_616 : vector<16xf32>
        scf.yield %add3A_491, %add3A_498, %add3A_505, %add3A_512, %add3A_519, %add3A_526, %add3A_533, %add3A_540, %add3A_547, %add3A_554, %add3A_561, %add3A_568, %add3A_575, %add3A_582, %add3A_589, %add3A_596, %add3A_603, %add3A_610, %add3A_617 : vector<16xf32>, vector<16xf32>, vector<16xf32>, vector<16xf32>, vector<16xf32>, vector<16xf32>, vector<16xf32>, vector<16xf32>, vector<16xf32>, vector<16xf32>, vector<16xf32>, vector<16xf32>, vector<16xf32>, vector<16xf32>, vector<16xf32>, vector<16xf32>, vector<16xf32>, vector<16xf32>, vector<16xf32>
      }
      %scan3A_124 = arith.constant 40 : i32
      %add3A_125 = arith.constant 5 : i32
      %add3A_126 = arith.addi %add3A_71, %add3A_125 : i32
      %lt3A = arith.constant 160 : i32
      %lt3A_127 = arith.cmpi slt, %add3A_126, %lt3A : i32
      %convert_element_type3A = arith.extui %lt3A_127 : i1 to i32
      %cond3A = arith.constant 0 : i32
      %cond3A_128 = arith.cmpi ne, %convert_element_type3A, %cond3A : i32
      scf.if %cond3A_128 {
        %add3A_331 = arith.constant 5 : i32
        %add3A_332 = arith.addi %add3A_71, %add3A_331 : i32
        %dma_start3A_333 = arith.constant 0 : i32
        %dma_start3A_334 = arith.constant 0 : i32
        %dma_start3A_335 = arith.constant 0 : i32
        %dma_start3A_336 = tpu.memref_slice %arg6[%dma_start3A_333, %dma_start3A_334, %dma_start3A_335] : memref<5x40x384xf32, #tpu.memory_space<vmem>> -> memref<1x40x384xf32, #tpu.memory_space<vmem>>
        %dma_start3A_337 = tpu.memref_squeeze %dma_start3A_336 : memref<1x40x384xf32, #tpu.memory_space<vmem>> -> memref<40x384xf32, #tpu.memory_space<vmem>>
        %dma_start3A_338 = arith.constant 0 : i32
        %dma_start3A_339 = tpu.memref_slice %arg5[%add3A_332, %dma_start3A_338] : memref<160x40xi32, #tpu.memory_space<vmem>> -> memref<1x40xi32, #tpu.memory_space<vmem>>
        %dma_start3A_340 = tpu.memref_squeeze %dma_start3A_339 : memref<1x40xi32, #tpu.memory_space<vmem>> -> memref<40xi32, #tpu.memory_space<vmem>>
        %dma_start3A_341 = arith.constant 0 : i32
        %dma_start3A_342 = arith.constant 0 : i32
        %dma_start3A_343 = tpu.memref_slice %arg2[%dma_start3A_341, %dma_start3A_342] : memref<50003x384xf32, #tpu.memory_space<hbm>> -> memref<50003x384xf32, #tpu.memory_space<hbm>>
        tpu.enqueue_indirect_dma source(%dma_start3A_343 : memref<50003x384xf32, #tpu.memory_space<hbm>>) target(%dma_start3A_337 : memref<40x384xf32, #tpu.memory_space<vmem>>) offsets(%dma_start3A_340 : memref<40xi32, #tpu.memory_space<vmem>>) semaphore(%arg8 : memref<!tpu.dma_semaphore, #tpu.memory_space<semaphore_mem>>)
      } else {
      }
      %add3A_129 = arith.constant 1 : i32
      %add3A_130 = arith.addi %mul3A_69, %add3A_129 : i32
      %dma_wait3A_131 = arith.constant 1 : i32
      %dma_wait3A_132 = arith.constant 0 : i32
      %dma_wait3A_133 = arith.constant 0 : i32
      %dma_wait3A_134 = tpu.memref_slice %arg6[%dma_wait3A_131, %dma_wait3A_132, %dma_wait3A_133] : memref<5x40x384xf32, #tpu.memory_space<vmem>> -> memref<1x40x384xf32, #tpu.memory_space<vmem>>
      %dma_wait3A_135 = tpu.memref_squeeze %dma_wait3A_134 : memref<1x40x384xf32, #tpu.memory_space<vmem>> -> memref<40x384xf32, #tpu.memory_space<vmem>>
      %dma_wait3A_136 = arith.constant 0 : i32
      %dma_wait3A_137 = tpu.memref_slice %arg5[%add3A_130, %dma_wait3A_136] : memref<160x40xi32, #tpu.memory_space<vmem>> -> memref<1x40xi32, #tpu.memory_space<vmem>>
      %dma_wait3A_138 = tpu.memref_squeeze %dma_wait3A_137 : memref<1x40xi32, #tpu.memory_space<vmem>> -> memref<40xi32, #tpu.memory_space<vmem>>
      %dma_wait3A_139 = arith.constant 0 : i32
      %dma_wait3A_140 = arith.constant 0 : i32
      %dma_wait3A_141 = tpu.memref_slice %arg2[%dma_wait3A_139, %dma_wait3A_140] : memref<50003x384xf32, #tpu.memory_space<hbm>> -> memref<50003x384xf32, #tpu.memory_space<hbm>>
      tpu.wait_indirect_dma semaphore(%arg9 : memref<!tpu.dma_semaphore, #tpu.memory_space<semaphore_mem>>) src(%dma_wait3A_141 : memref<50003x384xf32, #tpu.memory_space<hbm>>) dst(%dma_wait3A_135 : memref<40x384xf32, #tpu.memory_space<vmem>>)
      %scan3A_142 = arith.constant 0 : i32
      %scan3A_143 = arith.constant 40 : i32
      %scan3A_144 = arith.addi %scan3A_142, %scan3A_143 : i32
      %scan3A_145 = arith.constant 2 : i32
      %scan3A_146:19 = scf.for %scan3A_331 = %scan3A_142 to %scan3A_144 step %scan3A_145 iter_args(%scan3A_332 = %scan3A_123#0, %scan3A_333 = %scan3A_123#1, %scan3A_334 = %scan3A_123#2, %scan3A_335 = %scan3A_123#3, %scan3A_336 = %scan3A_123#4, %scan3A_337 = %scan3A_123#5, %scan3A_338 = %scan3A_123#6, %scan3A_339 = %scan3A_123#7, %scan3A_340 = %scan3A_123#8, %scan3A_341 = %scan3A_123#9, %scan3A_342 = %scan3A_123#10, %scan3A_343 = %scan3A_123#11, %scan3A_344 = %scan3A_123#12, %scan3A_345 = %scan3A_123#13, %scan3A_346 = %scan3A_123#14, %scan3A_347 = %scan3A_123#15, %scan3A_348 = %scan3A_123#16, %scan3A_349 = %scan3A_123#17, %scan3A_350 = %scan3A_123#18) -> (vector<16xf32>, vector<16xf32>, vector<16xf32>, vector<16xf32>, vector<16xf32>, vector<16xf32>, vector<16xf32>, vector<16xf32>, vector<16xf32>, vector<16xf32>, vector<16xf32>, vector<16xf32>, vector<16xf32>, vector<16xf32>, vector<16xf32>, vector<16xf32>, vector<16xf32>, vector<16xf32>, vector<16xf32>)  : i32 {
        %get3A = arith.constant 1 : i32
        %get3A_351 = arith.index_cast %get3A : i32 to index
        %get3A_352 = arith.index_cast %scan3A_331 : i32 to index
        %get3A_353 = arith.constant 0 : index
        %get3A_354 = tpu.vector_load %arg6[%get3A_351, %get3A_352, %get3A_353] {strides = array<i32>} : memref<5x40x384xf32, #tpu.memory_space<vmem>>, vector<1x1x16xf32>,
        %get3A_355 = vector.shape_cast %get3A_354 : vector<1x1x16xf32> to vector<16xf32>
        %add3A_356 = arith.addf %scan3A_332, %get3A_355 : vector<16xf32>
        %get3A_357 = arith.constant 1 : i32
        %get3A_358 = arith.index_cast %get3A_357 : i32 to index
        %get3A_359 = arith.index_cast %scan3A_331 : i32 to index
        %get3A_360 = arith.constant 16 : index
        %get3A_361 = tpu.vector_load %arg6[%get3A_358, %get3A_359, %get3A_360] {strides = array<i32>} : memref<5x40x384xf32, #tpu.memory_space<vmem>>, vector<1x1x16xf32>,
        %get3A_362 = vector.shape_cast %get3A_361 : vector<1x1x16xf32> to vector<16xf32>
        %add3A_363 = arith.addf %scan3A_333, %get3A_362 : vector<16xf32>
        %get3A_364 = arith.constant 1 : i32
        %get3A_365 = arith.index_cast %get3A_364 : i32 to index
        %get3A_366 = arith.index_cast %scan3A_331 : i32 to index
        %get3A_367 = arith.constant 32 : index
        %get3A_368 = tpu.vector_load %arg6[%get3A_365, %get3A_366, %get3A_367] {strides = array<i32>} : memref<5x40x384xf32, #tpu.memory_space<vmem>>, vector<1x1x16xf32>,
        %get3A_369 = vector.shape_cast %get3A_368 : vector<1x1x16xf32> to vector<16xf32>
        %add3A_370 = arith.addf %scan3A_334, %get3A_369 : vector<16xf32>
        %get3A_371 = arith.constant 1 : i32
        %get3A_372 = arith.index_cast %get3A_371 : i32 to index
        %get3A_373 = arith.index_cast %scan3A_331 : i32 to index
        %get3A_374 = arith.constant 48 : index
        %get3A_375 = tpu.vector_load %arg6[%get3A_372, %get3A_373, %get3A_374] {strides = array<i32>} : memref<5x40x384xf32, #tpu.memory_space<vmem>>, vector<1x1x16xf32>,
        %get3A_376 = vector.shape_cast %get3A_375 : vector<1x1x16xf32> to vector<16xf32>
        %add3A_377 = arith.addf %scan3A_335, %get3A_376 : vector<16xf32>
        %get3A_378 = arith.constant 1 : i32
        %get3A_379 = arith.index_cast %get3A_378 : i32 to index
        %get3A_380 = arith.index_cast %scan3A_331 : i32 to index
        %get3A_381 = arith.constant 64 : index
        %get3A_382 = tpu.vector_load %arg6[%get3A_379, %get3A_380, %get3A_381] {strides = array<i32>} : memref<5x40x384xf32, #tpu.memory_space<vmem>>, vector<1x1x16xf32>,
        %get3A_383 = vector.shape_cast %get3A_382 : vector<1x1x16xf32> to vector<16xf32>
        %add3A_384 = arith.addf %scan3A_336, %get3A_383 : vector<16xf32>
        %get3A_385 = arith.constant 1 : i32
        %get3A_386 = arith.index_cast %get3A_385 : i32 to index
        %get3A_387 = arith.index_cast %scan3A_331 : i32 to index
        %get3A_388 = arith.constant 80 : index
        %get3A_389 = tpu.vector_load %arg6[%get3A_386, %get3A_387, %get3A_388] {strides = array<i32>} : memref<5x40x384xf32, #tpu.memory_space<vmem>>, vector<1x1x16xf32>,
        %get3A_390 = vector.shape_cast %get3A_389 : vector<1x1x16xf32> to vector<16xf32>
        %add3A_391 = arith.addf %scan3A_337, %get3A_390 : vector<16xf32>
        %get3A_392 = arith.constant 1 : i32
        %get3A_393 = arith.index_cast %get3A_392 : i32 to index
        %get3A_394 = arith.index_cast %scan3A_331 : i32 to index
        %get3A_395 = arith.constant 96 : index
        %get3A_396 = tpu.vector_load %arg6[%get3A_393, %get3A_394, %get3A_395] {strides = array<i32>} : memref<5x40x384xf32, #tpu.memory_space<vmem>>, vector<1x1x16xf32>,
        %get3A_397 = vector.shape_cast %get3A_396 : vector<1x1x16xf32> to vector<16xf32>
        %add3A_398 = arith.addf %scan3A_338, %get3A_397 : vector<16xf32>
        %get3A_399 = arith.constant 1 : i32
        %get3A_400 = arith.index_cast %get3A_399 : i32 to index
        %get3A_401 = arith.index_cast %scan3A_331 : i32 to index
        %get3A_402 = arith.constant 112 : index
        %get3A_403 = tpu.vector_load %arg6[%get3A_400, %get3A_401, %get3A_402] {strides = array<i32>} : memref<5x40x384xf32, #tpu.memory_space<vmem>>, vector<1x1x16xf32>,
        %get3A_404 = vector.shape_cast %get3A_403 : vector<1x1x16xf32> to vector<16xf32>
        %add3A_405 = arith.addf %scan3A_339, %get3A_404 : vector<16xf32>
        %get3A_406 = arith.constant 1 : i32
        %get3A_407 = arith.index_cast %get3A_406 : i32 to index
        %get3A_408 = arith.index_cast %scan3A_331 : i32 to index
        %get3A_409 = arith.constant 128 : index
        %get3A_410 = tpu.vector_load %arg6[%get3A_407, %get3A_408, %get3A_409] {strides = array<i32>} : memref<5x40x384xf32, #tpu.memory_space<vmem>>, vector<1x1x16xf32>,
        %get3A_411 = vector.shape_cast %get3A_410 : vector<1x1x16xf32> to vector<16xf32>
        %add3A_412 = arith.addf %scan3A_340, %get3A_411 : vector<16xf32>
        %get3A_413 = arith.constant 1 : i32
        %get3A_414 = arith.index_cast %get3A_413 : i32 to index
        %get3A_415 = arith.index_cast %scan3A_331 : i32 to index
        %get3A_416 = arith.constant 144 : index
        %get3A_417 = tpu.vector_load %arg6[%get3A_414, %get3A_415, %get3A_416] {strides = array<i32>} : memref<5x40x384xf32, #tpu.memory_space<vmem>>, vector<1x1x16xf32>,
        %get3A_418 = vector.shape_cast %get3A_417 : vector<1x1x16xf32> to vector<16xf32>
        %add3A_419 = arith.addf %scan3A_341, %get3A_418 : vector<16xf32>
        %get3A_420 = arith.constant 1 : i32
        %get3A_421 = arith.index_cast %get3A_420 : i32 to index
        %get3A_422 = arith.index_cast %scan3A_331 : i32 to index
        %get3A_423 = arith.constant 160 : index
        %get3A_424 = tpu.vector_load %arg6[%get3A_421, %get3A_422, %get3A_423] {strides = array<i32>} : memref<5x40x384xf32, #tpu.memory_space<vmem>>, vector<1x1x16xf32>,
        %get3A_425 = vector.shape_cast %get3A_424 : vector<1x1x16xf32> to vector<16xf32>
        %add3A_426 = arith.addf %scan3A_342, %get3A_425 : vector<16xf32>
        %get3A_427 = arith.constant 1 : i32
        %get3A_428 = arith.index_cast %get3A_427 : i32 to index
        %get3A_429 = arith.index_cast %scan3A_331 : i32 to index
        %get3A_430 = arith.constant 176 : index
        %get3A_431 = tpu.vector_load %arg6[%get3A_428, %get3A_429, %get3A_430] {strides = array<i32>} : memref<5x40x384xf32, #tpu.memory_space<vmem>>, vector<1x1x16xf32>,
        %get3A_432 = vector.shape_cast %get3A_431 : vector<1x1x16xf32> to vector<16xf32>
        %add3A_433 = arith.addf %scan3A_343, %get3A_432 : vector<16xf32>
        %get3A_434 = arith.constant 1 : i32
        %get3A_435 = arith.index_cast %get3A_434 : i32 to index
        %get3A_436 = arith.index_cast %scan3A_331 : i32 to index
        %get3A_437 = arith.constant 192 : index
        %get3A_438 = tpu.vector_load %arg6[%get3A_435, %get3A_436, %get3A_437] {strides = array<i32>} : memref<5x40x384xf32, #tpu.memory_space<vmem>>, vector<1x1x16xf32>,
        %get3A_439 = vector.shape_cast %get3A_438 : vector<1x1x16xf32> to vector<16xf32>
        %add3A_440 = arith.addf %scan3A_344, %get3A_439 : vector<16xf32>
        %get3A_441 = arith.constant 1 : i32
        %get3A_442 = arith.index_cast %get3A_441 : i32 to index
        %get3A_443 = arith.index_cast %scan3A_331 : i32 to index
        %get3A_444 = arith.constant 208 : index
        %get3A_445 = tpu.vector_load %arg6[%get3A_442, %get3A_443, %get3A_444] {strides = array<i32>} : memref<5x40x384xf32, #tpu.memory_space<vmem>>, vector<1x1x16xf32>,
        %get3A_446 = vector.shape_cast %get3A_445 : vector<1x1x16xf32> to vector<16xf32>
        %add3A_447 = arith.addf %scan3A_345, %get3A_446 : vector<16xf32>
        %get3A_448 = arith.constant 1 : i32
        %get3A_449 = arith.index_cast %get3A_448 : i32 to index
        %get3A_450 = arith.index_cast %scan3A_331 : i32 to index
        %get3A_451 = arith.constant 224 : index
        %get3A_452 = tpu.vector_load %arg6[%get3A_449, %get3A_450, %get3A_451] {strides = array<i32>} : memref<5x40x384xf32, #tpu.memory_space<vmem>>, vector<1x1x16xf32>,
        %get3A_453 = vector.shape_cast %get3A_452 : vector<1x1x16xf32> to vector<16xf32>
        %add3A_454 = arith.addf %scan3A_346, %get3A_453 : vector<16xf32>
        %get3A_455 = arith.constant 1 : i32
        %get3A_456 = arith.index_cast %get3A_455 : i32 to index
        %get3A_457 = arith.index_cast %scan3A_331 : i32 to index
        %get3A_458 = arith.constant 240 : index
        %get3A_459 = tpu.vector_load %arg6[%get3A_456, %get3A_457, %get3A_458] {strides = array<i32>} : memref<5x40x384xf32, #tpu.memory_space<vmem>>, vector<1x1x16xf32>,
        %get3A_460 = vector.shape_cast %get3A_459 : vector<1x1x16xf32> to vector<16xf32>
        %add3A_461 = arith.addf %scan3A_347, %get3A_460 : vector<16xf32>
        %get3A_462 = arith.constant 1 : i32
        %get3A_463 = arith.index_cast %get3A_462 : i32 to index
        %get3A_464 = arith.index_cast %scan3A_331 : i32 to index
        %get3A_465 = arith.constant 256 : index
        %get3A_466 = tpu.vector_load %arg6[%get3A_463, %get3A_464, %get3A_465] {strides = array<i32>} : memref<5x40x384xf32, #tpu.memory_space<vmem>>, vector<1x1x16xf32>,
        %get3A_467 = vector.shape_cast %get3A_466 : vector<1x1x16xf32> to vector<16xf32>
        %add3A_468 = arith.addf %scan3A_348, %get3A_467 : vector<16xf32>
        %get3A_469 = arith.constant 1 : i32
        %get3A_470 = arith.index_cast %get3A_469 : i32 to index
        %get3A_471 = arith.index_cast %scan3A_331 : i32 to index
        %get3A_472 = arith.constant 272 : index
        %get3A_473 = tpu.vector_load %arg6[%get3A_470, %get3A_471, %get3A_472] {strides = array<i32>} : memref<5x40x384xf32, #tpu.memory_space<vmem>>, vector<1x1x16xf32>,
        %get3A_474 = vector.shape_cast %get3A_473 : vector<1x1x16xf32> to vector<16xf32>
        %add3A_475 = arith.addf %scan3A_349, %get3A_474 : vector<16xf32>
        %get3A_476 = arith.constant 1 : i32
        %get3A_477 = arith.index_cast %get3A_476 : i32 to index
        %get3A_478 = arith.index_cast %scan3A_331 : i32 to index
        %get3A_479 = arith.constant 288 : index
        %get3A_480 = tpu.vector_load %arg6[%get3A_477, %get3A_478, %get3A_479] {strides = array<i32>} : memref<5x40x384xf32, #tpu.memory_space<vmem>>, vector<1x1x16xf32>,
        %get3A_481 = vector.shape_cast %get3A_480 : vector<1x1x16xf32> to vector<16xf32>
        %add3A_482 = arith.addf %scan3A_350, %get3A_481 : vector<16xf32>
        %scan3A_483 = arith.constant 1 : i32
        %scan3A_484 = arith.addi %scan3A_331, %scan3A_483 : i32
        %get3A_485 = arith.constant 1 : i32
        %get3A_486 = arith.index_cast %get3A_485 : i32 to index
        %get3A_487 = arith.index_cast %scan3A_484 : i32 to index
        %get3A_488 = arith.constant 0 : index
        %get3A_489 = tpu.vector_load %arg6[%get3A_486, %get3A_487, %get3A_488] {strides = array<i32>} : memref<5x40x384xf32, #tpu.memory_space<vmem>>, vector<1x1x16xf32>,
        %get3A_490 = vector.shape_cast %get3A_489 : vector<1x1x16xf32> to vector<16xf32>
        %add3A_491 = arith.addf %add3A_356, %get3A_490 : vector<16xf32>
        %get3A_492 = arith.constant 1 : i32
        %get3A_493 = arith.index_cast %get3A_492 : i32 to index
        %get3A_494 = arith.index_cast %scan3A_484 : i32 to index
        %get3A_495 = arith.constant 16 : index
        %get3A_496 = tpu.vector_load %arg6[%get3A_493, %get3A_494, %get3A_495] {strides = array<i32>} : memref<5x40x384xf32, #tpu.memory_space<vmem>>, vector<1x1x16xf32>,
        %get3A_497 = vector.shape_cast %get3A_496 : vector<1x1x16xf32> to vector<16xf32>
        %add3A_498 = arith.addf %add3A_363, %get3A_497 : vector<16xf32>
        %get3A_499 = arith.constant 1 : i32
        %get3A_500 = arith.index_cast %get3A_499 : i32 to index
        %get3A_501 = arith.index_cast %scan3A_484 : i32 to index
        %get3A_502 = arith.constant 32 : index
        %get3A_503 = tpu.vector_load %arg6[%get3A_500, %get3A_501, %get3A_502] {strides = array<i32>} : memref<5x40x384xf32, #tpu.memory_space<vmem>>, vector<1x1x16xf32>,
        %get3A_504 = vector.shape_cast %get3A_503 : vector<1x1x16xf32> to vector<16xf32>
        %add3A_505 = arith.addf %add3A_370, %get3A_504 : vector<16xf32>
        %get3A_506 = arith.constant 1 : i32
        %get3A_507 = arith.index_cast %get3A_506 : i32 to index
        %get3A_508 = arith.index_cast %scan3A_484 : i32 to index
        %get3A_509 = arith.constant 48 : index
        %get3A_510 = tpu.vector_load %arg6[%get3A_507, %get3A_508, %get3A_509] {strides = array<i32>} : memref<5x40x384xf32, #tpu.memory_space<vmem>>, vector<1x1x16xf32>,
        %get3A_511 = vector.shape_cast %get3A_510 : vector<1x1x16xf32> to vector<16xf32>
        %add3A_512 = arith.addf %add3A_377, %get3A_511 : vector<16xf32>
        %get3A_513 = arith.constant 1 : i32
        %get3A_514 = arith.index_cast %get3A_513 : i32 to index
        %get3A_515 = arith.index_cast %scan3A_484 : i32 to index
        %get3A_516 = arith.constant 64 : index
        %get3A_517 = tpu.vector_load %arg6[%get3A_514, %get3A_515, %get3A_516] {strides = array<i32>} : memref<5x40x384xf32, #tpu.memory_space<vmem>>, vector<1x1x16xf32>,
        %get3A_518 = vector.shape_cast %get3A_517 : vector<1x1x16xf32> to vector<16xf32>
        %add3A_519 = arith.addf %add3A_384, %get3A_518 : vector<16xf32>
        %get3A_520 = arith.constant 1 : i32
        %get3A_521 = arith.index_cast %get3A_520 : i32 to index
        %get3A_522 = arith.index_cast %scan3A_484 : i32 to index
        %get3A_523 = arith.constant 80 : index
        %get3A_524 = tpu.vector_load %arg6[%get3A_521, %get3A_522, %get3A_523] {strides = array<i32>} : memref<5x40x384xf32, #tpu.memory_space<vmem>>, vector<1x1x16xf32>,
        %get3A_525 = vector.shape_cast %get3A_524 : vector<1x1x16xf32> to vector<16xf32>
        %add3A_526 = arith.addf %add3A_391, %get3A_525 : vector<16xf32>
        %get3A_527 = arith.constant 1 : i32
        %get3A_528 = arith.index_cast %get3A_527 : i32 to index
        %get3A_529 = arith.index_cast %scan3A_484 : i32 to index
        %get3A_530 = arith.constant 96 : index
        %get3A_531 = tpu.vector_load %arg6[%get3A_528, %get3A_529, %get3A_530] {strides = array<i32>} : memref<5x40x384xf32, #tpu.memory_space<vmem>>, vector<1x1x16xf32>,
        %get3A_532 = vector.shape_cast %get3A_531 : vector<1x1x16xf32> to vector<16xf32>
        %add3A_533 = arith.addf %add3A_398, %get3A_532 : vector<16xf32>
        %get3A_534 = arith.constant 1 : i32
        %get3A_535 = arith.index_cast %get3A_534 : i32 to index
        %get3A_536 = arith.index_cast %scan3A_484 : i32 to index
        %get3A_537 = arith.constant 112 : index
        %get3A_538 = tpu.vector_load %arg6[%get3A_535, %get3A_536, %get3A_537] {strides = array<i32>} : memref<5x40x384xf32, #tpu.memory_space<vmem>>, vector<1x1x16xf32>,
        %get3A_539 = vector.shape_cast %get3A_538 : vector<1x1x16xf32> to vector<16xf32>
        %add3A_540 = arith.addf %add3A_405, %get3A_539 : vector<16xf32>
        %get3A_541 = arith.constant 1 : i32
        %get3A_542 = arith.index_cast %get3A_541 : i32 to index
        %get3A_543 = arith.index_cast %scan3A_484 : i32 to index
        %get3A_544 = arith.constant 128 : index
        %get3A_545 = tpu.vector_load %arg6[%get3A_542, %get3A_543, %get3A_544] {strides = array<i32>} : memref<5x40x384xf32, #tpu.memory_space<vmem>>, vector<1x1x16xf32>,
        %get3A_546 = vector.shape_cast %get3A_545 : vector<1x1x16xf32> to vector<16xf32>
        %add3A_547 = arith.addf %add3A_412, %get3A_546 : vector<16xf32>
        %get3A_548 = arith.constant 1 : i32
        %get3A_549 = arith.index_cast %get3A_548 : i32 to index
        %get3A_550 = arith.index_cast %scan3A_484 : i32 to index
        %get3A_551 = arith.constant 144 : index
        %get3A_552 = tpu.vector_load %arg6[%get3A_549, %get3A_550, %get3A_551] {strides = array<i32>} : memref<5x40x384xf32, #tpu.memory_space<vmem>>, vector<1x1x16xf32>,
        %get3A_553 = vector.shape_cast %get3A_552 : vector<1x1x16xf32> to vector<16xf32>
        %add3A_554 = arith.addf %add3A_419, %get3A_553 : vector<16xf32>
        %get3A_555 = arith.constant 1 : i32
        %get3A_556 = arith.index_cast %get3A_555 : i32 to index
        %get3A_557 = arith.index_cast %scan3A_484 : i32 to index
        %get3A_558 = arith.constant 160 : index
        %get3A_559 = tpu.vector_load %arg6[%get3A_556, %get3A_557, %get3A_558] {strides = array<i32>} : memref<5x40x384xf32, #tpu.memory_space<vmem>>, vector<1x1x16xf32>,
        %get3A_560 = vector.shape_cast %get3A_559 : vector<1x1x16xf32> to vector<16xf32>
        %add3A_561 = arith.addf %add3A_426, %get3A_560 : vector<16xf32>
        %get3A_562 = arith.constant 1 : i32
        %get3A_563 = arith.index_cast %get3A_562 : i32 to index
        %get3A_564 = arith.index_cast %scan3A_484 : i32 to index
        %get3A_565 = arith.constant 176 : index
        %get3A_566 = tpu.vector_load %arg6[%get3A_563, %get3A_564, %get3A_565] {strides = array<i32>} : memref<5x40x384xf32, #tpu.memory_space<vmem>>, vector<1x1x16xf32>,
        %get3A_567 = vector.shape_cast %get3A_566 : vector<1x1x16xf32> to vector<16xf32>
        %add3A_568 = arith.addf %add3A_433, %get3A_567 : vector<16xf32>
        %get3A_569 = arith.constant 1 : i32
        %get3A_570 = arith.index_cast %get3A_569 : i32 to index
        %get3A_571 = arith.index_cast %scan3A_484 : i32 to index
        %get3A_572 = arith.constant 192 : index
        %get3A_573 = tpu.vector_load %arg6[%get3A_570, %get3A_571, %get3A_572] {strides = array<i32>} : memref<5x40x384xf32, #tpu.memory_space<vmem>>, vector<1x1x16xf32>,
        %get3A_574 = vector.shape_cast %get3A_573 : vector<1x1x16xf32> to vector<16xf32>
        %add3A_575 = arith.addf %add3A_440, %get3A_574 : vector<16xf32>
        %get3A_576 = arith.constant 1 : i32
        %get3A_577 = arith.index_cast %get3A_576 : i32 to index
        %get3A_578 = arith.index_cast %scan3A_484 : i32 to index
        %get3A_579 = arith.constant 208 : index
        %get3A_580 = tpu.vector_load %arg6[%get3A_577, %get3A_578, %get3A_579] {strides = array<i32>} : memref<5x40x384xf32, #tpu.memory_space<vmem>>, vector<1x1x16xf32>,
        %get3A_581 = vector.shape_cast %get3A_580 : vector<1x1x16xf32> to vector<16xf32>
        %add3A_582 = arith.addf %add3A_447, %get3A_581 : vector<16xf32>
        %get3A_583 = arith.constant 1 : i32
        %get3A_584 = arith.index_cast %get3A_583 : i32 to index
        %get3A_585 = arith.index_cast %scan3A_484 : i32 to index
        %get3A_586 = arith.constant 224 : index
        %get3A_587 = tpu.vector_load %arg6[%get3A_584, %get3A_585, %get3A_586] {strides = array<i32>} : memref<5x40x384xf32, #tpu.memory_space<vmem>>, vector<1x1x16xf32>,
        %get3A_588 = vector.shape_cast %get3A_587 : vector<1x1x16xf32> to vector<16xf32>
        %add3A_589 = arith.addf %add3A_454, %get3A_588 : vector<16xf32>
        %get3A_590 = arith.constant 1 : i32
        %get3A_591 = arith.index_cast %get3A_590 : i32 to index
        %get3A_592 = arith.index_cast %scan3A_484 : i32 to index
        %get3A_593 = arith.constant 240 : index
        %get3A_594 = tpu.vector_load %arg6[%get3A_591, %get3A_592, %get3A_593] {strides = array<i32>} : memref<5x40x384xf32, #tpu.memory_space<vmem>>, vector<1x1x16xf32>,
        %get3A_595 = vector.shape_cast %get3A_594 : vector<1x1x16xf32> to vector<16xf32>
        %add3A_596 = arith.addf %add3A_461, %get3A_595 : vector<16xf32>
        %get3A_597 = arith.constant 1 : i32
        %get3A_598 = arith.index_cast %get3A_597 : i32 to index
        %get3A_599 = arith.index_cast %scan3A_484 : i32 to index
        %get3A_600 = arith.constant 256 : index
        %get3A_601 = tpu.vector_load %arg6[%get3A_598, %get3A_599, %get3A_600] {strides = array<i32>} : memref<5x40x384xf32, #tpu.memory_space<vmem>>, vector<1x1x16xf32>,
        %get3A_602 = vector.shape_cast %get3A_601 : vector<1x1x16xf32> to vector<16xf32>
        %add3A_603 = arith.addf %add3A_468, %get3A_602 : vector<16xf32>
        %get3A_604 = arith.constant 1 : i32
        %get3A_605 = arith.index_cast %get3A_604 : i32 to index
        %get3A_606 = arith.index_cast %scan3A_484 : i32 to index
        %get3A_607 = arith.constant 272 : index
        %get3A_608 = tpu.vector_load %arg6[%get3A_605, %get3A_606, %get3A_607] {strides = array<i32>} : memref<5x40x384xf32, #tpu.memory_space<vmem>>, vector<1x1x16xf32>,
        %get3A_609 = vector.shape_cast %get3A_608 : vector<1x1x16xf32> to vector<16xf32>
        %add3A_610 = arith.addf %add3A_475, %get3A_609 : vector<16xf32>
        %get3A_611 = arith.constant 1 : i32
        %get3A_612 = arith.index_cast %get3A_611 : i32 to index
        %get3A_613 = arith.index_cast %scan3A_484 : i32 to index
        %get3A_614 = arith.constant 288 : index
        %get3A_615 = tpu.vector_load %arg6[%get3A_612, %get3A_613, %get3A_614] {strides = array<i32>} : memref<5x40x384xf32, #tpu.memory_space<vmem>>, vector<1x1x16xf32>,
        %get3A_616 = vector.shape_cast %get3A_615 : vector<1x1x16xf32> to vector<16xf32>
        %add3A_617 = arith.addf %add3A_482, %get3A_616 : vector<16xf32>
        scf.yield %add3A_491, %add3A_498, %add3A_505, %add3A_512, %add3A_519, %add3A_526, %add3A_533, %add3A_540, %add3A_547, %add3A_554, %add3A_561, %add3A_568, %add3A_575, %add3A_582, %add3A_589, %add3A_596, %add3A_603, %add3A_610, %add3A_617 : vector<16xf32>, vector<16xf32>, vector<16xf32>, vector<16xf32>, vector<16xf32>, vector<16xf32>, vector<16xf32>, vector<16xf32>, vector<16xf32>, vector<16xf32>, vector<16xf32>, vector<16xf32>, vector<16xf32>, vector<16xf32>, vector<16xf32>, vector<16xf32>, vector<16xf32>, vector<16xf32>, vector<16xf32>
      }
      %scan3A_147 = arith.constant 40 : i32
      %add3A_148 = arith.constant 5 : i32
      %add3A_149 = arith.addi %add3A_130, %add3A_148 : i32
      %lt3A_150 = arith.constant 160 : i32
      %lt3A_151 = arith.cmpi slt, %add3A_149, %lt3A_150 : i32
      %convert_element_type3A_152 = arith.extui %lt3A_151 : i1 to i32
      %cond3A_153 = arith.constant 0 : i32
      %cond3A_154 = arith.cmpi ne, %convert_element_type3A_152, %cond3A_153 : i32
      scf.if %cond3A_154 {
        %add3A_331 = arith.constant 5 : i32
        %add3A_332 = arith.addi %add3A_130, %add3A_331 : i32
        %dma_start3A_333 = arith.constant 1 : i32
        %dma_start3A_334 = arith.constant 0 : i32
        %dma_start3A_335 = arith.constant 0 : i32
        %dma_start3A_336 = tpu.memref_slice %arg6[%dma_start3A_333, %dma_start3A_334, %dma_start3A_335] : memref<5x40x384xf32, #tpu.memory_space<vmem>> -> memref<1x40x384xf32, #tpu.memory_space<vmem>>
        %dma_start3A_337 = tpu.memref_squeeze %dma_start3A_336 : memref<1x40x384xf32, #tpu.memory_space<vmem>> -> memref<40x384xf32, #tpu.memory_space<vmem>>
        %dma_start3A_338 = arith.constant 0 : i32
        %dma_start3A_339 = tpu.memref_slice %arg5[%add3A_332, %dma_start3A_338] : memref<160x40xi32, #tpu.memory_space<vmem>> -> memref<1x40xi32, #tpu.memory_space<vmem>>
        %dma_start3A_340 = tpu.memref_squeeze %dma_start3A_339 : memref<1x40xi32, #tpu.memory_space<vmem>> -> memref<40xi32, #tpu.memory_space<vmem>>
        %dma_start3A_341 = arith.constant 0 : i32
        %dma_start3A_342 = arith.constant 0 : i32
        %dma_start3A_343 = tpu.memref_slice %arg2[%dma_start3A_341, %dma_start3A_342] : memref<50003x384xf32, #tpu.memory_space<hbm>> -> memref<50003x384xf32, #tpu.memory_space<hbm>>
        tpu.enqueue_indirect_dma source(%dma_start3A_343 : memref<50003x384xf32, #tpu.memory_space<hbm>>) target(%dma_start3A_337 : memref<40x384xf32, #tpu.memory_space<vmem>>) offsets(%dma_start3A_340 : memref<40xi32, #tpu.memory_space<vmem>>) semaphore(%arg9 : memref<!tpu.dma_semaphore, #tpu.memory_space<semaphore_mem>>)
      } else {
      }
      %add3A_155 = arith.constant 2 : i32
      %add3A_156 = arith.addi %mul3A_69, %add3A_155 : i32
      %dma_wait3A_157 = arith.constant 2 : i32
      %dma_wait3A_158 = arith.constant 0 : i32
      %dma_wait3A_159 = arith.constant 0 : i32
      %dma_wait3A_160 = tpu.memref_slice %arg6[%dma_wait3A_157, %dma_wait3A_158, %dma_wait3A_159] : memref<5x40x384xf32, #tpu.memory_space<vmem>> -> memref<1x40x384xf32, #tpu.memory_space<vmem>>
      %dma_wait3A_161 = tpu.memref_squeeze %dma_wait3A_160 : memref<1x40x384xf32, #tpu.memory_space<vmem>> -> memref<40x384xf32, #tpu.memory_space<vmem>>
      %dma_wait3A_162 = arith.constant 0 : i32
      %dma_wait3A_163 = tpu.memref_slice %arg5[%add3A_156, %dma_wait3A_162] : memref<160x40xi32, #tpu.memory_space<vmem>> -> memref<1x40xi32, #tpu.memory_space<vmem>>
      %dma_wait3A_164 = tpu.memref_squeeze %dma_wait3A_163 : memref<1x40xi32, #tpu.memory_space<vmem>> -> memref<40xi32, #tpu.memory_space<vmem>>
      %dma_wait3A_165 = arith.constant 0 : i32
      %dma_wait3A_166 = arith.constant 0 : i32
      %dma_wait3A_167 = tpu.memref_slice %arg2[%dma_wait3A_165, %dma_wait3A_166] : memref<50003x384xf32, #tpu.memory_space<hbm>> -> memref<50003x384xf32, #tpu.memory_space<hbm>>
      tpu.wait_indirect_dma semaphore(%arg10 : memref<!tpu.dma_semaphore, #tpu.memory_space<semaphore_mem>>) src(%dma_wait3A_167 : memref<50003x384xf32, #tpu.memory_space<hbm>>) dst(%dma_wait3A_161 : memref<40x384xf32, #tpu.memory_space<vmem>>)
      %scan3A_168 = arith.constant 0 : i32
      %scan3A_169 = arith.constant 40 : i32
      %scan3A_170 = arith.addi %scan3A_168, %scan3A_169 : i32
      %scan3A_171 = arith.constant 2 : i32
      %scan3A_172:19 = scf.for %scan3A_331 = %scan3A_168 to %scan3A_170 step %scan3A_171 iter_args(%scan3A_332 = %scan3A_146#0, %scan3A_333 = %scan3A_146#1, %scan3A_334 = %scan3A_146#2, %scan3A_335 = %scan3A_146#3, %scan3A_336 = %scan3A_146#4, %scan3A_337 = %scan3A_146#5, %scan3A_338 = %scan3A_146#6, %scan3A_339 = %scan3A_146#7, %scan3A_340 = %scan3A_146#8, %scan3A_341 = %scan3A_146#9, %scan3A_342 = %scan3A_146#10, %scan3A_343 = %scan3A_146#11, %scan3A_344 = %scan3A_146#12, %scan3A_345 = %scan3A_146#13, %scan3A_346 = %scan3A_146#14, %scan3A_347 = %scan3A_146#15, %scan3A_348 = %scan3A_146#16, %scan3A_349 = %scan3A_146#17, %scan3A_350 = %scan3A_146#18) -> (vector<16xf32>, vector<16xf32>, vector<16xf32>, vector<16xf32>, vector<16xf32>, vector<16xf32>, vector<16xf32>, vector<16xf32>, vector<16xf32>, vector<16xf32>, vector<16xf32>, vector<16xf32>, vector<16xf32>, vector<16xf32>, vector<16xf32>, vector<16xf32>, vector<16xf32>, vector<16xf32>, vector<16xf32>)  : i32 {
        %get3A = arith.constant 2 : i32
        %get3A_351 = arith.index_cast %get3A : i32 to index
        %get3A_352 = arith.index_cast %scan3A_331 : i32 to index
        %get3A_353 = arith.constant 0 : index
        %get3A_354 = tpu.vector_load %arg6[%get3A_351, %get3A_352, %get3A_353] {strides = array<i32>} : memref<5x40x384xf32, #tpu.memory_space<vmem>>, vector<1x1x16xf32>,
        %get3A_355 = vector.shape_cast %get3A_354 : vector<1x1x16xf32> to vector<16xf32>
        %add3A_356 = arith.addf %scan3A_332, %get3A_355 : vector<16xf32>
        %get3A_357 = arith.constant 2 : i32
        %get3A_358 = arith.index_cast %get3A_357 : i32 to index
        %get3A_359 = arith.index_cast %scan3A_331 : i32 to index
        %get3A_360 = arith.constant 16 : index
        %get3A_361 = tpu.vector_load %arg6[%get3A_358, %get3A_359, %get3A_360] {strides = array<i32>} : memref<5x40x384xf32, #tpu.memory_space<vmem>>, vector<1x1x16xf32>,
        %get3A_362 = vector.shape_cast %get3A_361 : vector<1x1x16xf32> to vector<16xf32>
        %add3A_363 = arith.addf %scan3A_333, %get3A_362 : vector<16xf32>
        %get3A_364 = arith.constant 2 : i32
        %get3A_365 = arith.index_cast %get3A_364 : i32 to index
        %get3A_366 = arith.index_cast %scan3A_331 : i32 to index
        %get3A_367 = arith.constant 32 : index
        %get3A_368 = tpu.vector_load %arg6[%get3A_365, %get3A_366, %get3A_367] {strides = array<i32>} : memref<5x40x384xf32, #tpu.memory_space<vmem>>, vector<1x1x16xf32>,
        %get3A_369 = vector.shape_cast %get3A_368 : vector<1x1x16xf32> to vector<16xf32>
        %add3A_370 = arith.addf %scan3A_334, %get3A_369 : vector<16xf32>
        %get3A_371 = arith.constant 2 : i32
        %get3A_372 = arith.index_cast %get3A_371 : i32 to index
        %get3A_373 = arith.index_cast %scan3A_331 : i32 to index
        %get3A_374 = arith.constant 48 : index
        %get3A_375 = tpu.vector_load %arg6[%get3A_372, %get3A_373, %get3A_374] {strides = array<i32>} : memref<5x40x384xf32, #tpu.memory_space<vmem>>, vector<1x1x16xf32>,
        %get3A_376 = vector.shape_cast %get3A_375 : vector<1x1x16xf32> to vector<16xf32>
        %add3A_377 = arith.addf %scan3A_335, %get3A_376 : vector<16xf32>
        %get3A_378 = arith.constant 2 : i32
        %get3A_379 = arith.index_cast %get3A_378 : i32 to index
        %get3A_380 = arith.index_cast %scan3A_331 : i32 to index
        %get3A_381 = arith.constant 64 : index
        %get3A_382 = tpu.vector_load %arg6[%get3A_379, %get3A_380, %get3A_381] {strides = array<i32>} : memref<5x40x384xf32, #tpu.memory_space<vmem>>, vector<1x1x16xf32>,
        %get3A_383 = vector.shape_cast %get3A_382 : vector<1x1x16xf32> to vector<16xf32>
        %add3A_384 = arith.addf %scan3A_336, %get3A_383 : vector<16xf32>
        %get3A_385 = arith.constant 2 : i32
        %get3A_386 = arith.index_cast %get3A_385 : i32 to index
        %get3A_387 = arith.index_cast %scan3A_331 : i32 to index
        %get3A_388 = arith.constant 80 : index
        %get3A_389 = tpu.vector_load %arg6[%get3A_386, %get3A_387, %get3A_388] {strides = array<i32>} : memref<5x40x384xf32, #tpu.memory_space<vmem>>, vector<1x1x16xf32>,
        %get3A_390 = vector.shape_cast %get3A_389 : vector<1x1x16xf32> to vector<16xf32>
        %add3A_391 = arith.addf %scan3A_337, %get3A_390 : vector<16xf32>
        %get3A_392 = arith.constant 2 : i32
        %get3A_393 = arith.index_cast %get3A_392 : i32 to index
        %get3A_394 = arith.index_cast %scan3A_331 : i32 to index
        %get3A_395 = arith.constant 96 : index
        %get3A_396 = tpu.vector_load %arg6[%get3A_393, %get3A_394, %get3A_395] {strides = array<i32>} : memref<5x40x384xf32, #tpu.memory_space<vmem>>, vector<1x1x16xf32>,
        %get3A_397 = vector.shape_cast %get3A_396 : vector<1x1x16xf32> to vector<16xf32>
        %add3A_398 = arith.addf %scan3A_338, %get3A_397 : vector<16xf32>
        %get3A_399 = arith.constant 2 : i32
        %get3A_400 = arith.index_cast %get3A_399 : i32 to index
        %get3A_401 = arith.index_cast %scan3A_331 : i32 to index
        %get3A_402 = arith.constant 112 : index
        %get3A_403 = tpu.vector_load %arg6[%get3A_400, %get3A_401, %get3A_402] {strides = array<i32>} : memref<5x40x384xf32, #tpu.memory_space<vmem>>, vector<1x1x16xf32>,
        %get3A_404 = vector.shape_cast %get3A_403 : vector<1x1x16xf32> to vector<16xf32>
        %add3A_405 = arith.addf %scan3A_339, %get3A_404 : vector<16xf32>
        %get3A_406 = arith.constant 2 : i32
        %get3A_407 = arith.index_cast %get3A_406 : i32 to index
        %get3A_408 = arith.index_cast %scan3A_331 : i32 to index
        %get3A_409 = arith.constant 128 : index
        %get3A_410 = tpu.vector_load %arg6[%get3A_407, %get3A_408, %get3A_409] {strides = array<i32>} : memref<5x40x384xf32, #tpu.memory_space<vmem>>, vector<1x1x16xf32>,
        %get3A_411 = vector.shape_cast %get3A_410 : vector<1x1x16xf32> to vector<16xf32>
        %add3A_412 = arith.addf %scan3A_340, %get3A_411 : vector<16xf32>
        %get3A_413 = arith.constant 2 : i32
        %get3A_414 = arith.index_cast %get3A_413 : i32 to index
        %get3A_415 = arith.index_cast %scan3A_331 : i32 to index
        %get3A_416 = arith.constant 144 : index
        %get3A_417 = tpu.vector_load %arg6[%get3A_414, %get3A_415, %get3A_416] {strides = array<i32>} : memref<5x40x384xf32, #tpu.memory_space<vmem>>, vector<1x1x16xf32>,
        %get3A_418 = vector.shape_cast %get3A_417 : vector<1x1x16xf32> to vector<16xf32>
        %add3A_419 = arith.addf %scan3A_341, %get3A_418 : vector<16xf32>
        %get3A_420 = arith.constant 2 : i32
        %get3A_421 = arith.index_cast %get3A_420 : i32 to index
        %get3A_422 = arith.index_cast %scan3A_331 : i32 to index
        %get3A_423 = arith.constant 160 : index
        %get3A_424 = tpu.vector_load %arg6[%get3A_421, %get3A_422, %get3A_423] {strides = array<i32>} : memref<5x40x384xf32, #tpu.memory_space<vmem>>, vector<1x1x16xf32>,
        %get3A_425 = vector.shape_cast %get3A_424 : vector<1x1x16xf32> to vector<16xf32>
        %add3A_426 = arith.addf %scan3A_342, %get3A_425 : vector<16xf32>
        %get3A_427 = arith.constant 2 : i32
        %get3A_428 = arith.index_cast %get3A_427 : i32 to index
        %get3A_429 = arith.index_cast %scan3A_331 : i32 to index
        %get3A_430 = arith.constant 176 : index
        %get3A_431 = tpu.vector_load %arg6[%get3A_428, %get3A_429, %get3A_430] {strides = array<i32>} : memref<5x40x384xf32, #tpu.memory_space<vmem>>, vector<1x1x16xf32>,
        %get3A_432 = vector.shape_cast %get3A_431 : vector<1x1x16xf32> to vector<16xf32>
        %add3A_433 = arith.addf %scan3A_343, %get3A_432 : vector<16xf32>
        %get3A_434 = arith.constant 2 : i32
        %get3A_435 = arith.index_cast %get3A_434 : i32 to index
        %get3A_436 = arith.index_cast %scan3A_331 : i32 to index
        %get3A_437 = arith.constant 192 : index
        %get3A_438 = tpu.vector_load %arg6[%get3A_435, %get3A_436, %get3A_437] {strides = array<i32>} : memref<5x40x384xf32, #tpu.memory_space<vmem>>, vector<1x1x16xf32>,
        %get3A_439 = vector.shape_cast %get3A_438 : vector<1x1x16xf32> to vector<16xf32>
        %add3A_440 = arith.addf %scan3A_344, %get3A_439 : vector<16xf32>
        %get3A_441 = arith.constant 2 : i32
        %get3A_442 = arith.index_cast %get3A_441 : i32 to index
        %get3A_443 = arith.index_cast %scan3A_331 : i32 to index
        %get3A_444 = arith.constant 208 : index
        %get3A_445 = tpu.vector_load %arg6[%get3A_442, %get3A_443, %get3A_444] {strides = array<i32>} : memref<5x40x384xf32, #tpu.memory_space<vmem>>, vector<1x1x16xf32>,
        %get3A_446 = vector.shape_cast %get3A_445 : vector<1x1x16xf32> to vector<16xf32>
        %add3A_447 = arith.addf %scan3A_345, %get3A_446 : vector<16xf32>
        %get3A_448 = arith.constant 2 : i32
        %get3A_449 = arith.index_cast %get3A_448 : i32 to index
        %get3A_450 = arith.index_cast %scan3A_331 : i32 to index
        %get3A_451 = arith.constant 224 : index
        %get3A_452 = tpu.vector_load %arg6[%get3A_449, %get3A_450, %get3A_451] {strides = array<i32>} : memref<5x40x384xf32, #tpu.memory_space<vmem>>, vector<1x1x16xf32>,
        %get3A_453 = vector.shape_cast %get3A_452 : vector<1x1x16xf32> to vector<16xf32>
        %add3A_454 = arith.addf %scan3A_346, %get3A_453 : vector<16xf32>
        %get3A_455 = arith.constant 2 : i32
        %get3A_456 = arith.index_cast %get3A_455 : i32 to index
        %get3A_457 = arith.index_cast %scan3A_331 : i32 to index
        %get3A_458 = arith.constant 240 : index
        %get3A_459 = tpu.vector_load %arg6[%get3A_456, %get3A_457, %get3A_458] {strides = array<i32>} : memref<5x40x384xf32, #tpu.memory_space<vmem>>, vector<1x1x16xf32>,
        %get3A_460 = vector.shape_cast %get3A_459 : vector<1x1x16xf32> to vector<16xf32>
        %add3A_461 = arith.addf %scan3A_347, %get3A_460 : vector<16xf32>
        %get3A_462 = arith.constant 2 : i32
        %get3A_463 = arith.index_cast %get3A_462 : i32 to index
        %get3A_464 = arith.index_cast %scan3A_331 : i32 to index
        %get3A_465 = arith.constant 256 : index
        %get3A_466 = tpu.vector_load %arg6[%get3A_463, %get3A_464, %get3A_465] {strides = array<i32>} : memref<5x40x384xf32, #tpu.memory_space<vmem>>, vector<1x1x16xf32>,
        %get3A_467 = vector.shape_cast %get3A_466 : vector<1x1x16xf32> to vector<16xf32>
        %add3A_468 = arith.addf %scan3A_348, %get3A_467 : vector<16xf32>
        %get3A_469 = arith.constant 2 : i32
        %get3A_470 = arith.index_cast %get3A_469 : i32 to index
        %get3A_471 = arith.index_cast %scan3A_331 : i32 to index
        %get3A_472 = arith.constant 272 : index
        %get3A_473 = tpu.vector_load %arg6[%get3A_470, %get3A_471, %get3A_472] {strides = array<i32>} : memref<5x40x384xf32, #tpu.memory_space<vmem>>, vector<1x1x16xf32>,
        %get3A_474 = vector.shape_cast %get3A_473 : vector<1x1x16xf32> to vector<16xf32>
        %add3A_475 = arith.addf %scan3A_349, %get3A_474 : vector<16xf32>
        %get3A_476 = arith.constant 2 : i32
        %get3A_477 = arith.index_cast %get3A_476 : i32 to index
        %get3A_478 = arith.index_cast %scan3A_331 : i32 to index
        %get3A_479 = arith.constant 288 : index
        %get3A_480 = tpu.vector_load %arg6[%get3A_477, %get3A_478, %get3A_479] {strides = array<i32>} : memref<5x40x384xf32, #tpu.memory_space<vmem>>, vector<1x1x16xf32>,
        %get3A_481 = vector.shape_cast %get3A_480 : vector<1x1x16xf32> to vector<16xf32>
        %add3A_482 = arith.addf %scan3A_350, %get3A_481 : vector<16xf32>
        %scan3A_483 = arith.constant 1 : i32
        %scan3A_484 = arith.addi %scan3A_331, %scan3A_483 : i32
        %get3A_485 = arith.constant 2 : i32
        %get3A_486 = arith.index_cast %get3A_485 : i32 to index
        %get3A_487 = arith.index_cast %scan3A_484 : i32 to index
        %get3A_488 = arith.constant 0 : index
        %get3A_489 = tpu.vector_load %arg6[%get3A_486, %get3A_487, %get3A_488] {strides = array<i32>} : memref<5x40x384xf32, #tpu.memory_space<vmem>>, vector<1x1x16xf32>,
        %get3A_490 = vector.shape_cast %get3A_489 : vector<1x1x16xf32> to vector<16xf32>
        %add3A_491 = arith.addf %add3A_356, %get3A_490 : vector<16xf32>
        %get3A_492 = arith.constant 2 : i32
        %get3A_493 = arith.index_cast %get3A_492 : i32 to index
        %get3A_494 = arith.index_cast %scan3A_484 : i32 to index
        %get3A_495 = arith.constant 16 : index
        %get3A_496 = tpu.vector_load %arg6[%get3A_493, %get3A_494, %get3A_495] {strides = array<i32>} : memref<5x40x384xf32, #tpu.memory_space<vmem>>, vector<1x1x16xf32>,
        %get3A_497 = vector.shape_cast %get3A_496 : vector<1x1x16xf32> to vector<16xf32>
        %add3A_498 = arith.addf %add3A_363, %get3A_497 : vector<16xf32>
        %get3A_499 = arith.constant 2 : i32
        %get3A_500 = arith.index_cast %get3A_499 : i32 to index
        %get3A_501 = arith.index_cast %scan3A_484 : i32 to index
        %get3A_502 = arith.constant 32 : index
        %get3A_503 = tpu.vector_load %arg6[%get3A_500, %get3A_501, %get3A_502] {strides = array<i32>} : memref<5x40x384xf32, #tpu.memory_space<vmem>>, vector<1x1x16xf32>,
        %get3A_504 = vector.shape_cast %get3A_503 : vector<1x1x16xf32> to vector<16xf32>
        %add3A_505 = arith.addf %add3A_370, %get3A_504 : vector<16xf32>
        %get3A_506 = arith.constant 2 : i32
        %get3A_507 = arith.index_cast %get3A_506 : i32 to index
        %get3A_508 = arith.index_cast %scan3A_484 : i32 to index
        %get3A_509 = arith.constant 48 : index
        %get3A_510 = tpu.vector_load %arg6[%get3A_507, %get3A_508, %get3A_509] {strides = array<i32>} : memref<5x40x384xf32, #tpu.memory_space<vmem>>, vector<1x1x16xf32>,
        %get3A_511 = vector.shape_cast %get3A_510 : vector<1x1x16xf32> to vector<16xf32>
        %add3A_512 = arith.addf %add3A_377, %get3A_511 : vector<16xf32>
        %get3A_513 = arith.constant 2 : i32
        %get3A_514 = arith.index_cast %get3A_513 : i32 to index
        %get3A_515 = arith.index_cast %scan3A_484 : i32 to index
        %get3A_516 = arith.constant 64 : index
        %get3A_517 = tpu.vector_load %arg6[%get3A_514, %get3A_515, %get3A_516] {strides = array<i32>} : memref<5x40x384xf32, #tpu.memory_space<vmem>>, vector<1x1x16xf32>,
        %get3A_518 = vector.shape_cast %get3A_517 : vector<1x1x16xf32> to vector<16xf32>
        %add3A_519 = arith.addf %add3A_384, %get3A_518 : vector<16xf32>
        %get3A_520 = arith.constant 2 : i32
        %get3A_521 = arith.index_cast %get3A_520 : i32 to index
        %get3A_522 = arith.index_cast %scan3A_484 : i32 to index
        %get3A_523 = arith.constant 80 : index
        %get3A_524 = tpu.vector_load %arg6[%get3A_521, %get3A_522, %get3A_523] {strides = array<i32>} : memref<5x40x384xf32, #tpu.memory_space<vmem>>, vector<1x1x16xf32>,
        %get3A_525 = vector.shape_cast %get3A_524 : vector<1x1x16xf32> to vector<16xf32>
        %add3A_526 = arith.addf %add3A_391, %get3A_525 : vector<16xf32>
        %get3A_527 = arith.constant 2 : i32
        %get3A_528 = arith.index_cast %get3A_527 : i32 to index
        %get3A_529 = arith.index_cast %scan3A_484 : i32 to index
        %get3A_530 = arith.constant 96 : index
        %get3A_531 = tpu.vector_load %arg6[%get3A_528, %get3A_529, %get3A_530] {strides = array<i32>} : memref<5x40x384xf32, #tpu.memory_space<vmem>>, vector<1x1x16xf32>,
        %get3A_532 = vector.shape_cast %get3A_531 : vector<1x1x16xf32> to vector<16xf32>
        %add3A_533 = arith.addf %add3A_398, %get3A_532 : vector<16xf32>
        %get3A_534 = arith.constant 2 : i32
        %get3A_535 = arith.index_cast %get3A_534 : i32 to index
        %get3A_536 = arith.index_cast %scan3A_484 : i32 to index
        %get3A_537 = arith.constant 112 : index
        %get3A_538 = tpu.vector_load %arg6[%get3A_535, %get3A_536, %get3A_537] {strides = array<i32>} : memref<5x40x384xf32, #tpu.memory_space<vmem>>, vector<1x1x16xf32>,
        %get3A_539 = vector.shape_cast %get3A_538 : vector<1x1x16xf32> to vector<16xf32>
        %add3A_540 = arith.addf %add3A_405, %get3A_539 : vector<16xf32>
        %get3A_541 = arith.constant 2 : i32
        %get3A_542 = arith.index_cast %get3A_541 : i32 to index
        %get3A_543 = arith.index_cast %scan3A_484 : i32 to index
        %get3A_544 = arith.constant 128 : index
        %get3A_545 = tpu.vector_load %arg6[%get3A_542, %get3A_543, %get3A_544] {strides = array<i32>} : memref<5x40x384xf32, #tpu.memory_space<vmem>>, vector<1x1x16xf32>,
        %get3A_546 = vector.shape_cast %get3A_545 : vector<1x1x16xf32> to vector<16xf32>
        %add3A_547 = arith.addf %add3A_412, %get3A_546 : vector<16xf32>
        %get3A_548 = arith.constant 2 : i32
        %get3A_549 = arith.index_cast %get3A_548 : i32 to index
        %get3A_550 = arith.index_cast %scan3A_484 : i32 to index
        %get3A_551 = arith.constant 144 : index
        %get3A_552 = tpu.vector_load %arg6[%get3A_549, %get3A_550, %get3A_551] {strides = array<i32>} : memref<5x40x384xf32, #tpu.memory_space<vmem>>, vector<1x1x16xf32>,
        %get3A_553 = vector.shape_cast %get3A_552 : vector<1x1x16xf32> to vector<16xf32>
        %add3A_554 = arith.addf %add3A_419, %get3A_553 : vector<16xf32>
        %get3A_555 = arith.constant 2 : i32
        %get3A_556 = arith.index_cast %get3A_555 : i32 to index
        %get3A_557 = arith.index_cast %scan3A_484 : i32 to index
        %get3A_558 = arith.constant 160 : index
        %get3A_559 = tpu.vector_load %arg6[%get3A_556, %get3A_557, %get3A_558] {strides = array<i32>} : memref<5x40x384xf32, #tpu.memory_space<vmem>>, vector<1x1x16xf32>,
        %get3A_560 = vector.shape_cast %get3A_559 : vector<1x1x16xf32> to vector<16xf32>
        %add3A_561 = arith.addf %add3A_426, %get3A_560 : vector<16xf32>
        %get3A_562 = arith.constant 2 : i32
        %get3A_563 = arith.index_cast %get3A_562 : i32 to index
        %get3A_564 = arith.index_cast %scan3A_484 : i32 to index
        %get3A_565 = arith.constant 176 : index
        %get3A_566 = tpu.vector_load %arg6[%get3A_563, %get3A_564, %get3A_565] {strides = array<i32>} : memref<5x40x384xf32, #tpu.memory_space<vmem>>, vector<1x1x16xf32>,
        %get3A_567 = vector.shape_cast %get3A_566 : vector<1x1x16xf32> to vector<16xf32>
        %add3A_568 = arith.addf %add3A_433, %get3A_567 : vector<16xf32>
        %get3A_569 = arith.constant 2 : i32
        %get3A_570 = arith.index_cast %get3A_569 : i32 to index
        %get3A_571 = arith.index_cast %scan3A_484 : i32 to index
        %get3A_572 = arith.constant 192 : index
        %get3A_573 = tpu.vector_load %arg6[%get3A_570, %get3A_571, %get3A_572] {strides = array<i32>} : memref<5x40x384xf32, #tpu.memory_space<vmem>>, vector<1x1x16xf32>,
        %get3A_574 = vector.shape_cast %get3A_573 : vector<1x1x16xf32> to vector<16xf32>
        %add3A_575 = arith.addf %add3A_440, %get3A_574 : vector<16xf32>
        %get3A_576 = arith.constant 2 : i32
        %get3A_577 = arith.index_cast %get3A_576 : i32 to index
        %get3A_578 = arith.index_cast %scan3A_484 : i32 to index
        %get3A_579 = arith.constant 208 : index
        %get3A_580 = tpu.vector_load %arg6[%get3A_577, %get3A_578, %get3A_579] {strides = array<i32>} : memref<5x40x384xf32, #tpu.memory_space<vmem>>, vector<1x1x16xf32>,
        %get3A_581 = vector.shape_cast %get3A_580 : vector<1x1x16xf32> to vector<16xf32>
        %add3A_582 = arith.addf %add3A_447, %get3A_581 : vector<16xf32>
        %get3A_583 = arith.constant 2 : i32
        %get3A_584 = arith.index_cast %get3A_583 : i32 to index
        %get3A_585 = arith.index_cast %scan3A_484 : i32 to index
        %get3A_586 = arith.constant 224 : index
        %get3A_587 = tpu.vector_load %arg6[%get3A_584, %get3A_585, %get3A_586] {strides = array<i32>} : memref<5x40x384xf32, #tpu.memory_space<vmem>>, vector<1x1x16xf32>,
        %get3A_588 = vector.shape_cast %get3A_587 : vector<1x1x16xf32> to vector<16xf32>
        %add3A_589 = arith.addf %add3A_454, %get3A_588 : vector<16xf32>
        %get3A_590 = arith.constant 2 : i32
        %get3A_591 = arith.index_cast %get3A_590 : i32 to index
        %get3A_592 = arith.index_cast %scan3A_484 : i32 to index
        %get3A_593 = arith.constant 240 : index
        %get3A_594 = tpu.vector_load %arg6[%get3A_591, %get3A_592, %get3A_593] {strides = array<i32>} : memref<5x40x384xf32, #tpu.memory_space<vmem>>, vector<1x1x16xf32>,
        %get3A_595 = vector.shape_cast %get3A_594 : vector<1x1x16xf32> to vector<16xf32>
        %add3A_596 = arith.addf %add3A_461, %get3A_595 : vector<16xf32>
        %get3A_597 = arith.constant 2 : i32
        %get3A_598 = arith.index_cast %get3A_597 : i32 to index
        %get3A_599 = arith.index_cast %scan3A_484 : i32 to index
        %get3A_600 = arith.constant 256 : index
        %get3A_601 = tpu.vector_load %arg6[%get3A_598, %get3A_599, %get3A_600] {strides = array<i32>} : memref<5x40x384xf32, #tpu.memory_space<vmem>>, vector<1x1x16xf32>,
        %get3A_602 = vector.shape_cast %get3A_601 : vector<1x1x16xf32> to vector<16xf32>
        %add3A_603 = arith.addf %add3A_468, %get3A_602 : vector<16xf32>
        %get3A_604 = arith.constant 2 : i32
        %get3A_605 = arith.index_cast %get3A_604 : i32 to index
        %get3A_606 = arith.index_cast %scan3A_484 : i32 to index
        %get3A_607 = arith.constant 272 : index
        %get3A_608 = tpu.vector_load %arg6[%get3A_605, %get3A_606, %get3A_607] {strides = array<i32>} : memref<5x40x384xf32, #tpu.memory_space<vmem>>, vector<1x1x16xf32>,
        %get3A_609 = vector.shape_cast %get3A_608 : vector<1x1x16xf32> to vector<16xf32>
        %add3A_610 = arith.addf %add3A_475, %get3A_609 : vector<16xf32>
        %get3A_611 = arith.constant 2 : i32
        %get3A_612 = arith.index_cast %get3A_611 : i32 to index
        %get3A_613 = arith.index_cast %scan3A_484 : i32 to index
        %get3A_614 = arith.constant 288 : index
        %get3A_615 = tpu.vector_load %arg6[%get3A_612, %get3A_613, %get3A_614] {strides = array<i32>} : memref<5x40x384xf32, #tpu.memory_space<vmem>>, vector<1x1x16xf32>,
        %get3A_616 = vector.shape_cast %get3A_615 : vector<1x1x16xf32> to vector<16xf32>
        %add3A_617 = arith.addf %add3A_482, %get3A_616 : vector<16xf32>
        scf.yield %add3A_491, %add3A_498, %add3A_505, %add3A_512, %add3A_519, %add3A_526, %add3A_533, %add3A_540, %add3A_547, %add3A_554, %add3A_561, %add3A_568, %add3A_575, %add3A_582, %add3A_589, %add3A_596, %add3A_603, %add3A_610, %add3A_617 : vector<16xf32>, vector<16xf32>, vector<16xf32>, vector<16xf32>, vector<16xf32>, vector<16xf32>, vector<16xf32>, vector<16xf32>, vector<16xf32>, vector<16xf32>, vector<16xf32>, vector<16xf32>, vector<16xf32>, vector<16xf32>, vector<16xf32>, vector<16xf32>, vector<16xf32>, vector<16xf32>, vector<16xf32>
      }
      %scan3A_173 = arith.constant 40 : i32
      %add3A_174 = arith.constant 5 : i32
      %add3A_175 = arith.addi %add3A_156, %add3A_174 : i32
      %lt3A_176 = arith.constant 160 : i32
      %lt3A_177 = arith.cmpi slt, %add3A_175, %lt3A_176 : i32
      %convert_element_type3A_178 = arith.extui %lt3A_177 : i1 to i32
      %cond3A_179 = arith.constant 0 : i32
      %cond3A_180 = arith.cmpi ne, %convert_element_type3A_178, %cond3A_179 : i32
      scf.if %cond3A_180 {
        %add3A_331 = arith.constant 5 : i32
        %add3A_332 = arith.addi %add3A_156, %add3A_331 : i32
        %dma_start3A_333 = arith.constant 2 : i32
        %dma_start3A_334 = arith.constant 0 : i32
        %dma_start3A_335 = arith.constant 0 : i32
        %dma_start3A_336 = tpu.memref_slice %arg6[%dma_start3A_333, %dma_start3A_334, %dma_start3A_335] : memref<5x40x384xf32, #tpu.memory_space<vmem>> -> memref<1x40x384xf32, #tpu.memory_space<vmem>>
        %dma_start3A_337 = tpu.memref_squeeze %dma_start3A_336 : memref<1x40x384xf32, #tpu.memory_space<vmem>> -> memref<40x384xf32, #tpu.memory_space<vmem>>
        %dma_start3A_338 = arith.constant 0 : i32
        %dma_start3A_339 = tpu.memref_slice %arg5[%add3A_332, %dma_start3A_338] : memref<160x40xi32, #tpu.memory_space<vmem>> -> memref<1x40xi32, #tpu.memory_space<vmem>>
        %dma_start3A_340 = tpu.memref_squeeze %dma_start3A_339 : memref<1x40xi32, #tpu.memory_space<vmem>> -> memref<40xi32, #tpu.memory_space<vmem>>
        %dma_start3A_341 = arith.constant 0 : i32
        %dma_start3A_342 = arith.constant 0 : i32
        %dma_start3A_343 = tpu.memref_slice %arg2[%dma_start3A_341, %dma_start3A_342] : memref<50003x384xf32, #tpu.memory_space<hbm>> -> memref<50003x384xf32, #tpu.memory_space<hbm>>
        tpu.enqueue_indirect_dma source(%dma_start3A_343 : memref<50003x384xf32, #tpu.memory_space<hbm>>) target(%dma_start3A_337 : memref<40x384xf32, #tpu.memory_space<vmem>>) offsets(%dma_start3A_340 : memref<40xi32, #tpu.memory_space<vmem>>) semaphore(%arg10 : memref<!tpu.dma_semaphore, #tpu.memory_space<semaphore_mem>>)
      } else {
      }
      %add3A_181 = arith.constant 3 : i32
      %add3A_182 = arith.addi %mul3A_69, %add3A_181 : i32
      %dma_wait3A_183 = arith.constant 3 : i32
      %dma_wait3A_184 = arith.constant 0 : i32
      %dma_wait3A_185 = arith.constant 0 : i32
      %dma_wait3A_186 = tpu.memref_slice %arg6[%dma_wait3A_183, %dma_wait3A_184, %dma_wait3A_185] : memref<5x40x384xf32, #tpu.memory_space<vmem>> -> memref<1x40x384xf32, #tpu.memory_space<vmem>>
      %dma_wait3A_187 = tpu.memref_squeeze %dma_wait3A_186 : memref<1x40x384xf32, #tpu.memory_space<vmem>> -> memref<40x384xf32, #tpu.memory_space<vmem>>
      %dma_wait3A_188 = arith.constant 0 : i32
      %dma_wait3A_189 = tpu.memref_slice %arg5[%add3A_182, %dma_wait3A_188] : memref<160x40xi32, #tpu.memory_space<vmem>> -> memref<1x40xi32, #tpu.memory_space<vmem>>
      %dma_wait3A_190 = tpu.memref_squeeze %dma_wait3A_189 : memref<1x40xi32, #tpu.memory_space<vmem>> -> memref<40xi32, #tpu.memory_space<vmem>>
      %dma_wait3A_191 = arith.constant 0 : i32
      %dma_wait3A_192 = arith.constant 0 : i32
      %dma_wait3A_193 = tpu.memref_slice %arg2[%dma_wait3A_191, %dma_wait3A_192] : memref<50003x384xf32, #tpu.memory_space<hbm>> -> memref<50003x384xf32, #tpu.memory_space<hbm>>
      tpu.wait_indirect_dma semaphore(%arg11 : memref<!tpu.dma_semaphore, #tpu.memory_space<semaphore_mem>>) src(%dma_wait3A_193 : memref<50003x384xf32, #tpu.memory_space<hbm>>) dst(%dma_wait3A_187 : memref<40x384xf32, #tpu.memory_space<vmem>>)
      %scan3A_194 = arith.constant 0 : i32
      %scan3A_195 = arith.constant 40 : i32
      %scan3A_196 = arith.addi %scan3A_194, %scan3A_195 : i32
      %scan3A_197 = arith.constant 2 : i32
      %scan3A_198:19 = scf.for %scan3A_331 = %scan3A_194 to %scan3A_196 step %scan3A_197 iter_args(%scan3A_332 = %scan3A_172#0, %scan3A_333 = %scan3A_172#1, %scan3A_334 = %scan3A_172#2, %scan3A_335 = %scan3A_172#3, %scan3A_336 = %scan3A_172#4, %scan3A_337 = %scan3A_172#5, %scan3A_338 = %scan3A_172#6, %scan3A_339 = %scan3A_172#7, %scan3A_340 = %scan3A_172#8, %scan3A_341 = %scan3A_172#9, %scan3A_342 = %scan3A_172#10, %scan3A_343 = %scan3A_172#11, %scan3A_344 = %scan3A_172#12, %scan3A_345 = %scan3A_172#13, %scan3A_346 = %scan3A_172#14, %scan3A_347 = %scan3A_172#15, %scan3A_348 = %scan3A_172#16, %scan3A_349 = %scan3A_172#17, %scan3A_350 = %scan3A_172#18) -> (vector<16xf32>, vector<16xf32>, vector<16xf32>, vector<16xf32>, vector<16xf32>, vector<16xf32>, vector<16xf32>, vector<16xf32>, vector<16xf32>, vector<16xf32>, vector<16xf32>, vector<16xf32>, vector<16xf32>, vector<16xf32>, vector<16xf32>, vector<16xf32>, vector<16xf32>, vector<16xf32>, vector<16xf32>)  : i32 {
        %get3A = arith.constant 3 : i32
        %get3A_351 = arith.index_cast %get3A : i32 to index
        %get3A_352 = arith.index_cast %scan3A_331 : i32 to index
        %get3A_353 = arith.constant 0 : index
        %get3A_354 = tpu.vector_load %arg6[%get3A_351, %get3A_352, %get3A_353] {strides = array<i32>} : memref<5x40x384xf32, #tpu.memory_space<vmem>>, vector<1x1x16xf32>,
        %get3A_355 = vector.shape_cast %get3A_354 : vector<1x1x16xf32> to vector<16xf32>
        %add3A_356 = arith.addf %scan3A_332, %get3A_355 : vector<16xf32>
        %get3A_357 = arith.constant 3 : i32
        %get3A_358 = arith.index_cast %get3A_357 : i32 to index
        %get3A_359 = arith.index_cast %scan3A_331 : i32 to index
        %get3A_360 = arith.constant 16 : index
        %get3A_361 = tpu.vector_load %arg6[%get3A_358, %get3A_359, %get3A_360] {strides = array<i32>} : memref<5x40x384xf32, #tpu.memory_space<vmem>>, vector<1x1x16xf32>,
        %get3A_362 = vector.shape_cast %get3A_361 : vector<1x1x16xf32> to vector<16xf32>
        %add3A_363 = arith.addf %scan3A_333, %get3A_362 : vector<16xf32>
        %get3A_364 = arith.constant 3 : i32
        %get3A_365 = arith.index_cast %get3A_364 : i32 to index
        %get3A_366 = arith.index_cast %scan3A_331 : i32 to index
        %get3A_367 = arith.constant 32 : index
        %get3A_368 = tpu.vector_load %arg6[%get3A_365, %get3A_366, %get3A_367] {strides = array<i32>} : memref<5x40x384xf32, #tpu.memory_space<vmem>>, vector<1x1x16xf32>,
        %get3A_369 = vector.shape_cast %get3A_368 : vector<1x1x16xf32> to vector<16xf32>
        %add3A_370 = arith.addf %scan3A_334, %get3A_369 : vector<16xf32>
        %get3A_371 = arith.constant 3 : i32
        %get3A_372 = arith.index_cast %get3A_371 : i32 to index
        %get3A_373 = arith.index_cast %scan3A_331 : i32 to index
        %get3A_374 = arith.constant 48 : index
        %get3A_375 = tpu.vector_load %arg6[%get3A_372, %get3A_373, %get3A_374] {strides = array<i32>} : memref<5x40x384xf32, #tpu.memory_space<vmem>>, vector<1x1x16xf32>,
        %get3A_376 = vector.shape_cast %get3A_375 : vector<1x1x16xf32> to vector<16xf32>
        %add3A_377 = arith.addf %scan3A_335, %get3A_376 : vector<16xf32>
        %get3A_378 = arith.constant 3 : i32
        %get3A_379 = arith.index_cast %get3A_378 : i32 to index
        %get3A_380 = arith.index_cast %scan3A_331 : i32 to index
        %get3A_381 = arith.constant 64 : index
        %get3A_382 = tpu.vector_load %arg6[%get3A_379, %get3A_380, %get3A_381] {strides = array<i32>} : memref<5x40x384xf32, #tpu.memory_space<vmem>>, vector<1x1x16xf32>,
        %get3A_383 = vector.shape_cast %get3A_382 : vector<1x1x16xf32> to vector<16xf32>
        %add3A_384 = arith.addf %scan3A_336, %get3A_383 : vector<16xf32>
        %get3A_385 = arith.constant 3 : i32
        %get3A_386 = arith.index_cast %get3A_385 : i32 to index
        %get3A_387 = arith.index_cast %scan3A_331 : i32 to index
        %get3A_388 = arith.constant 80 : index
        %get3A_389 = tpu.vector_load %arg6[%get3A_386, %get3A_387, %get3A_388] {strides = array<i32>} : memref<5x40x384xf32, #tpu.memory_space<vmem>>, vector<1x1x16xf32>,
        %get3A_390 = vector.shape_cast %get3A_389 : vector<1x1x16xf32> to vector<16xf32>
        %add3A_391 = arith.addf %scan3A_337, %get3A_390 : vector<16xf32>
        %get3A_392 = arith.constant 3 : i32
        %get3A_393 = arith.index_cast %get3A_392 : i32 to index
        %get3A_394 = arith.index_cast %scan3A_331 : i32 to index
        %get3A_395 = arith.constant 96 : index
        %get3A_396 = tpu.vector_load %arg6[%get3A_393, %get3A_394, %get3A_395] {strides = array<i32>} : memref<5x40x384xf32, #tpu.memory_space<vmem>>, vector<1x1x16xf32>,
        %get3A_397 = vector.shape_cast %get3A_396 : vector<1x1x16xf32> to vector<16xf32>
        %add3A_398 = arith.addf %scan3A_338, %get3A_397 : vector<16xf32>
        %get3A_399 = arith.constant 3 : i32
        %get3A_400 = arith.index_cast %get3A_399 : i32 to index
        %get3A_401 = arith.index_cast %scan3A_331 : i32 to index
        %get3A_402 = arith.constant 112 : index
        %get3A_403 = tpu.vector_load %arg6[%get3A_400, %get3A_401, %get3A_402] {strides = array<i32>} : memref<5x40x384xf32, #tpu.memory_space<vmem>>, vector<1x1x16xf32>,
        %get3A_404 = vector.shape_cast %get3A_403 : vector<1x1x16xf32> to vector<16xf32>
        %add3A_405 = arith.addf %scan3A_339, %get3A_404 : vector<16xf32>
        %get3A_406 = arith.constant 3 : i32
        %get3A_407 = arith.index_cast %get3A_406 : i32 to index
        %get3A_408 = arith.index_cast %scan3A_331 : i32 to index
        %get3A_409 = arith.constant 128 : index
        %get3A_410 = tpu.vector_load %arg6[%get3A_407, %get3A_408, %get3A_409] {strides = array<i32>} : memref<5x40x384xf32, #tpu.memory_space<vmem>>, vector<1x1x16xf32>,
        %get3A_411 = vector.shape_cast %get3A_410 : vector<1x1x16xf32> to vector<16xf32>
        %add3A_412 = arith.addf %scan3A_340, %get3A_411 : vector<16xf32>
        %get3A_413 = arith.constant 3 : i32
        %get3A_414 = arith.index_cast %get3A_413 : i32 to index
        %get3A_415 = arith.index_cast %scan3A_331 : i32 to index
        %get3A_416 = arith.constant 144 : index
        %get3A_417 = tpu.vector_load %arg6[%get3A_414, %get3A_415, %get3A_416] {strides = array<i32>} : memref<5x40x384xf32, #tpu.memory_space<vmem>>, vector<1x1x16xf32>,
        %get3A_418 = vector.shape_cast %get3A_417 : vector<1x1x16xf32> to vector<16xf32>
        %add3A_419 = arith.addf %scan3A_341, %get3A_418 : vector<16xf32>
        %get3A_420 = arith.constant 3 : i32
        %get3A_421 = arith.index_cast %get3A_420 : i32 to index
        %get3A_422 = arith.index_cast %scan3A_331 : i32 to index
        %get3A_423 = arith.constant 160 : index
        %get3A_424 = tpu.vector_load %arg6[%get3A_421, %get3A_422, %get3A_423] {strides = array<i32>} : memref<5x40x384xf32, #tpu.memory_space<vmem>>, vector<1x1x16xf32>,
        %get3A_425 = vector.shape_cast %get3A_424 : vector<1x1x16xf32> to vector<16xf32>
        %add3A_426 = arith.addf %scan3A_342, %get3A_425 : vector<16xf32>
        %get3A_427 = arith.constant 3 : i32
        %get3A_428 = arith.index_cast %get3A_427 : i32 to index
        %get3A_429 = arith.index_cast %scan3A_331 : i32 to index
        %get3A_430 = arith.constant 176 : index
        %get3A_431 = tpu.vector_load %arg6[%get3A_428, %get3A_429, %get3A_430] {strides = array<i32>} : memref<5x40x384xf32, #tpu.memory_space<vmem>>, vector<1x1x16xf32>,
        %get3A_432 = vector.shape_cast %get3A_431 : vector<1x1x16xf32> to vector<16xf32>
        %add3A_433 = arith.addf %scan3A_343, %get3A_432 : vector<16xf32>
        %get3A_434 = arith.constant 3 : i32
        %get3A_435 = arith.index_cast %get3A_434 : i32 to index
        %get3A_436 = arith.index_cast %scan3A_331 : i32 to index
        %get3A_437 = arith.constant 192 : index
        %get3A_438 = tpu.vector_load %arg6[%get3A_435, %get3A_436, %get3A_437] {strides = array<i32>} : memref<5x40x384xf32, #tpu.memory_space<vmem>>, vector<1x1x16xf32>,
        %get3A_439 = vector.shape_cast %get3A_438 : vector<1x1x16xf32> to vector<16xf32>
        %add3A_440 = arith.addf %scan3A_344, %get3A_439 : vector<16xf32>
        %get3A_441 = arith.constant 3 : i32
        %get3A_442 = arith.index_cast %get3A_441 : i32 to index
        %get3A_443 = arith.index_cast %scan3A_331 : i32 to index
        %get3A_444 = arith.constant 208 : index
        %get3A_445 = tpu.vector_load %arg6[%get3A_442, %get3A_443, %get3A_444] {strides = array<i32>} : memref<5x40x384xf32, #tpu.memory_space<vmem>>, vector<1x1x16xf32>,
        %get3A_446 = vector.shape_cast %get3A_445 : vector<1x1x16xf32> to vector<16xf32>
        %add3A_447 = arith.addf %scan3A_345, %get3A_446 : vector<16xf32>
        %get3A_448 = arith.constant 3 : i32
        %get3A_449 = arith.index_cast %get3A_448 : i32 to index
        %get3A_450 = arith.index_cast %scan3A_331 : i32 to index
        %get3A_451 = arith.constant 224 : index
        %get3A_452 = tpu.vector_load %arg6[%get3A_449, %get3A_450, %get3A_451] {strides = array<i32>} : memref<5x40x384xf32, #tpu.memory_space<vmem>>, vector<1x1x16xf32>,
        %get3A_453 = vector.shape_cast %get3A_452 : vector<1x1x16xf32> to vector<16xf32>
        %add3A_454 = arith.addf %scan3A_346, %get3A_453 : vector<16xf32>
        %get3A_455 = arith.constant 3 : i32
        %get3A_456 = arith.index_cast %get3A_455 : i32 to index
        %get3A_457 = arith.index_cast %scan3A_331 : i32 to index
        %get3A_458 = arith.constant 240 : index
        %get3A_459 = tpu.vector_load %arg6[%get3A_456, %get3A_457, %get3A_458] {strides = array<i32>} : memref<5x40x384xf32, #tpu.memory_space<vmem>>, vector<1x1x16xf32>,
        %get3A_460 = vector.shape_cast %get3A_459 : vector<1x1x16xf32> to vector<16xf32>
        %add3A_461 = arith.addf %scan3A_347, %get3A_460 : vector<16xf32>
        %get3A_462 = arith.constant 3 : i32
        %get3A_463 = arith.index_cast %get3A_462 : i32 to index
        %get3A_464 = arith.index_cast %scan3A_331 : i32 to index
        %get3A_465 = arith.constant 256 : index
        %get3A_466 = tpu.vector_load %arg6[%get3A_463, %get3A_464, %get3A_465] {strides = array<i32>} : memref<5x40x384xf32, #tpu.memory_space<vmem>>, vector<1x1x16xf32>,
        %get3A_467 = vector.shape_cast %get3A_466 : vector<1x1x16xf32> to vector<16xf32>
        %add3A_468 = arith.addf %scan3A_348, %get3A_467 : vector<16xf32>
        %get3A_469 = arith.constant 3 : i32
        %get3A_470 = arith.index_cast %get3A_469 : i32 to index
        %get3A_471 = arith.index_cast %scan3A_331 : i32 to index
        %get3A_472 = arith.constant 272 : index
        %get3A_473 = tpu.vector_load %arg6[%get3A_470, %get3A_471, %get3A_472] {strides = array<i32>} : memref<5x40x384xf32, #tpu.memory_space<vmem>>, vector<1x1x16xf32>,
        %get3A_474 = vector.shape_cast %get3A_473 : vector<1x1x16xf32> to vector<16xf32>
        %add3A_475 = arith.addf %scan3A_349, %get3A_474 : vector<16xf32>
        %get3A_476 = arith.constant 3 : i32
        %get3A_477 = arith.index_cast %get3A_476 : i32 to index
        %get3A_478 = arith.index_cast %scan3A_331 : i32 to index
        %get3A_479 = arith.constant 288 : index
        %get3A_480 = tpu.vector_load %arg6[%get3A_477, %get3A_478, %get3A_479] {strides = array<i32>} : memref<5x40x384xf32, #tpu.memory_space<vmem>>, vector<1x1x16xf32>,
        %get3A_481 = vector.shape_cast %get3A_480 : vector<1x1x16xf32> to vector<16xf32>
        %add3A_482 = arith.addf %scan3A_350, %get3A_481 : vector<16xf32>
        %scan3A_483 = arith.constant 1 : i32
        %scan3A_484 = arith.addi %scan3A_331, %scan3A_483 : i32
        %get3A_485 = arith.constant 3 : i32
        %get3A_486 = arith.index_cast %get3A_485 : i32 to index
        %get3A_487 = arith.index_cast %scan3A_484 : i32 to index
        %get3A_488 = arith.constant 0 : index
        %get3A_489 = tpu.vector_load %arg6[%get3A_486, %get3A_487, %get3A_488] {strides = array<i32>} : memref<5x40x384xf32, #tpu.memory_space<vmem>>, vector<1x1x16xf32>,
        %get3A_490 = vector.shape_cast %get3A_489 : vector<1x1x16xf32> to vector<16xf32>
        %add3A_491 = arith.addf %add3A_356, %get3A_490 : vector<16xf32>
        %get3A_492 = arith.constant 3 : i32
        %get3A_493 = arith.index_cast %get3A_492 : i32 to index
        %get3A_494 = arith.index_cast %scan3A_484 : i32 to index
        %get3A_495 = arith.constant 16 : index
        %get3A_496 = tpu.vector_load %arg6[%get3A_493, %get3A_494, %get3A_495] {strides = array<i32>} : memref<5x40x384xf32, #tpu.memory_space<vmem>>, vector<1x1x16xf32>,
        %get3A_497 = vector.shape_cast %get3A_496 : vector<1x1x16xf32> to vector<16xf32>
        %add3A_498 = arith.addf %add3A_363, %get3A_497 : vector<16xf32>
        %get3A_499 = arith.constant 3 : i32
        %get3A_500 = arith.index_cast %get3A_499 : i32 to index
        %get3A_501 = arith.index_cast %scan3A_484 : i32 to index
        %get3A_502 = arith.constant 32 : index
        %get3A_503 = tpu.vector_load %arg6[%get3A_500, %get3A_501, %get3A_502] {strides = array<i32>} : memref<5x40x384xf32, #tpu.memory_space<vmem>>, vector<1x1x16xf32>,
        %get3A_504 = vector.shape_cast %get3A_503 : vector<1x1x16xf32> to vector<16xf32>
        %add3A_505 = arith.addf %add3A_370, %get3A_504 : vector<16xf32>
        %get3A_506 = arith.constant 3 : i32
        %get3A_507 = arith.index_cast %get3A_506 : i32 to index
        %get3A_508 = arith.index_cast %scan3A_484 : i32 to index
        %get3A_509 = arith.constant 48 : index
        %get3A_510 = tpu.vector_load %arg6[%get3A_507, %get3A_508, %get3A_509] {strides = array<i32>} : memref<5x40x384xf32, #tpu.memory_space<vmem>>, vector<1x1x16xf32>,
        %get3A_511 = vector.shape_cast %get3A_510 : vector<1x1x16xf32> to vector<16xf32>
        %add3A_512 = arith.addf %add3A_377, %get3A_511 : vector<16xf32>
        %get3A_513 = arith.constant 3 : i32
        %get3A_514 = arith.index_cast %get3A_513 : i32 to index
        %get3A_515 = arith.index_cast %scan3A_484 : i32 to index
        %get3A_516 = arith.constant 64 : index
        %get3A_517 = tpu.vector_load %arg6[%get3A_514, %get3A_515, %get3A_516] {strides = array<i32>} : memref<5x40x384xf32, #tpu.memory_space<vmem>>, vector<1x1x16xf32>,
        %get3A_518 = vector.shape_cast %get3A_517 : vector<1x1x16xf32> to vector<16xf32>
        %add3A_519 = arith.addf %add3A_384, %get3A_518 : vector<16xf32>
        %get3A_520 = arith.constant 3 : i32
        %get3A_521 = arith.index_cast %get3A_520 : i32 to index
        %get3A_522 = arith.index_cast %scan3A_484 : i32 to index
        %get3A_523 = arith.constant 80 : index
        %get3A_524 = tpu.vector_load %arg6[%get3A_521, %get3A_522, %get3A_523] {strides = array<i32>} : memref<5x40x384xf32, #tpu.memory_space<vmem>>, vector<1x1x16xf32>,
        %get3A_525 = vector.shape_cast %get3A_524 : vector<1x1x16xf32> to vector<16xf32>
        %add3A_526 = arith.addf %add3A_391, %get3A_525 : vector<16xf32>
        %get3A_527 = arith.constant 3 : i32
        %get3A_528 = arith.index_cast %get3A_527 : i32 to index
        %get3A_529 = arith.index_cast %scan3A_484 : i32 to index
        %get3A_530 = arith.constant 96 : index
        %get3A_531 = tpu.vector_load %arg6[%get3A_528, %get3A_529, %get3A_530] {strides = array<i32>} : memref<5x40x384xf32, #tpu.memory_space<vmem>>, vector<1x1x16xf32>,
        %get3A_532 = vector.shape_cast %get3A_531 : vector<1x1x16xf32> to vector<16xf32>
        %add3A_533 = arith.addf %add3A_398, %get3A_532 : vector<16xf32>
        %get3A_534 = arith.constant 3 : i32
        %get3A_535 = arith.index_cast %get3A_534 : i32 to index
        %get3A_536 = arith.index_cast %scan3A_484 : i32 to index
        %get3A_537 = arith.constant 112 : index
        %get3A_538 = tpu.vector_load %arg6[%get3A_535, %get3A_536, %get3A_537] {strides = array<i32>} : memref<5x40x384xf32, #tpu.memory_space<vmem>>, vector<1x1x16xf32>,
        %get3A_539 = vector.shape_cast %get3A_538 : vector<1x1x16xf32> to vector<16xf32>
        %add3A_540 = arith.addf %add3A_405, %get3A_539 : vector<16xf32>
        %get3A_541 = arith.constant 3 : i32
        %get3A_542 = arith.index_cast %get3A_541 : i32 to index
        %get3A_543 = arith.index_cast %scan3A_484 : i32 to index
        %get3A_544 = arith.constant 128 : index
        %get3A_545 = tpu.vector_load %arg6[%get3A_542, %get3A_543, %get3A_544] {strides = array<i32>} : memref<5x40x384xf32, #tpu.memory_space<vmem>>, vector<1x1x16xf32>,
        %get3A_546 = vector.shape_cast %get3A_545 : vector<1x1x16xf32> to vector<16xf32>
        %add3A_547 = arith.addf %add3A_412, %get3A_546 : vector<16xf32>
        %get3A_548 = arith.constant 3 : i32
        %get3A_549 = arith.index_cast %get3A_548 : i32 to index
        %get3A_550 = arith.index_cast %scan3A_484 : i32 to index
        %get3A_551 = arith.constant 144 : index
        %get3A_552 = tpu.vector_load %arg6[%get3A_549, %get3A_550, %get3A_551] {strides = array<i32>} : memref<5x40x384xf32, #tpu.memory_space<vmem>>, vector<1x1x16xf32>,
        %get3A_553 = vector.shape_cast %get3A_552 : vector<1x1x16xf32> to vector<16xf32>
        %add3A_554 = arith.addf %add3A_419, %get3A_553 : vector<16xf32>
        %get3A_555 = arith.constant 3 : i32
        %get3A_556 = arith.index_cast %get3A_555 : i32 to index
        %get3A_557 = arith.index_cast %scan3A_484 : i32 to index
        %get3A_558 = arith.constant 160 : index
        %get3A_559 = tpu.vector_load %arg6[%get3A_556, %get3A_557, %get3A_558] {strides = array<i32>} : memref<5x40x384xf32, #tpu.memory_space<vmem>>, vector<1x1x16xf32>,
        %get3A_560 = vector.shape_cast %get3A_559 : vector<1x1x16xf32> to vector<16xf32>
        %add3A_561 = arith.addf %add3A_426, %get3A_560 : vector<16xf32>
        %get3A_562 = arith.constant 3 : i32
        %get3A_563 = arith.index_cast %get3A_562 : i32 to index
        %get3A_564 = arith.index_cast %scan3A_484 : i32 to index
        %get3A_565 = arith.constant 176 : index
        %get3A_566 = tpu.vector_load %arg6[%get3A_563, %get3A_564, %get3A_565] {strides = array<i32>} : memref<5x40x384xf32, #tpu.memory_space<vmem>>, vector<1x1x16xf32>,
        %get3A_567 = vector.shape_cast %get3A_566 : vector<1x1x16xf32> to vector<16xf32>
        %add3A_568 = arith.addf %add3A_433, %get3A_567 : vector<16xf32>
        %get3A_569 = arith.constant 3 : i32
        %get3A_570 = arith.index_cast %get3A_569 : i32 to index
        %get3A_571 = arith.index_cast %scan3A_484 : i32 to index
        %get3A_572 = arith.constant 192 : index
        %get3A_573 = tpu.vector_load %arg6[%get3A_570, %get3A_571, %get3A_572] {strides = array<i32>} : memref<5x40x384xf32, #tpu.memory_space<vmem>>, vector<1x1x16xf32>,
        %get3A_574 = vector.shape_cast %get3A_573 : vector<1x1x16xf32> to vector<16xf32>
        %add3A_575 = arith.addf %add3A_440, %get3A_574 : vector<16xf32>
        %get3A_576 = arith.constant 3 : i32
        %get3A_577 = arith.index_cast %get3A_576 : i32 to index
        %get3A_578 = arith.index_cast %scan3A_484 : i32 to index
        %get3A_579 = arith.constant 208 : index
        %get3A_580 = tpu.vector_load %arg6[%get3A_577, %get3A_578, %get3A_579] {strides = array<i32>} : memref<5x40x384xf32, #tpu.memory_space<vmem>>, vector<1x1x16xf32>,
        %get3A_581 = vector.shape_cast %get3A_580 : vector<1x1x16xf32> to vector<16xf32>
        %add3A_582 = arith.addf %add3A_447, %get3A_581 : vector<16xf32>
        %get3A_583 = arith.constant 3 : i32
        %get3A_584 = arith.index_cast %get3A_583 : i32 to index
        %get3A_585 = arith.index_cast %scan3A_484 : i32 to index
        %get3A_586 = arith.constant 224 : index
        %get3A_587 = tpu.vector_load %arg6[%get3A_584, %get3A_585, %get3A_586] {strides = array<i32>} : memref<5x40x384xf32, #tpu.memory_space<vmem>>, vector<1x1x16xf32>,
        %get3A_588 = vector.shape_cast %get3A_587 : vector<1x1x16xf32> to vector<16xf32>
        %add3A_589 = arith.addf %add3A_454, %get3A_588 : vector<16xf32>
        %get3A_590 = arith.constant 3 : i32
        %get3A_591 = arith.index_cast %get3A_590 : i32 to index
        %get3A_592 = arith.index_cast %scan3A_484 : i32 to index
        %get3A_593 = arith.constant 240 : index
        %get3A_594 = tpu.vector_load %arg6[%get3A_591, %get3A_592, %get3A_593] {strides = array<i32>} : memref<5x40x384xf32, #tpu.memory_space<vmem>>, vector<1x1x16xf32>,
        %get3A_595 = vector.shape_cast %get3A_594 : vector<1x1x16xf32> to vector<16xf32>
        %add3A_596 = arith.addf %add3A_461, %get3A_595 : vector<16xf32>
        %get3A_597 = arith.constant 3 : i32
        %get3A_598 = arith.index_cast %get3A_597 : i32 to index
        %get3A_599 = arith.index_cast %scan3A_484 : i32 to index
        %get3A_600 = arith.constant 256 : index
        %get3A_601 = tpu.vector_load %arg6[%get3A_598, %get3A_599, %get3A_600] {strides = array<i32>} : memref<5x40x384xf32, #tpu.memory_space<vmem>>, vector<1x1x16xf32>,
        %get3A_602 = vector.shape_cast %get3A_601 : vector<1x1x16xf32> to vector<16xf32>
        %add3A_603 = arith.addf %add3A_468, %get3A_602 : vector<16xf32>
        %get3A_604 = arith.constant 3 : i32
        %get3A_605 = arith.index_cast %get3A_604 : i32 to index
        %get3A_606 = arith.index_cast %scan3A_484 : i32 to index
        %get3A_607 = arith.constant 272 : index
        %get3A_608 = tpu.vector_load %arg6[%get3A_605, %get3A_606, %get3A_607] {strides = array<i32>} : memref<5x40x384xf32, #tpu.memory_space<vmem>>, vector<1x1x16xf32>,
        %get3A_609 = vector.shape_cast %get3A_608 : vector<1x1x16xf32> to vector<16xf32>
        %add3A_610 = arith.addf %add3A_475, %get3A_609 : vector<16xf32>
        %get3A_611 = arith.constant 3 : i32
        %get3A_612 = arith.index_cast %get3A_611 : i32 to index
        %get3A_613 = arith.index_cast %scan3A_484 : i32 to index
        %get3A_614 = arith.constant 288 : index
        %get3A_615 = tpu.vector_load %arg6[%get3A_612, %get3A_613, %get3A_614] {strides = array<i32>} : memref<5x40x384xf32, #tpu.memory_space<vmem>>, vector<1x1x16xf32>,
        %get3A_616 = vector.shape_cast %get3A_615 : vector<1x1x16xf32> to vector<16xf32>
        %add3A_617 = arith.addf %add3A_482, %get3A_616 : vector<16xf32>
        scf.yield %add3A_491, %add3A_498, %add3A_505, %add3A_512, %add3A_519, %add3A_526, %add3A_533, %add3A_540, %add3A_547, %add3A_554, %add3A_561, %add3A_568, %add3A_575, %add3A_582, %add3A_589, %add3A_596, %add3A_603, %add3A_610, %add3A_617 : vector<16xf32>, vector<16xf32>, vector<16xf32>, vector<16xf32>, vector<16xf32>, vector<16xf32>, vector<16xf32>, vector<16xf32>, vector<16xf32>, vector<16xf32>, vector<16xf32>, vector<16xf32>, vector<16xf32>, vector<16xf32>, vector<16xf32>, vector<16xf32>, vector<16xf32>, vector<16xf32>, vector<16xf32>
      }
      %scan3A_199 = arith.constant 40 : i32
      %add3A_200 = arith.constant 5 : i32
      %add3A_201 = arith.addi %add3A_182, %add3A_200 : i32
      %lt3A_202 = arith.constant 160 : i32
      %lt3A_203 = arith.cmpi slt, %add3A_201, %lt3A_202 : i32
      %convert_element_type3A_204 = arith.extui %lt3A_203 : i1 to i32
      %cond3A_205 = arith.constant 0 : i32
      %cond3A_206 = arith.cmpi ne, %convert_element_type3A_204, %cond3A_205 : i32
      scf.if %cond3A_206 {
        %add3A_331 = arith.constant 5 : i32
        %add3A_332 = arith.addi %add3A_182, %add3A_331 : i32
        %dma_start3A_333 = arith.constant 3 : i32
        %dma_start3A_334 = arith.constant 0 : i32
        %dma_start3A_335 = arith.constant 0 : i32
        %dma_start3A_336 = tpu.memref_slice %arg6[%dma_start3A_333, %dma_start3A_334, %dma_start3A_335] : memref<5x40x384xf32, #tpu.memory_space<vmem>> -> memref<1x40x384xf32, #tpu.memory_space<vmem>>
        %dma_start3A_337 = tpu.memref_squeeze %dma_start3A_336 : memref<1x40x384xf32, #tpu.memory_space<vmem>> -> memref<40x384xf32, #tpu.memory_space<vmem>>
        %dma_start3A_338 = arith.constant 0 : i32
        %dma_start3A_339 = tpu.memref_slice %arg5[%add3A_332, %dma_start3A_338] : memref<160x40xi32, #tpu.memory_space<vmem>> -> memref<1x40xi32, #tpu.memory_space<vmem>>
        %dma_start3A_340 = tpu.memref_squeeze %dma_start3A_339 : memref<1x40xi32, #tpu.memory_space<vmem>> -> memref<40xi32, #tpu.memory_space<vmem>>
        %dma_start3A_341 = arith.constant 0 : i32
        %dma_start3A_342 = arith.constant 0 : i32
        %dma_start3A_343 = tpu.memref_slice %arg2[%dma_start3A_341, %dma_start3A_342] : memref<50003x384xf32, #tpu.memory_space<hbm>> -> memref<50003x384xf32, #tpu.memory_space<hbm>>
        tpu.enqueue_indirect_dma source(%dma_start3A_343 : memref<50003x384xf32, #tpu.memory_space<hbm>>) target(%dma_start3A_337 : memref<40x384xf32, #tpu.memory_space<vmem>>) offsets(%dma_start3A_340 : memref<40xi32, #tpu.memory_space<vmem>>) semaphore(%arg11 : memref<!tpu.dma_semaphore, #tpu.memory_space<semaphore_mem>>)
      } else {
      }
      %add3A_207 = arith.constant 4 : i32
      %add3A_208 = arith.addi %mul3A_69, %add3A_207 : i32
      %dma_wait3A_209 = arith.constant 4 : i32
      %dma_wait3A_210 = arith.constant 0 : i32
      %dma_wait3A_211 = arith.constant 0 : i32
      %dma_wait3A_212 = tpu.memref_slice %arg6[%dma_wait3A_209, %dma_wait3A_210, %dma_wait3A_211] : memref<5x40x384xf32, #tpu.memory_space<vmem>> -> memref<1x40x384xf32, #tpu.memory_space<vmem>>
      %dma_wait3A_213 = tpu.memref_squeeze %dma_wait3A_212 : memref<1x40x384xf32, #tpu.memory_space<vmem>> -> memref<40x384xf32, #tpu.memory_space<vmem>>
      %dma_wait3A_214 = arith.constant 0 : i32
      %dma_wait3A_215 = tpu.memref_slice %arg5[%add3A_208, %dma_wait3A_214] : memref<160x40xi32, #tpu.memory_space<vmem>> -> memref<1x40xi32, #tpu.memory_space<vmem>>
      %dma_wait3A_216 = tpu.memref_squeeze %dma_wait3A_215 : memref<1x40xi32, #tpu.memory_space<vmem>> -> memref<40xi32, #tpu.memory_space<vmem>>
      %dma_wait3A_217 = arith.constant 0 : i32
      %dma_wait3A_218 = arith.constant 0 : i32
      %dma_wait3A_219 = tpu.memref_slice %arg2[%dma_wait3A_217, %dma_wait3A_218] : memref<50003x384xf32, #tpu.memory_space<hbm>> -> memref<50003x384xf32, #tpu.memory_space<hbm>>
      tpu.wait_indirect_dma semaphore(%arg12 : memref<!tpu.dma_semaphore, #tpu.memory_space<semaphore_mem>>) src(%dma_wait3A_219 : memref<50003x384xf32, #tpu.memory_space<hbm>>) dst(%dma_wait3A_213 : memref<40x384xf32, #tpu.memory_space<vmem>>)
      %scan3A_220 = arith.constant 0 : i32
      %scan3A_221 = arith.constant 40 : i32
      %scan3A_222 = arith.addi %scan3A_220, %scan3A_221 : i32
      %scan3A_223 = arith.constant 2 : i32
      %scan3A_224:19 = scf.for %scan3A_331 = %scan3A_220 to %scan3A_222 step %scan3A_223 iter_args(%scan3A_332 = %scan3A_198#0, %scan3A_333 = %scan3A_198#1, %scan3A_334 = %scan3A_198#2, %scan3A_335 = %scan3A_198#3, %scan3A_336 = %scan3A_198#4, %scan3A_337 = %scan3A_198#5, %scan3A_338 = %scan3A_198#6, %scan3A_339 = %scan3A_198#7, %scan3A_340 = %scan3A_198#8, %scan3A_341 = %scan3A_198#9, %scan3A_342 = %scan3A_198#10, %scan3A_343 = %scan3A_198#11, %scan3A_344 = %scan3A_198#12, %scan3A_345 = %scan3A_198#13, %scan3A_346 = %scan3A_198#14, %scan3A_347 = %scan3A_198#15, %scan3A_348 = %scan3A_198#16, %scan3A_349 = %scan3A_198#17, %scan3A_350 = %scan3A_198#18) -> (vector<16xf32>, vector<16xf32>, vector<16xf32>, vector<16xf32>, vector<16xf32>, vector<16xf32>, vector<16xf32>, vector<16xf32>, vector<16xf32>, vector<16xf32>, vector<16xf32>, vector<16xf32>, vector<16xf32>, vector<16xf32>, vector<16xf32>, vector<16xf32>, vector<16xf32>, vector<16xf32>, vector<16xf32>)  : i32 {
        %get3A = arith.constant 4 : i32
        %get3A_351 = arith.index_cast %get3A : i32 to index
        %get3A_352 = arith.index_cast %scan3A_331 : i32 to index
        %get3A_353 = arith.constant 0 : index
        %get3A_354 = tpu.vector_load %arg6[%get3A_351, %get3A_352, %get3A_353] {strides = array<i32>} : memref<5x40x384xf32, #tpu.memory_space<vmem>>, vector<1x1x16xf32>,
        %get3A_355 = vector.shape_cast %get3A_354 : vector<1x1x16xf32> to vector<16xf32>
        %add3A_356 = arith.addf %scan3A_332, %get3A_355 : vector<16xf32>
        %get3A_357 = arith.constant 4 : i32
        %get3A_358 = arith.index_cast %get3A_357 : i32 to index
        %get3A_359 = arith.index_cast %scan3A_331 : i32 to index
        %get3A_360 = arith.constant 16 : index
        %get3A_361 = tpu.vector_load %arg6[%get3A_358, %get3A_359, %get3A_360] {strides = array<i32>} : memref<5x40x384xf32, #tpu.memory_space<vmem>>, vector<1x1x16xf32>,
        %get3A_362 = vector.shape_cast %get3A_361 : vector<1x1x16xf32> to vector<16xf32>
        %add3A_363 = arith.addf %scan3A_333, %get3A_362 : vector<16xf32>
        %get3A_364 = arith.constant 4 : i32
        %get3A_365 = arith.index_cast %get3A_364 : i32 to index
        %get3A_366 = arith.index_cast %scan3A_331 : i32 to index
        %get3A_367 = arith.constant 32 : index
        %get3A_368 = tpu.vector_load %arg6[%get3A_365, %get3A_366, %get3A_367] {strides = array<i32>} : memref<5x40x384xf32, #tpu.memory_space<vmem>>, vector<1x1x16xf32>,
        %get3A_369 = vector.shape_cast %get3A_368 : vector<1x1x16xf32> to vector<16xf32>
        %add3A_370 = arith.addf %scan3A_334, %get3A_369 : vector<16xf32>
        %get3A_371 = arith.constant 4 : i32
        %get3A_372 = arith.index_cast %get3A_371 : i32 to index
        %get3A_373 = arith.index_cast %scan3A_331 : i32 to index
        %get3A_374 = arith.constant 48 : index
        %get3A_375 = tpu.vector_load %arg6[%get3A_372, %get3A_373, %get3A_374] {strides = array<i32>} : memref<5x40x384xf32, #tpu.memory_space<vmem>>, vector<1x1x16xf32>,
        %get3A_376 = vector.shape_cast %get3A_375 : vector<1x1x16xf32> to vector<16xf32>
        %add3A_377 = arith.addf %scan3A_335, %get3A_376 : vector<16xf32>
        %get3A_378 = arith.constant 4 : i32
        %get3A_379 = arith.index_cast %get3A_378 : i32 to index
        %get3A_380 = arith.index_cast %scan3A_331 : i32 to index
        %get3A_381 = arith.constant 64 : index
        %get3A_382 = tpu.vector_load %arg6[%get3A_379, %get3A_380, %get3A_381] {strides = array<i32>} : memref<5x40x384xf32, #tpu.memory_space<vmem>>, vector<1x1x16xf32>,
        %get3A_383 = vector.shape_cast %get3A_382 : vector<1x1x16xf32> to vector<16xf32>
        %add3A_384 = arith.addf %scan3A_336, %get3A_383 : vector<16xf32>
        %get3A_385 = arith.constant 4 : i32
        %get3A_386 = arith.index_cast %get3A_385 : i32 to index
        %get3A_387 = arith.index_cast %scan3A_331 : i32 to index
        %get3A_388 = arith.constant 80 : index
        %get3A_389 = tpu.vector_load %arg6[%get3A_386, %get3A_387, %get3A_388] {strides = array<i32>} : memref<5x40x384xf32, #tpu.memory_space<vmem>>, vector<1x1x16xf32>,
        %get3A_390 = vector.shape_cast %get3A_389 : vector<1x1x16xf32> to vector<16xf32>
        %add3A_391 = arith.addf %scan3A_337, %get3A_390 : vector<16xf32>
        %get3A_392 = arith.constant 4 : i32
        %get3A_393 = arith.index_cast %get3A_392 : i32 to index
        %get3A_394 = arith.index_cast %scan3A_331 : i32 to index
        %get3A_395 = arith.constant 96 : index
        %get3A_396 = tpu.vector_load %arg6[%get3A_393, %get3A_394, %get3A_395] {strides = array<i32>} : memref<5x40x384xf32, #tpu.memory_space<vmem>>, vector<1x1x16xf32>,
        %get3A_397 = vector.shape_cast %get3A_396 : vector<1x1x16xf32> to vector<16xf32>
        %add3A_398 = arith.addf %scan3A_338, %get3A_397 : vector<16xf32>
        %get3A_399 = arith.constant 4 : i32
        %get3A_400 = arith.index_cast %get3A_399 : i32 to index
        %get3A_401 = arith.index_cast %scan3A_331 : i32 to index
        %get3A_402 = arith.constant 112 : index
        %get3A_403 = tpu.vector_load %arg6[%get3A_400, %get3A_401, %get3A_402] {strides = array<i32>} : memref<5x40x384xf32, #tpu.memory_space<vmem>>, vector<1x1x16xf32>,
        %get3A_404 = vector.shape_cast %get3A_403 : vector<1x1x16xf32> to vector<16xf32>
        %add3A_405 = arith.addf %scan3A_339, %get3A_404 : vector<16xf32>
        %get3A_406 = arith.constant 4 : i32
        %get3A_407 = arith.index_cast %get3A_406 : i32 to index
        %get3A_408 = arith.index_cast %scan3A_331 : i32 to index
        %get3A_409 = arith.constant 128 : index
        %get3A_410 = tpu.vector_load %arg6[%get3A_407, %get3A_408, %get3A_409] {strides = array<i32>} : memref<5x40x384xf32, #tpu.memory_space<vmem>>, vector<1x1x16xf32>,
        %get3A_411 = vector.shape_cast %get3A_410 : vector<1x1x16xf32> to vector<16xf32>
        %add3A_412 = arith.addf %scan3A_340, %get3A_411 : vector<16xf32>
        %get3A_413 = arith.constant 4 : i32
        %get3A_414 = arith.index_cast %get3A_413 : i32 to index
        %get3A_415 = arith.index_cast %scan3A_331 : i32 to index
        %get3A_416 = arith.constant 144 : index
        %get3A_417 = tpu.vector_load %arg6[%get3A_414, %get3A_415, %get3A_416] {strides = array<i32>} : memref<5x40x384xf32, #tpu.memory_space<vmem>>, vector<1x1x16xf32>,
        %get3A_418 = vector.shape_cast %get3A_417 : vector<1x1x16xf32> to vector<16xf32>
        %add3A_419 = arith.addf %scan3A_341, %get3A_418 : vector<16xf32>
        %get3A_420 = arith.constant 4 : i32
        %get3A_421 = arith.index_cast %get3A_420 : i32 to index
        %get3A_422 = arith.index_cast %scan3A_331 : i32 to index
        %get3A_423 = arith.constant 160 : index
        %get3A_424 = tpu.vector_load %arg6[%get3A_421, %get3A_422, %get3A_423] {strides = array<i32>} : memref<5x40x384xf32, #tpu.memory_space<vmem>>, vector<1x1x16xf32>,
        %get3A_425 = vector.shape_cast %get3A_424 : vector<1x1x16xf32> to vector<16xf32>
        %add3A_426 = arith.addf %scan3A_342, %get3A_425 : vector<16xf32>
        %get3A_427 = arith.constant 4 : i32
        %get3A_428 = arith.index_cast %get3A_427 : i32 to index
        %get3A_429 = arith.index_cast %scan3A_331 : i32 to index
        %get3A_430 = arith.constant 176 : index
        %get3A_431 = tpu.vector_load %arg6[%get3A_428, %get3A_429, %get3A_430] {strides = array<i32>} : memref<5x40x384xf32, #tpu.memory_space<vmem>>, vector<1x1x16xf32>,
        %get3A_432 = vector.shape_cast %get3A_431 : vector<1x1x16xf32> to vector<16xf32>
        %add3A_433 = arith.addf %scan3A_343, %get3A_432 : vector<16xf32>
        %get3A_434 = arith.constant 4 : i32
        %get3A_435 = arith.index_cast %get3A_434 : i32 to index
        %get3A_436 = arith.index_cast %scan3A_331 : i32 to index
        %get3A_437 = arith.constant 192 : index
        %get3A_438 = tpu.vector_load %arg6[%get3A_435, %get3A_436, %get3A_437] {strides = array<i32>} : memref<5x40x384xf32, #tpu.memory_space<vmem>>, vector<1x1x16xf32>,
        %get3A_439 = vector.shape_cast %get3A_438 : vector<1x1x16xf32> to vector<16xf32>
        %add3A_440 = arith.addf %scan3A_344, %get3A_439 : vector<16xf32>
        %get3A_441 = arith.constant 4 : i32
        %get3A_442 = arith.index_cast %get3A_441 : i32 to index
        %get3A_443 = arith.index_cast %scan3A_331 : i32 to index
        %get3A_444 = arith.constant 208 : index
        %get3A_445 = tpu.vector_load %arg6[%get3A_442, %get3A_443, %get3A_444] {strides = array<i32>} : memref<5x40x384xf32, #tpu.memory_space<vmem>>, vector<1x1x16xf32>,
        %get3A_446 = vector.shape_cast %get3A_445 : vector<1x1x16xf32> to vector<16xf32>
        %add3A_447 = arith.addf %scan3A_345, %get3A_446 : vector<16xf32>
        %get3A_448 = arith.constant 4 : i32
        %get3A_449 = arith.index_cast %get3A_448 : i32 to index
        %get3A_450 = arith.index_cast %scan3A_331 : i32 to index
        %get3A_451 = arith.constant 224 : index
        %get3A_452 = tpu.vector_load %arg6[%get3A_449, %get3A_450, %get3A_451] {strides = array<i32>} : memref<5x40x384xf32, #tpu.memory_space<vmem>>, vector<1x1x16xf32>,
        %get3A_453 = vector.shape_cast %get3A_452 : vector<1x1x16xf32> to vector<16xf32>
        %add3A_454 = arith.addf %scan3A_346, %get3A_453 : vector<16xf32>
        %get3A_455 = arith.constant 4 : i32
        %get3A_456 = arith.index_cast %get3A_455 : i32 to index
        %get3A_457 = arith.index_cast %scan3A_331 : i32 to index
        %get3A_458 = arith.constant 240 : index
        %get3A_459 = tpu.vector_load %arg6[%get3A_456, %get3A_457, %get3A_458] {strides = array<i32>} : memref<5x40x384xf32, #tpu.memory_space<vmem>>, vector<1x1x16xf32>,
        %get3A_460 = vector.shape_cast %get3A_459 : vector<1x1x16xf32> to vector<16xf32>
        %add3A_461 = arith.addf %scan3A_347, %get3A_460 : vector<16xf32>
        %get3A_462 = arith.constant 4 : i32
        %get3A_463 = arith.index_cast %get3A_462 : i32 to index
        %get3A_464 = arith.index_cast %scan3A_331 : i32 to index
        %get3A_465 = arith.constant 256 : index
        %get3A_466 = tpu.vector_load %arg6[%get3A_463, %get3A_464, %get3A_465] {strides = array<i32>} : memref<5x40x384xf32, #tpu.memory_space<vmem>>, vector<1x1x16xf32>,
        %get3A_467 = vector.shape_cast %get3A_466 : vector<1x1x16xf32> to vector<16xf32>
        %add3A_468 = arith.addf %scan3A_348, %get3A_467 : vector<16xf32>
        %get3A_469 = arith.constant 4 : i32
        %get3A_470 = arith.index_cast %get3A_469 : i32 to index
        %get3A_471 = arith.index_cast %scan3A_331 : i32 to index
        %get3A_472 = arith.constant 272 : index
        %get3A_473 = tpu.vector_load %arg6[%get3A_470, %get3A_471, %get3A_472] {strides = array<i32>} : memref<5x40x384xf32, #tpu.memory_space<vmem>>, vector<1x1x16xf32>,
        %get3A_474 = vector.shape_cast %get3A_473 : vector<1x1x16xf32> to vector<16xf32>
        %add3A_475 = arith.addf %scan3A_349, %get3A_474 : vector<16xf32>
        %get3A_476 = arith.constant 4 : i32
        %get3A_477 = arith.index_cast %get3A_476 : i32 to index
        %get3A_478 = arith.index_cast %scan3A_331 : i32 to index
        %get3A_479 = arith.constant 288 : index
        %get3A_480 = tpu.vector_load %arg6[%get3A_477, %get3A_478, %get3A_479] {strides = array<i32>} : memref<5x40x384xf32, #tpu.memory_space<vmem>>, vector<1x1x16xf32>,
        %get3A_481 = vector.shape_cast %get3A_480 : vector<1x1x16xf32> to vector<16xf32>
        %add3A_482 = arith.addf %scan3A_350, %get3A_481 : vector<16xf32>
        %scan3A_483 = arith.constant 1 : i32
        %scan3A_484 = arith.addi %scan3A_331, %scan3A_483 : i32
        %get3A_485 = arith.constant 4 : i32
        %get3A_486 = arith.index_cast %get3A_485 : i32 to index
        %get3A_487 = arith.index_cast %scan3A_484 : i32 to index
        %get3A_488 = arith.constant 0 : index
        %get3A_489 = tpu.vector_load %arg6[%get3A_486, %get3A_487, %get3A_488] {strides = array<i32>} : memref<5x40x384xf32, #tpu.memory_space<vmem>>, vector<1x1x16xf32>,
        %get3A_490 = vector.shape_cast %get3A_489 : vector<1x1x16xf32> to vector<16xf32>
        %add3A_491 = arith.addf %add3A_356, %get3A_490 : vector<16xf32>
        %get3A_492 = arith.constant 4 : i32
        %get3A_493 = arith.index_cast %get3A_492 : i32 to index
        %get3A_494 = arith.index_cast %scan3A_484 : i32 to index
        %get3A_495 = arith.constant 16 : index
        %get3A_496 = tpu.vector_load %arg6[%get3A_493, %get3A_494, %get3A_495] {strides = array<i32>} : memref<5x40x384xf32, #tpu.memory_space<vmem>>, vector<1x1x16xf32>,
        %get3A_497 = vector.shape_cast %get3A_496 : vector<1x1x16xf32> to vector<16xf32>
        %add3A_498 = arith.addf %add3A_363, %get3A_497 : vector<16xf32>
        %get3A_499 = arith.constant 4 : i32
        %get3A_500 = arith.index_cast %get3A_499 : i32 to index
        %get3A_501 = arith.index_cast %scan3A_484 : i32 to index
        %get3A_502 = arith.constant 32 : index
        %get3A_503 = tpu.vector_load %arg6[%get3A_500, %get3A_501, %get3A_502] {strides = array<i32>} : memref<5x40x384xf32, #tpu.memory_space<vmem>>, vector<1x1x16xf32>,
        %get3A_504 = vector.shape_cast %get3A_503 : vector<1x1x16xf32> to vector<16xf32>
        %add3A_505 = arith.addf %add3A_370, %get3A_504 : vector<16xf32>
        %get3A_506 = arith.constant 4 : i32
        %get3A_507 = arith.index_cast %get3A_506 : i32 to index
        %get3A_508 = arith.index_cast %scan3A_484 : i32 to index
        %get3A_509 = arith.constant 48 : index
        %get3A_510 = tpu.vector_load %arg6[%get3A_507, %get3A_508, %get3A_509] {strides = array<i32>} : memref<5x40x384xf32, #tpu.memory_space<vmem>>, vector<1x1x16xf32>,
        %get3A_511 = vector.shape_cast %get3A_510 : vector<1x1x16xf32> to vector<16xf32>
        %add3A_512 = arith.addf %add3A_377, %get3A_511 : vector<16xf32>
        %get3A_513 = arith.constant 4 : i32
        %get3A_514 = arith.index_cast %get3A_513 : i32 to index
        %get3A_515 = arith.index_cast %scan3A_484 : i32 to index
        %get3A_516 = arith.constant 64 : index
        %get3A_517 = tpu.vector_load %arg6[%get3A_514, %get3A_515, %get3A_516] {strides = array<i32>} : memref<5x40x384xf32, #tpu.memory_space<vmem>>, vector<1x1x16xf32>,
        %get3A_518 = vector.shape_cast %get3A_517 : vector<1x1x16xf32> to vector<16xf32>
        %add3A_519 = arith.addf %add3A_384, %get3A_518 : vector<16xf32>
        %get3A_520 = arith.constant 4 : i32
        %get3A_521 = arith.index_cast %get3A_520 : i32 to index
        %get3A_522 = arith.index_cast %scan3A_484 : i32 to index
        %get3A_523 = arith.constant 80 : index
        %get3A_524 = tpu.vector_load %arg6[%get3A_521, %get3A_522, %get3A_523] {strides = array<i32>} : memref<5x40x384xf32, #tpu.memory_space<vmem>>, vector<1x1x16xf32>,
        %get3A_525 = vector.shape_cast %get3A_524 : vector<1x1x16xf32> to vector<16xf32>
        %add3A_526 = arith.addf %add3A_391, %get3A_525 : vector<16xf32>
        %get3A_527 = arith.constant 4 : i32
        %get3A_528 = arith.index_cast %get3A_527 : i32 to index
        %get3A_529 = arith.index_cast %scan3A_484 : i32 to index
        %get3A_530 = arith.constant 96 : index
        %get3A_531 = tpu.vector_load %arg6[%get3A_528, %get3A_529, %get3A_530] {strides = array<i32>} : memref<5x40x384xf32, #tpu.memory_space<vmem>>, vector<1x1x16xf32>,
        %get3A_532 = vector.shape_cast %get3A_531 : vector<1x1x16xf32> to vector<16xf32>
        %add3A_533 = arith.addf %add3A_398, %get3A_532 : vector<16xf32>
        %get3A_534 = arith.constant 4 : i32
        %get3A_535 = arith.index_cast %get3A_534 : i32 to index
        %get3A_536 = arith.index_cast %scan3A_484 : i32 to index
        %get3A_537 = arith.constant 112 : index
        %get3A_538 = tpu.vector_load %arg6[%get3A_535, %get3A_536, %get3A_537] {strides = array<i32>} : memref<5x40x384xf32, #tpu.memory_space<vmem>>, vector<1x1x16xf32>,
        %get3A_539 = vector.shape_cast %get3A_538 : vector<1x1x16xf32> to vector<16xf32>
        %add3A_540 = arith.addf %add3A_405, %get3A_539 : vector<16xf32>
        %get3A_541 = arith.constant 4 : i32
        %get3A_542 = arith.index_cast %get3A_541 : i32 to index
        %get3A_543 = arith.index_cast %scan3A_484 : i32 to index
        %get3A_544 = arith.constant 128 : index
        %get3A_545 = tpu.vector_load %arg6[%get3A_542, %get3A_543, %get3A_544] {strides = array<i32>} : memref<5x40x384xf32, #tpu.memory_space<vmem>>, vector<1x1x16xf32>,
        %get3A_546 = vector.shape_cast %get3A_545 : vector<1x1x16xf32> to vector<16xf32>
        %add3A_547 = arith.addf %add3A_412, %get3A_546 : vector<16xf32>
        %get3A_548 = arith.constant 4 : i32
        %get3A_549 = arith.index_cast %get3A_548 : i32 to index
        %get3A_550 = arith.index_cast %scan3A_484 : i32 to index
        %get3A_551 = arith.constant 144 : index
        %get3A_552 = tpu.vector_load %arg6[%get3A_549, %get3A_550, %get3A_551] {strides = array<i32>} : memref<5x40x384xf32, #tpu.memory_space<vmem>>, vector<1x1x16xf32>,
        %get3A_553 = vector.shape_cast %get3A_552 : vector<1x1x16xf32> to vector<16xf32>
        %add3A_554 = arith.addf %add3A_419, %get3A_553 : vector<16xf32>
        %get3A_555 = arith.constant 4 : i32
        %get3A_556 = arith.index_cast %get3A_555 : i32 to index
        %get3A_557 = arith.index_cast %scan3A_484 : i32 to index
        %get3A_558 = arith.constant 160 : index
        %get3A_559 = tpu.vector_load %arg6[%get3A_556, %get3A_557, %get3A_558] {strides = array<i32>} : memref<5x40x384xf32, #tpu.memory_space<vmem>>, vector<1x1x16xf32>,
        %get3A_560 = vector.shape_cast %get3A_559 : vector<1x1x16xf32> to vector<16xf32>
        %add3A_561 = arith.addf %add3A_426, %get3A_560 : vector<16xf32>
        %get3A_562 = arith.constant 4 : i32
        %get3A_563 = arith.index_cast %get3A_562 : i32 to index
        %get3A_564 = arith.index_cast %scan3A_484 : i32 to index
        %get3A_565 = arith.constant 176 : index
        %get3A_566 = tpu.vector_load %arg6[%get3A_563, %get3A_564, %get3A_565] {strides = array<i32>} : memref<5x40x384xf32, #tpu.memory_space<vmem>>, vector<1x1x16xf32>,
        %get3A_567 = vector.shape_cast %get3A_566 : vector<1x1x16xf32> to vector<16xf32>
        %add3A_568 = arith.addf %add3A_433, %get3A_567 : vector<16xf32>
        %get3A_569 = arith.constant 4 : i32
        %get3A_570 = arith.index_cast %get3A_569 : i32 to index
        %get3A_571 = arith.index_cast %scan3A_484 : i32 to index
        %get3A_572 = arith.constant 192 : index
        %get3A_573 = tpu.vector_load %arg6[%get3A_570, %get3A_571, %get3A_572] {strides = array<i32>} : memref<5x40x384xf32, #tpu.memory_space<vmem>>, vector<1x1x16xf32>,
        %get3A_574 = vector.shape_cast %get3A_573 : vector<1x1x16xf32> to vector<16xf32>
        %add3A_575 = arith.addf %add3A_440, %get3A_574 : vector<16xf32>
        %get3A_576 = arith.constant 4 : i32
        %get3A_577 = arith.index_cast %get3A_576 : i32 to index
        %get3A_578 = arith.index_cast %scan3A_484 : i32 to index
        %get3A_579 = arith.constant 208 : index
        %get3A_580 = tpu.vector_load %arg6[%get3A_577, %get3A_578, %get3A_579] {strides = array<i32>} : memref<5x40x384xf32, #tpu.memory_space<vmem>>, vector<1x1x16xf32>,
        %get3A_581 = vector.shape_cast %get3A_580 : vector<1x1x16xf32> to vector<16xf32>
        %add3A_582 = arith.addf %add3A_447, %get3A_581 : vector<16xf32>
        %get3A_583 = arith.constant 4 : i32
        %get3A_584 = arith.index_cast %get3A_583 : i32 to index
        %get3A_585 = arith.index_cast %scan3A_484 : i32 to index
        %get3A_586 = arith.constant 224 : index
        %get3A_587 = tpu.vector_load %arg6[%get3A_584, %get3A_585, %get3A_586] {strides = array<i32>} : memref<5x40x384xf32, #tpu.memory_space<vmem>>, vector<1x1x16xf32>,
        %get3A_588 = vector.shape_cast %get3A_587 : vector<1x1x16xf32> to vector<16xf32>
        %add3A_589 = arith.addf %add3A_454, %get3A_588 : vector<16xf32>
        %get3A_590 = arith.constant 4 : i32
        %get3A_591 = arith.index_cast %get3A_590 : i32 to index
        %get3A_592 = arith.index_cast %scan3A_484 : i32 to index
        %get3A_593 = arith.constant 240 : index
        %get3A_594 = tpu.vector_load %arg6[%get3A_591, %get3A_592, %get3A_593] {strides = array<i32>} : memref<5x40x384xf32, #tpu.memory_space<vmem>>, vector<1x1x16xf32>,
        %get3A_595 = vector.shape_cast %get3A_594 : vector<1x1x16xf32> to vector<16xf32>
        %add3A_596 = arith.addf %add3A_461, %get3A_595 : vector<16xf32>
        %get3A_597 = arith.constant 4 : i32
        %get3A_598 = arith.index_cast %get3A_597 : i32 to index
        %get3A_599 = arith.index_cast %scan3A_484 : i32 to index
        %get3A_600 = arith.constant 256 : index
        %get3A_601 = tpu.vector_load %arg6[%get3A_598, %get3A_599, %get3A_600] {strides = array<i32>} : memref<5x40x384xf32, #tpu.memory_space<vmem>>, vector<1x1x16xf32>,
        %get3A_602 = vector.shape_cast %get3A_601 : vector<1x1x16xf32> to vector<16xf32>
        %add3A_603 = arith.addf %add3A_468, %get3A_602 : vector<16xf32>
        %get3A_604 = arith.constant 4 : i32
        %get3A_605 = arith.index_cast %get3A_604 : i32 to index
        %get3A_606 = arith.index_cast %scan3A_484 : i32 to index
        %get3A_607 = arith.constant 272 : index
        %get3A_608 = tpu.vector_load %arg6[%get3A_605, %get3A_606, %get3A_607] {strides = array<i32>} : memref<5x40x384xf32, #tpu.memory_space<vmem>>, vector<1x1x16xf32>,
        %get3A_609 = vector.shape_cast %get3A_608 : vector<1x1x16xf32> to vector<16xf32>
        %add3A_610 = arith.addf %add3A_475, %get3A_609 : vector<16xf32>
        %get3A_611 = arith.constant 4 : i32
        %get3A_612 = arith.index_cast %get3A_611 : i32 to index
        %get3A_613 = arith.index_cast %scan3A_484 : i32 to index
        %get3A_614 = arith.constant 288 : index
        %get3A_615 = tpu.vector_load %arg6[%get3A_612, %get3A_613, %get3A_614] {strides = array<i32>} : memref<5x40x384xf32, #tpu.memory_space<vmem>>, vector<1x1x16xf32>,
        %get3A_616 = vector.shape_cast %get3A_615 : vector<1x1x16xf32> to vector<16xf32>
        %add3A_617 = arith.addf %add3A_482, %get3A_616 : vector<16xf32>
        scf.yield %add3A_491, %add3A_498, %add3A_505, %add3A_512, %add3A_519, %add3A_526, %add3A_533, %add3A_540, %add3A_547, %add3A_554, %add3A_561, %add3A_568, %add3A_575, %add3A_582, %add3A_589, %add3A_596, %add3A_603, %add3A_610, %add3A_617 : vector<16xf32>, vector<16xf32>, vector<16xf32>, vector<16xf32>, vector<16xf32>, vector<16xf32>, vector<16xf32>, vector<16xf32>, vector<16xf32>, vector<16xf32>, vector<16xf32>, vector<16xf32>, vector<16xf32>, vector<16xf32>, vector<16xf32>, vector<16xf32>, vector<16xf32>, vector<16xf32>, vector<16xf32>
      }
      %scan3A_225 = arith.constant 40 : i32
      %add3A_226 = arith.constant 5 : i32
      %add3A_227 = arith.addi %add3A_208, %add3A_226 : i32
      %lt3A_228 = arith.constant 160 : i32
      %lt3A_229 = arith.cmpi slt, %add3A_227, %lt3A_228 : i32
      %convert_element_type3A_230 = arith.extui %lt3A_229 : i1 to i32
      %cond3A_231 = arith.constant 0 : i32
      %cond3A_232 = arith.cmpi ne, %convert_element_type3A_230, %cond3A_231 : i32
      scf.if %cond3A_232 {
        %add3A_331 = arith.constant 5 : i32
        %add3A_332 = arith.addi %add3A_208, %add3A_331 : i32
        %dma_start3A_333 = arith.constant 4 : i32
        %dma_start3A_334 = arith.constant 0 : i32
        %dma_start3A_335 = arith.constant 0 : i32
        %dma_start3A_336 = tpu.memref_slice %arg6[%dma_start3A_333, %dma_start3A_334, %dma_start3A_335] : memref<5x40x384xf32, #tpu.memory_space<vmem>> -> memref<1x40x384xf32, #tpu.memory_space<vmem>>
        %dma_start3A_337 = tpu.memref_squeeze %dma_start3A_336 : memref<1x40x384xf32, #tpu.memory_space<vmem>> -> memref<40x384xf32, #tpu.memory_space<vmem>>
        %dma_start3A_338 = arith.constant 0 : i32
        %dma_start3A_339 = tpu.memref_slice %arg5[%add3A_332, %dma_start3A_338] : memref<160x40xi32, #tpu.memory_space<vmem>> -> memref<1x40xi32, #tpu.memory_space<vmem>>
        %dma_start3A_340 = tpu.memref_squeeze %dma_start3A_339 : memref<1x40xi32, #tpu.memory_space<vmem>> -> memref<40xi32, #tpu.memory_space<vmem>>
        %dma_start3A_341 = arith.constant 0 : i32
        %dma_start3A_342 = arith.constant 0 : i32
        %dma_start3A_343 = tpu.memref_slice %arg2[%dma_start3A_341, %dma_start3A_342] : memref<50003x384xf32, #tpu.memory_space<hbm>> -> memref<50003x384xf32, #tpu.memory_space<hbm>>
        tpu.enqueue_indirect_dma source(%dma_start3A_343 : memref<50003x384xf32, #tpu.memory_space<hbm>>) target(%dma_start3A_337 : memref<40x384xf32, #tpu.memory_space<vmem>>) offsets(%dma_start3A_340 : memref<40xi32, #tpu.memory_space<vmem>>) semaphore(%arg12 : memref<!tpu.dma_semaphore, #tpu.memory_space<semaphore_mem>>)
      } else {
      }
      %mul3A_233 = arith.constant 1 : i32
      %mul3A_234 = arith.muli %scan3A_67, %mul3A_233 : i32
      %add3A_235 = arith.constant 0 : i32
      %add3A_236 = arith.addi %mul3A_234, %add3A_235 : i32
      %swap3A = arith.index_cast %add3A_236 : i32 to index
      %swap3A_237 = arith.constant 0 : index
      %swap3A_238 = tpu.vector_load %arg7[%swap3A, %swap3A_237] {strides = array<i32>} : memref<32x304xf32, #tpu.memory_space<vmem>>, vector<1x16xf32>,
      %swap3A_239 = vector.shape_cast %swap3A_238 : vector<1x16xf32> to vector<16xf32>
      %swap3A_240 = vector.shape_cast %scan3A_224#0 : vector<16xf32> to vector<1x16xf32>
      tpu.vector_store %arg7[%swap3A, %swap3A_237], %swap3A_240 {strides = array<i32>} : memref<32x304xf32, #tpu.memory_space<vmem>>, vector<1x16xf32>,
      %swap3A_241 = arith.index_cast %add3A_236 : i32 to index
      %swap3A_242 = arith.constant 16 : index
      %swap3A_243 = tpu.vector_load %arg7[%swap3A_241, %swap3A_242] {strides = array<i32>} : memref<32x304xf32, #tpu.memory_space<vmem>>, vector<1x16xf32>,
      %swap3A_244 = vector.shape_cast %swap3A_243 : vector<1x16xf32> to vector<16xf32>
      %swap3A_245 = vector.shape_cast %scan3A_224#1 : vector<16xf32> to vector<1x16xf32>
      tpu.vector_store %arg7[%swap3A_241, %swap3A_242], %swap3A_245 {strides = array<i32>} : memref<32x304xf32, #tpu.memory_space<vmem>>, vector<1x16xf32>,
      %swap3A_246 = arith.index_cast %add3A_236 : i32 to index
      %swap3A_247 = arith.constant 32 : index
      %swap3A_248 = tpu.vector_load %arg7[%swap3A_246, %swap3A_247] {strides = array<i32>} : memref<32x304xf32, #tpu.memory_space<vmem>>, vector<1x16xf32>,
      %swap3A_249 = vector.shape_cast %swap3A_248 : vector<1x16xf32> to vector<16xf32>
      %swap3A_250 = vector.shape_cast %scan3A_224#2 : vector<16xf32> to vector<1x16xf32>
      tpu.vector_store %arg7[%swap3A_246, %swap3A_247], %swap3A_250 {strides = array<i32>} : memref<32x304xf32, #tpu.memory_space<vmem>>, vector<1x16xf32>,
      %swap3A_251 = arith.index_cast %add3A_236 : i32 to index
      %swap3A_252 = arith.constant 48 : index
      %swap3A_253 = tpu.vector_load %arg7[%swap3A_251, %swap3A_252] {strides = array<i32>} : memref<32x304xf32, #tpu.memory_space<vmem>>, vector<1x16xf32>,
      %swap3A_254 = vector.shape_cast %swap3A_253 : vector<1x16xf32> to vector<16xf32>
      %swap3A_255 = vector.shape_cast %scan3A_224#3 : vector<16xf32> to vector<1x16xf32>
      tpu.vector_store %arg7[%swap3A_251, %swap3A_252], %swap3A_255 {strides = array<i32>} : memref<32x304xf32, #tpu.memory_space<vmem>>, vector<1x16xf32>,
      %swap3A_256 = arith.index_cast %add3A_236 : i32 to index
      %swap3A_257 = arith.constant 64 : index
      %swap3A_258 = tpu.vector_load %arg7[%swap3A_256, %swap3A_257] {strides = array<i32>} : memref<32x304xf32, #tpu.memory_space<vmem>>, vector<1x16xf32>,
      %swap3A_259 = vector.shape_cast %swap3A_258 : vector<1x16xf32> to vector<16xf32>
      %swap3A_260 = vector.shape_cast %scan3A_224#4 : vector<16xf32> to vector<1x16xf32>
      tpu.vector_store %arg7[%swap3A_256, %swap3A_257], %swap3A_260 {strides = array<i32>} : memref<32x304xf32, #tpu.memory_space<vmem>>, vector<1x16xf32>,
      %swap3A_261 = arith.index_cast %add3A_236 : i32 to index
      %swap3A_262 = arith.constant 80 : index
      %swap3A_263 = tpu.vector_load %arg7[%swap3A_261, %swap3A_262] {strides = array<i32>} : memref<32x304xf32, #tpu.memory_space<vmem>>, vector<1x16xf32>,
      %swap3A_264 = vector.shape_cast %swap3A_263 : vector<1x16xf32> to vector<16xf32>
      %swap3A_265 = vector.shape_cast %scan3A_224#5 : vector<16xf32> to vector<1x16xf32>
      tpu.vector_store %arg7[%swap3A_261, %swap3A_262], %swap3A_265 {strides = array<i32>} : memref<32x304xf32, #tpu.memory_space<vmem>>, vector<1x16xf32>,
      %swap3A_266 = arith.index_cast %add3A_236 : i32 to index
      %swap3A_267 = arith.constant 96 : index
      %swap3A_268 = tpu.vector_load %arg7[%swap3A_266, %swap3A_267] {strides = array<i32>} : memref<32x304xf32, #tpu.memory_space<vmem>>, vector<1x16xf32>,
      %swap3A_269 = vector.shape_cast %swap3A_268 : vector<1x16xf32> to vector<16xf32>
      %swap3A_270 = vector.shape_cast %scan3A_224#6 : vector<16xf32> to vector<1x16xf32>
      tpu.vector_store %arg7[%swap3A_266, %swap3A_267], %swap3A_270 {strides = array<i32>} : memref<32x304xf32, #tpu.memory_space<vmem>>, vector<1x16xf32>,
      %swap3A_271 = arith.index_cast %add3A_236 : i32 to index
      %swap3A_272 = arith.constant 112 : index
      %swap3A_273 = tpu.vector_load %arg7[%swap3A_271, %swap3A_272] {strides = array<i32>} : memref<32x304xf32, #tpu.memory_space<vmem>>, vector<1x16xf32>,
      %swap3A_274 = vector.shape_cast %swap3A_273 : vector<1x16xf32> to vector<16xf32>
      %swap3A_275 = vector.shape_cast %scan3A_224#7 : vector<16xf32> to vector<1x16xf32>
      tpu.vector_store %arg7[%swap3A_271, %swap3A_272], %swap3A_275 {strides = array<i32>} : memref<32x304xf32, #tpu.memory_space<vmem>>, vector<1x16xf32>,
      %swap3A_276 = arith.index_cast %add3A_236 : i32 to index
      %swap3A_277 = arith.constant 128 : index
      %swap3A_278 = tpu.vector_load %arg7[%swap3A_276, %swap3A_277] {strides = array<i32>} : memref<32x304xf32, #tpu.memory_space<vmem>>, vector<1x16xf32>,
      %swap3A_279 = vector.shape_cast %swap3A_278 : vector<1x16xf32> to vector<16xf32>
      %swap3A_280 = vector.shape_cast %scan3A_224#8 : vector<16xf32> to vector<1x16xf32>
      tpu.vector_store %arg7[%swap3A_276, %swap3A_277], %swap3A_280 {strides = array<i32>} : memref<32x304xf32, #tpu.memory_space<vmem>>, vector<1x16xf32>,
      %swap3A_281 = arith.index_cast %add3A_236 : i32 to index
      %swap3A_282 = arith.constant 144 : index
      %swap3A_283 = tpu.vector_load %arg7[%swap3A_281, %swap3A_282] {strides = array<i32>} : memref<32x304xf32, #tpu.memory_space<vmem>>, vector<1x16xf32>,
      %swap3A_284 = vector.shape_cast %swap3A_283 : vector<1x16xf32> to vector<16xf32>
      %swap3A_285 = vector.shape_cast %scan3A_224#9 : vector<16xf32> to vector<1x16xf32>
      tpu.vector_store %arg7[%swap3A_281, %swap3A_282], %swap3A_285 {strides = array<i32>} : memref<32x304xf32, #tpu.memory_space<vmem>>, vector<1x16xf32>,
      %swap3A_286 = arith.index_cast %add3A_236 : i32 to index
      %swap3A_287 = arith.constant 160 : index
      %swap3A_288 = tpu.vector_load %arg7[%swap3A_286, %swap3A_287] {strides = array<i32>} : memref<32x304xf32, #tpu.memory_space<vmem>>, vector<1x16xf32>,
      %swap3A_289 = vector.shape_cast %swap3A_288 : vector<1x16xf32> to vector<16xf32>
      %swap3A_290 = vector.shape_cast %scan3A_224#10 : vector<16xf32> to vector<1x16xf32>
      tpu.vector_store %arg7[%swap3A_286, %swap3A_287], %swap3A_290 {strides = array<i32>} : memref<32x304xf32, #tpu.memory_space<vmem>>, vector<1x16xf32>,
      %swap3A_291 = arith.index_cast %add3A_236 : i32 to index
      %swap3A_292 = arith.constant 176 : index
      %swap3A_293 = tpu.vector_load %arg7[%swap3A_291, %swap3A_292] {strides = array<i32>} : memref<32x304xf32, #tpu.memory_space<vmem>>, vector<1x16xf32>,
      %swap3A_294 = vector.shape_cast %swap3A_293 : vector<1x16xf32> to vector<16xf32>
      %swap3A_295 = vector.shape_cast %scan3A_224#11 : vector<16xf32> to vector<1x16xf32>
      tpu.vector_store %arg7[%swap3A_291, %swap3A_292], %swap3A_295 {strides = array<i32>} : memref<32x304xf32, #tpu.memory_space<vmem>>, vector<1x16xf32>,
      %swap3A_296 = arith.index_cast %add3A_236 : i32 to index
      %swap3A_297 = arith.constant 192 : index
      %swap3A_298 = tpu.vector_load %arg7[%swap3A_296, %swap3A_297] {strides = array<i32>} : memref<32x304xf32, #tpu.memory_space<vmem>>, vector<1x16xf32>,
      %swap3A_299 = vector.shape_cast %swap3A_298 : vector<1x16xf32> to vector<16xf32>
      %swap3A_300 = vector.shape_cast %scan3A_224#12 : vector<16xf32> to vector<1x16xf32>
      tpu.vector_store %arg7[%swap3A_296, %swap3A_297], %swap3A_300 {strides = array<i32>} : memref<32x304xf32, #tpu.memory_space<vmem>>, vector<1x16xf32>,
      %swap3A_301 = arith.index_cast %add3A_236 : i32 to index
      %swap3A_302 = arith.constant 208 : index
      %swap3A_303 = tpu.vector_load %arg7[%swap3A_301, %swap3A_302] {strides = array<i32>} : memref<32x304xf32, #tpu.memory_space<vmem>>, vector<1x16xf32>,
      %swap3A_304 = vector.shape_cast %swap3A_303 : vector<1x16xf32> to vector<16xf32>
      %swap3A_305 = vector.shape_cast %scan3A_224#13 : vector<16xf32> to vector<1x16xf32>
      tpu.vector_store %arg7[%swap3A_301, %swap3A_302], %swap3A_305 {strides = array<i32>} : memref<32x304xf32, #tpu.memory_space<vmem>>, vector<1x16xf32>,
      %swap3A_306 = arith.index_cast %add3A_236 : i32 to index
      %swap3A_307 = arith.constant 224 : index
      %swap3A_308 = tpu.vector_load %arg7[%swap3A_306, %swap3A_307] {strides = array<i32>} : memref<32x304xf32, #tpu.memory_space<vmem>>, vector<1x16xf32>,
      %swap3A_309 = vector.shape_cast %swap3A_308 : vector<1x16xf32> to vector<16xf32>
      %swap3A_310 = vector.shape_cast %scan3A_224#14 : vector<16xf32> to vector<1x16xf32>
      tpu.vector_store %arg7[%swap3A_306, %swap3A_307], %swap3A_310 {strides = array<i32>} : memref<32x304xf32, #tpu.memory_space<vmem>>, vector<1x16xf32>,
      %swap3A_311 = arith.index_cast %add3A_236 : i32 to index
      %swap3A_312 = arith.constant 240 : index
      %swap3A_313 = tpu.vector_load %arg7[%swap3A_311, %swap3A_312] {strides = array<i32>} : memref<32x304xf32, #tpu.memory_space<vmem>>, vector<1x16xf32>,
      %swap3A_314 = vector.shape_cast %swap3A_313 : vector<1x16xf32> to vector<16xf32>
      %swap3A_315 = vector.shape_cast %scan3A_224#15 : vector<16xf32> to vector<1x16xf32>
      tpu.vector_store %arg7[%swap3A_311, %swap3A_312], %swap3A_315 {strides = array<i32>} : memref<32x304xf32, #tpu.memory_space<vmem>>, vector<1x16xf32>,
      %swap3A_316 = arith.index_cast %add3A_236 : i32 to index
      %swap3A_317 = arith.constant 256 : index
      %swap3A_318 = tpu.vector_load %arg7[%swap3A_316, %swap3A_317] {strides = array<i32>} : memref<32x304xf32, #tpu.memory_space<vmem>>, vector<1x16xf32>,
      %swap3A_319 = vector.shape_cast %swap3A_318 : vector<1x16xf32> to vector<16xf32>
      %swap3A_320 = vector.shape_cast %scan3A_224#16 : vector<16xf32> to vector<1x16xf32>
      tpu.vector_store %arg7[%swap3A_316, %swap3A_317], %swap3A_320 {strides = array<i32>} : memref<32x304xf32, #tpu.memory_space<vmem>>, vector<1x16xf32>,
      %swap3A_321 = arith.index_cast %add3A_236 : i32 to index
      %swap3A_322 = arith.constant 272 : index
      %swap3A_323 = tpu.vector_load %arg7[%swap3A_321, %swap3A_322] {strides = array<i32>} : memref<32x304xf32, #tpu.memory_space<vmem>>, vector<1x16xf32>,
      %swap3A_324 = vector.shape_cast %swap3A_323 : vector<1x16xf32> to vector<16xf32>
      %swap3A_325 = vector.shape_cast %scan3A_224#17 : vector<16xf32> to vector<1x16xf32>
      tpu.vector_store %arg7[%swap3A_321, %swap3A_322], %swap3A_325 {strides = array<i32>} : memref<32x304xf32, #tpu.memory_space<vmem>>, vector<1x16xf32>,
      %swap3A_326 = arith.index_cast %add3A_236 : i32 to index
      %swap3A_327 = arith.constant 288 : index
      %swap3A_328 = tpu.vector_load %arg7[%swap3A_326, %swap3A_327] {strides = array<i32>} : memref<32x304xf32, #tpu.memory_space<vmem>>, vector<1x16xf32>,
      %swap3A_329 = vector.shape_cast %swap3A_328 : vector<1x16xf32> to vector<16xf32>
      %swap3A_330 = vector.shape_cast %scan3A_224#18 : vector<16xf32> to vector<1x16xf32>
      tpu.vector_store %arg7[%swap3A_326, %swap3A_327], %swap3A_330 {strides = array<i32>} : memref<32x304xf32, #tpu.memory_space<vmem>>, vector<1x16xf32>,
    }
    %scan3A_64 = arith.constant 32 : i32
    %mul3A_65 = arith.constant 32 : i32
    %mul3A_66 = arith.muli %add3A, %mul3A_65 : i32
    "tpu.region"() ({
      %run_scoped3A = tpu.sem_alloc : memref<!tpu.dma_semaphore, #tpu.memory_space<semaphore_mem>>
      %dma_start3A_67 = arith.constant 0 : i32
      %dma_start3A_68 = tpu.memref_slice %arg4[%mul3A_66, %dma_start3A_67] : memref<1024x304xf32, #tpu.memory_space<hbm>> -> memref<32x304xf32, #tpu.memory_space<hbm>>
      %dma_start3A_69 = arith.constant 0 : i32
      %dma_start3A_70 = tpu.memref_slice %arg4[%mul3A_66, %dma_start3A_69] : memref<1024x304xf32, #tpu.memory_space<hbm>> -> memref<32x304xf32, #tpu.memory_space<hbm>>
      tpu.enqueue_dma source(%arg7 : memref<32x304xf32, #tpu.memory_space<vmem>>) target(%dma_start3A_70 : memref<32x304xf32, #tpu.memory_space<hbm>>) target_semaphore(%run_scoped3A : memref<!tpu.dma_semaphore, #tpu.memory_space<semaphore_mem>>)
      %dma_wait3A = arith.constant 0 : i32
      %dma_wait3A_71 = tpu.memref_slice %arg4[%mul3A_66, %dma_wait3A] : memref<1024x304xf32, #tpu.memory_space<hbm>> -> memref<32x304xf32, #tpu.memory_space<hbm>>
      %dma_wait3A_72 = arith.constant 0 : i32
      %dma_wait3A_73 = tpu.memref_slice %arg4[%mul3A_66, %dma_wait3A_72] : memref<1024x304xf32, #tpu.memory_space<hbm>> -> memref<32x304xf32, #tpu.memory_space<hbm>>
      tpu.wait_dma2 semaphore(%run_scoped3A : memref<!tpu.dma_semaphore, #tpu.memory_space<semaphore_mem>>) src(%arg7 : memref<32x304xf32, #tpu.memory_space<vmem>>) dst(%dma_wait3A_73 : memref<32x304xf32, #tpu.memory_space<hbm>>)
      tpu.yield
    }) : () -> ()
    return
  }
}

module attributes {stable_mosaic.version = 14 : i64} {
  func.func @body(%arg0: i32, %arg1: memref<300x4096xf32, #tpu.memory_space<vmem>>, %arg2: memref<4096x384xf32, #tpu.memory_space<vmem>>) attributes {dimension_semantics = [#tpu.dimension_semantics<arbitrary>], iteration_bounds = array<i64: 13>, scalar_prefetch = 0 : i64, scratch_operands = 0 : i64, tpu.core_type = #tpu.core_type<tc>, window_params = [{transform_indices = @transform_0, window_bounds = array<i64: 300, 4096>}, {transform_indices = @transform_1, window_bounds = array<i64: 4096, 384>}]} {
    %get3A = arith.constant 0 : index
    %get3A_0 = arith.constant 0 : index
    %get3A_1 = vector.load %arg1[%get3A, %get3A_0] : memref<300x4096xf32, #tpu.memory_space<vmem>>, vector<300x4096xf32>
    %transpose3A = tpu.transpose %get3A_1, [1, 0] : vector<300x4096xf32> -> vector<4096x300xf32>
    %jit3A = arith.constant 0 : i32
    %convert_element_type3A = arith.sitofp %jit3A : i32 to f32
    %pad3A = vector.broadcast %convert_element_type3A : f32 to vector<4096x84xf32>
    %pad3A_2 = tpu.concatenate %transpose3A, %pad3A in 1 : vector<4096x300xf32>, vector<4096x84xf32> -> vector<4096x384xf32>
    %swap3A = arith.constant 0 : index
    %swap3A_3 = arith.constant 0 : index
    %swap3A_4 = vector.load %arg2[%swap3A, %swap3A_3] : memref<4096x384xf32, #tpu.memory_space<vmem>>, vector<4096x384xf32>
    tpu.vector_store %arg2[%swap3A, %swap3A_3], %pad3A_2 {strides = array<i32>} : memref<4096x384xf32, #tpu.memory_space<vmem>>, vector<4096x384xf32>,
    return
  }
  func.func @transform_0(%arg0: i32) -> (i32, i32) {
    %c0_i32 = arith.constant 0 : i32
    %c0_i32_0 = arith.constant 0 : i32
    return %c0_i32, %arg0 : i32, i32
  }
  func.func @transform_1(%arg0: i32) -> (i32, i32) {
    %c0_i32 = arith.constant 0 : i32
    %c0_i32_0 = arith.constant 0 : i32
    return %arg0, %c0_i32 : i32, i32
  }
}

module attributes {stable_mosaic.version = 14 : i64} {
  func.func @body(%arg0: memref<1024x304xf32, #tpu.memory_space<vmem>>, %arg1: memref<1024x1xi32, #tpu.memory_space<vmem>>, %arg2: memref<304x256xf32, #tpu.memory_space<vmem>>, %arg3: memref<1x256xf32, #tpu.memory_space<vmem>>, %arg4: memref<256x128xf32, #tpu.memory_space<vmem>>, %arg5: memref<1x128xf32, #tpu.memory_space<vmem>>, %arg6: memref<1x1xf32, #tpu.memory_space<smem>>) attributes {dimension_semantics = [], scalar_prefetch = 0 : i64, scratch_operands = 0 : i64, tpu.core_type = #tpu.core_type<tc>} {
    %get3A = arith.constant 0 : index
    %get3A_0 = arith.constant 0 : index
    %get3A_1 = vector.load %arg0[%get3A, %get3A_0] : memref<1024x304xf32, #tpu.memory_space<vmem>>, vector<1024x304xf32>
    %mul3A = arith.constant 5.000000e-03 : f32
    %mul3A_2 = vector.broadcast %mul3A : f32 to vector<1024x304xf32>
    %mul3A_3 = arith.mulf %get3A_1, %mul3A_2 : vector<1024x304xf32>
    %get3A_4 = arith.constant 0 : index
    %get3A_5 = arith.constant 0 : index
    %get3A_6 = vector.load %arg2[%get3A_4, %get3A_5] : memref<304x256xf32, #tpu.memory_space<vmem>>, vector<304x256xf32>
    %dot_general3A = arith.constant dense<0.000000e+00> : vector<1024x256xf32>
    %dot_general3A_7 = tpu.matmul %mul3A_3, %get3A_6, %dot_general3A {dimension_numbers = #tpu.dot_dimension_numbers<[1], [0], [0], [1], [0, 0, 1, 1], [], []>, precision = #tpu.contract_precision<fp32>, transpose_lhs_hint = false} : vector<1024x304xf32>, vector<304x256xf32>, vector<1024x256xf32> -> vector<1024x256xf32>
    %get3A_8 = arith.constant 0 : index
    %get3A_9 = arith.constant 0 : index
    %get3A_10 = vector.load %arg3[%get3A_8, %get3A_9] : memref<1x256xf32, #tpu.memory_space<vmem>>, vector<1x256xf32>
    %add3A = vector.broadcast %get3A_10 : vector<1x256xf32> to vector<1024x256xf32>
    %add3A_11 = arith.addf %dot_general3A_7, %add3A : vector<1024x256xf32>
    %tanh3A = math.tanh %add3A_11 : vector<1024x256xf32>
    %get3A_12 = arith.constant 0 : index
    %get3A_13 = arith.constant 0 : index
    %get3A_14 = vector.load %arg4[%get3A_12, %get3A_13] : memref<256x128xf32, #tpu.memory_space<vmem>>, vector<256x128xf32>
    %dot_general3A_15 = arith.constant dense<0.000000e+00> : vector<1024x128xf32>
    %dot_general3A_16 = tpu.matmul %tanh3A, %get3A_14, %dot_general3A_15 {dimension_numbers = #tpu.dot_dimension_numbers<[1], [0], [0], [1], [0, 0, 1, 1], [], []>, precision = #tpu.contract_precision<fp32>, transpose_lhs_hint = false} : vector<1024x256xf32>, vector<256x128xf32>, vector<1024x128xf32> -> vector<1024x128xf32>
    %get3A_17 = arith.constant 0 : index
    %get3A_18 = arith.constant 0 : index
    %get3A_19 = vector.load %arg5[%get3A_17, %get3A_18] : memref<1x128xf32, #tpu.memory_space<vmem>>, vector<1x128xf32>
    %add3A_20 = vector.broadcast %get3A_19 : vector<1x128xf32> to vector<1024x128xf32>
    %add3A_21 = arith.addf %dot_general3A_16, %add3A_20 : vector<1024x128xf32>
    %iota3A = tpu.iota {dimensions = array<i32: 1>} : vector<1024x128xi32>
    %lt3A = arith.constant 3 : i32
    %lt3A_22 = vector.broadcast %lt3A : i32 to vector<1024x128xi32>
    %lt3A_23 = arith.cmpi slt, %iota3A, %lt3A_22 : vector<1024x128xi32>
    %jit3A = arith.constant -1.000000e+30 : f32
    %broadcast_in_dim3A = vector.broadcast %jit3A : f32 to vector<1024x128xf32>
    %select_n3A = arith.select %lt3A_23, %add3A_21, %broadcast_in_dim3A : vector<1024x128xi1>, vector<1024x128xf32>
    %reduce_max3A = arith.constant dense<0xFF800000> : vector<1024xf32>
    %reduce_max3A_24 = vector.multi_reduction <maximumf>, %select_n3A, %reduce_max3A [1] : vector<1024x128xf32> to vector<1024xf32>
    %broadcast_in_dim3A_25 = vector.shape_cast %reduce_max3A_24 : vector<1024xf32> to vector<1024x1xf32>
    %sub3A = vector.broadcast %broadcast_in_dim3A_25 : vector<1024x1xf32> to vector<1024x128xf32>
    %sub3A_26 = arith.subf %select_n3A, %sub3A : vector<1024x128xf32>
    %exp3A = math.exp %sub3A_26 : vector<1024x128xf32>
    %reduce_sum3A = arith.constant dense<0.000000e+00> : vector<1024xf32>
    %reduce_sum3A_27 = vector.multi_reduction <add>, %exp3A, %reduce_sum3A [1] : vector<1024x128xf32> to vector<1024xf32>
    %broadcast_in_dim3A_28 = vector.shape_cast %reduce_sum3A_27 : vector<1024xf32> to vector<1024x1xf32>
    %log3A = math.log %broadcast_in_dim3A_28 : vector<1024x1xf32>
    %add3A_29 = arith.addf %broadcast_in_dim3A_25, %log3A : vector<1024x1xf32>
    %get3A_30 = arith.constant 0 : index
    %get3A_31 = arith.constant 0 : index
    %get3A_32 = vector.load %arg1[%get3A_30, %get3A_31] : memref<1024x1xi32, #tpu.memory_space<vmem>>, vector<1024x1xi32>
    %eq3A = vector.broadcast %get3A_32 : vector<1024x1xi32> to vector<1024x128xi32>
    %eq3A_33 = arith.cmpi eq, %iota3A, %eq3A : vector<1024x128xi32>
    %jit3A_34 = arith.constant 0.000000e+00 : f32
    %broadcast_in_dim3A_35 = vector.broadcast %jit3A_34 : f32 to vector<1024x128xf32>
    %select_n3A_36 = arith.select %eq3A_33, %select_n3A, %broadcast_in_dim3A_35 : vector<1024x128xi1>, vector<1024x128xf32>
    %reduce_sum3A_37 = arith.constant dense<0.000000e+00> : vector<1024xf32>
    %reduce_sum3A_38 = vector.multi_reduction <add>, %select_n3A_36, %reduce_sum3A_37 [1] : vector<1024x128xf32> to vector<1024xf32>
    %broadcast_in_dim3A_39 = vector.shape_cast %reduce_sum3A_38 : vector<1024xf32> to vector<1024x1xf32>
    %sub3A_40 = arith.subf %add3A_29, %broadcast_in_dim3A_39 : vector<1024x1xf32>
    %reduce_sum3A_41 = vector.shape_cast %sub3A_40 : vector<1024x1xf32> to vector<1x1024x1xf32>
    %reduce_sum3A_42 = arith.constant dense<0.000000e+00> : vector<1xf32>
    %reduce_sum3A_43 = vector.multi_reduction <add>, %reduce_sum3A_41, %reduce_sum3A_42 [1, 2] : vector<1x1024x1xf32> to vector<1xf32>
    %reduce_sum3A_44 = vector.shape_cast %reduce_sum3A_43 : vector<1xf32> to vector<1x1x1xf32>
    %reduce_sum3A_45 = vector.extract %reduce_sum3A_44[0, 0, 0] : f32 from vector<1x1x1xf32>
    %swap3A = arith.constant 0 : index
    %swap3A_46 = arith.constant 0 : index
    %swap3A_47 = memref.load %arg6[%swap3A, %swap3A_46] : memref<1x1xf32, #tpu.memory_space<smem>>
    memref.store %reduce_sum3A_45, %arg6[%swap3A, %swap3A_46] : memref<1x1xf32, #tpu.memory_space<smem>>
    return
  }
}

</mosaic_0001>

<sc_bundles>
// kernel: kernel.5.cloned.1.call-start
scs
__scs_entry_jumppad:
0x0: {  	(pc) =	sbr.rel $0x88, $3  }
0x1: {  	(tag) =	ssettag $0x0;
	lr =	simm.s32 $0x1  }
0x2: {  	[smem:$0x3F9A] =	sst lr;
	_ =	strace $0xD0000000  }
0x3: {  	_ = 	snop  }
0x4: {  	_ = 	snop  }
0x5: {  	_ = 	snop  }
0x6: {  	_ = 	snop  }
0x7: {  	_ = 	snop  }
__scs_overlays_trampoline_lowered:
0x8: {  	[smem:$0x3FA9] =	sst s0  }
0x9: {  	[smem:$0x3FAA] =	sst s1  }
0xa: {  	[smem:$0x3FAB] =	sst s2  }
0xb: {  	[smem:$0x3FAC] =	sst s3  }
0xc: {  	[smem:$0x3FAD] =	sst s4  }
0xd: {  	[smem:$0x3FAE] =	sst s5  }
0xe: {  	[smem:$0x3FAF] =	sst s6  }
0xf: {  	[smem:$0x3FB0] =	sst s7  }
0x10: {  	[smem:$0x3FB1] =	sst s8  }
0x11: {  	[smem:$0x3FB2] =	sst s9;
	s0 =	simm.s32 @!p0 $0x0  }
0x12: {  	s1 =	sld [smem:$0x3F98];
	s0 =	simm.s32 @p0 $0x1  }
0x13: {  	[smem:$0x3FB3] =	sst s0;
	s0 =	simm.s32 @!p1 $0x0  }
0x14: {  	s2 =	sld [smem:$0x3F97];
	s0 =	simm.s32 @p1 $0x1  }
0x15: {  	[smem:$0x3FB4] =	sst s0;
	s0 =	simm.s32 @!p2 $0x0  }
0x16: {  	s3 =	sld [smem:$0x3FDB];
	s0 =	simm.s32 @p2 $0x1  }
0x17: {  	s4 =	simm.s32 $0x1BF5;
	[smem:$0x3FB6] =	sst s0  }
0x18: {  	s0 =	sld [smem:$0x3F99];
	_ =	swait.ge [sflag:s4], $0x0  }
0x19: {  	s7 =	sld [smem:$0x3F9A]  }
0x1a: {  	s8 =	sadd.s32 $0xFFFFE003, lr  }
0x1b: {  	s9 =	sadd.s32 $0xFFFFFEF7, lr;
	s5 =	simm.s32 $0xFFFFFFFF;
	p2 =	slt.u32 s8, $0xFFFFF086  }
0x1c: {  	p1 =	slt.u32 s9, $0xF7A;
	s5 =	simm.s32 @!p2 $0x0  }
0x1d: {  	s5 =	simm.s32 @p1 $0x1;
	p0 =	seq.s32 s7, s2  }
0x1e: {  	s7 =	smul.u32 @!p0 $0xF7A, s2;
	p2 =	seq.s32 @!p0 s5, $0x0  }
0x1f: {  	s9 =	smul.u32 $0xF7A, s1;
	s8 =	simm.s32 @!p0 $0x1BF5;
	p2 =	por !p2, p0  }
0x20: {  	[sflag:s8] =	ssyncset.s32 @!p0 $0xFFFFF086;
	s6 =	sadd.s32 @!p0 s3, s7;
	s7 =	simm.s32 @!p0 $0x108  }
0x21: {  	s3 =	sadd.s32 s3, s9;
	s6 =	sadd.s32 @!p0 $0x88, s6;
	s7 =	simm.s32 @p2 $0x1082  }
0x22: {  	[simem:s7], [sflag:s8] =	dma.local @!p0 [hbm:s6], $0xF7A  }
0x23: {  	s9 =	sor.u32 $0xD0000000, s2;
	s6 =	simm.s32 $0x108;
	_ =	swait.ge @!p0 [sflag:s8], $0x0  }
0x24: {  	s3 =	sadd.s32 $0x88, s3;
	s6 =	simm.s32 @!p1 $0x1082;
	[sflag:s4] =	ssyncset.s32 $0xFFFFF086  }
0x25: {  	[simem:s6], [sflag:s4] =	dma.local [hbm:s3], $0xF7A  }
0x26: {  	[smem:$0x3F9A] =	sst s1;
	(tag) =	ssettag s2;
	_ =	strace s9  }
0x27: {  	s1 =	sld [smem:$0x3FAA]  }
0x28: {  	s2 =	sld [smem:$0x3FAB]  }
0x29: {  	s4 =	sld [smem:$0x3FAD]  }
0x2a: {  	p0 =	seq.s32 s5, $0x0;
	s5 =	sld [smem:$0x3FAE]  }
0x2b: {  	s6 =	sld [smem:$0x3FAF]  }
0x2c: {  	s7 =	sld [smem:$0x3FB0]  }
0x2d: {  	s3 =	simm.s32 $0x108;
	s8 =	sld [smem:$0x3FB1]  }
0x2e: {  	s3 =	simm.s32 @!p0 $0x1082;
	s9 =	sld [smem:$0x3FB2]  }
0x2f: {  	lr =	sadd.s32 s0, s3;
	s0 =	sld [smem:$0x3FA9]  }
0x30: {  	s3 =	sld [smem:$0x3FAC]  }
0x31: {  	[smem:$0x3FB5] =	sst s10  }
0x32: {  	s10 =	sld [smem:$0x3FB3];
	_ =	sdelay $0x3  }
0x33: {  	p0 =	seq.s32 s10, $0x1;
	s10 =	sld [smem:$0x3FB5];
	_ =	sdelay $0x3  }
0x34: {  	[smem:$0x3FB5] =	sst s10  }
0x35: {  	s10 =	sld [smem:$0x3FB4];
	_ =	sdelay $0x3  }
0x36: {  	p1 =	seq.s32 s10, $0x1;
	s10 =	sld [smem:$0x3FB5];
	_ =	sdelay $0x3  }
0x37: {  	[smem:$0x3FB5] =	sst s10  }
0x38: {  	s10 =	sld [smem:$0x3FB6]  }
0x39: {  	_ = 	snop;
	(pc) =	sbr.ind lr, $3  }
0x3a: {  	_ = 	snop  }
0x3b: {  	_ = 	snop  }
0x3c: {  	p2 =	seq.s32 s10, $0x1;
	s10 =	sld [smem:$0x3FB5]  }
0x3d: {  	_ =	shalt  }
0x3e: {  	_ =	shalt  }
0x3f: {  	_ =	shalt  }
0x40: {  	_ =	shalt  }
0x41: {  	_ =	shalt  }
0x42: {  	_ =	shalt  }
0x43: {  	_ =	shalt  }
0x44: {  	_ =	shalt  }
0x45: {  	_ =	shalt  }
0x46: {  	_ =	shalt  }
0x47: {  	_ =	shalt  }
0x48: {  	_ =	shalt  }
0x49: {  	_ =	shalt  }
0x4a: {  	_ =	shalt  }
0x4b: {  	_ =	shalt  }
0x4c: {  	_ =	shalt  }
0x4d: {  	_ =	shalt  }
0x4e: {  	_ =	shalt  }
0x4f: {  	_ =	shalt  }
0x50: {  	_ =	shalt  }
0x51: {  	_ =	shalt  }
0x52: {  	_ =	shalt  }
0x53: {  	_ =	shalt  }
0x54: {  	_ =	shalt  }
0x55: {  	_ =	shalt  }
0x56: {  	_ =	shalt  }
0x57: {  	_ =	shalt  }
0x58: {  	_ =	shalt  }
0x59: {  	_ =	shalt  }
0x5a: {  	_ =	shalt  }
0x5b: {  	_ =	shalt  }
0x5c: {  	_ =	shalt  }
0x5d: {  	_ =	shalt  }
0x5e: {  	_ =	shalt  }
0x5f: {  	_ =	shalt  }
0x60: {  	_ =	shalt  }
0x61: {  	_ =	shalt  }
0x62: {  	_ =	shalt  }
0x63: {  	_ =	shalt  }
0x64: {  	_ =	shalt  }
0x65: {  	_ =	shalt  }
0x66: {  	_ =	shalt  }
0x67: {  	_ =	shalt  }
0x68: {  	_ =	shalt  }
0x69: {  	_ =	shalt  }
0x6a: {  	_ =	shalt  }
0x6b: {  	_ =	shalt  }
0x6c: {  	_ =	shalt  }
0x6d: {  	_ =	shalt  }
0x6e: {  	_ =	shalt  }
0x6f: {  	_ =	shalt  }
0x70: {  	_ =	shalt  }
0x71: {  	_ =	shalt  }
0x72: {  	_ =	shalt  }
0x73: {  	_ =	shalt  }
0x74: {  	_ =	shalt  }
0x75: {  	_ =	shalt  }
0x76: {  	_ =	shalt  }
0x77: {  	_ =	shalt  }
0x78: {  	_ =	shalt  }
0x79: {  	_ =	shalt  }
0x7a: {  	_ =	shalt  }
0x7b: {  	_ =	shalt  }
0x7c: {  	_ =	shalt  }
0x7d: {  	_ =	shalt  }
0x7e: {  	_ =	shalt  }
0x7f: {  	_ =	shalt  }
0x80: {  	_ =	shalt  }
0x81: {  	_ =	shalt  }
0x82: {  	_ =	shalt  }
0x83: {  	_ =	shalt  }
0x84: {  	_ =	shalt  }
0x85: {  	_ =	shalt  }
0x86: {  	_ =	shalt  }
0x87: {  	_ =	shalt  }
.Lfunc_end0:
.L_simem_size_0:
called_computation_lowered:
.L_overlay_start_0:
0x88: {  	s2 =	sld [smem:$0x3FD9]  }
0x89: {  	s3 =	sld [smem:$0x3FFE];
	_ =	sdelay $0x1  }
0x8a: {  	s1 =	srdreg.scid  }
0x8b: {  	s0 =	sand.u32 $0x1, s1  }
0x8c: {  	s16 =	sshll.u32 s0, $0xA;
	s2 =	sadd.s32 s3, s2  }
0x8d: {  	s2 =	sadd.s32 s2, s16  }
0x8e: {  	[smem:$0x3FC1] =	sst s2  }
0x8f: {  	_ = 	snop  }
0x90: {  	(tm) =	ssettm $0x1  }
0x91: {  	s17 =	sld [smem:$0x3FFB];
	_ =	sdelay $0x3  }
0x92: {  	_ =	strace s17  }
0x93: {  	s2 =	sld [smem:$0x3FFC];
	_ =	sdelay $0x3  }
0x94: {  	_ =	strace s2  }
0x95: {  	s2 =	sld [smem:$0x3FFD];
	_ =	sdelay $0x3  }
0x96: {  	_ =	strace s2  }
0x97: {  	_ =	strace $0x8FFFFFFF  }
0x98: {  	s18 =	sld [smem:$0x3FDB];
	_ =	sdelay $0x1  }
0x99: {  	s19 =	simm.s32 $_scs_section_size  }
0x9a: {  	s4 =	simm.s32 $_size__tile_overlayer_lowered;
	s5 =	simm.s32 $_tile_overlayer_lowered  }
0x9b: {  	s22 =	simm.s32 $0x1BFF;
	s21 =	sshll.u32 s5, $0x1;
	s2 =	sadd.s32 s19, s18  }
0x9c: {  	s6 =	simm.s32 $0x0;
	s20 =	sshll.u32 s4, $0x1;
	s4 =	sadd.s32 s21, s2  }
0x9d: {  	[timem:s6], [sflag:s22] =	dma.local [hbm:s4], s20  }
0x9e: {  	_ =	swait.ge [sflag:s22], s20  }
0x9f: {  	s3 =	ssub.s32 $0x0, s20;
	[sflag:s22] =	ssyncset.done $0x0  }
0xa0: {  	[sflag:s22] =	ssyncadd.s32 s3;
	_ =	sdelay $0x1  }
0xa1: {  	s23 =	simm.s32 $0x1B8B  }
0xa2: {  	_ =	swait.ge [sflag:s23], $0x1  }
0xa3: {  	[sflag:s23] =	ssyncset.done $0x0  }
0xa4: {  	s25 =	simm.s32 $0x1B8E;
	s24 =	sld [smem:$0x3FFE];
	[sflag:s23] =	ssyncadd.s32 $0xFFFFFFFF  }
0xa5: {  	s26 =	simm.s32 $execute0_lowered;
	[smem:$0x3FD2] =	sst s25  }
0xa6: {  	s4 =	sshll.u32 s26, $0x1;
	_ =	strace $0x80000046;
	[dreg:$0x1] =	wrdreg $0xFFFFFFFF  }
0xa7: {  	s28 =	simm.s32 $_size_execute0_lowered;
	s2 =	sadd.s32 s2, s4;
	[dreg:$0x0] =	wrdreg $0x0  }
0xa8: {  	s4 =	sshll.u32 s28, $0x1;
	[dreg:$0x2] =	wrdreg s2  }
0xa9: {  	[dreg:$0x3] =	wrdreg s4  }
0xaa: {  	[dreg:$0x4] =	wrdreg $0xC0  }
0xab: {  	_ =	task [dreg:s6], $0x5FFFF  }
0xac: {  	[dreg:$0x1] =	wrdreg $0xFFFFFFFF  }
0xad: {  	[dreg:$0x0] =	wrdreg $0x60  }
0xae: {  	[dreg:$0x2] =	wrdreg s24  }
0xaf: {  	[dreg:$0x3] =	wrdreg $0x9  }
0xb0: {  	_ =	task.clear_ibuf [dreg:s6], $0x4FFFF;
	_ =	strace $0x90000046  }
0xb1: {  	s29 =	simm.s32 $0x9;
	_ =	strace $0x80000048  }
0xb2: {  	_ =	swait.ge [sflag:s29], $0x1  }
0xb3: {  	[sflag:s29] =	ssyncadd.s32 $0xFFFFFFFF  }
0xb4: {  	_ =	strace $0x90000048  }
0xb5: {  	_ =	sfence  }
0xb6: {  	s30 =	sld [smem:$0x0];
	_ =	sdelay $0x2  }
0xb7: {  	s31 =	sshll.u32 s1, $0xD;
	s1 =	sshrl.u32 s1, $0x2  }
0xb8: {  	s3 =	sand.u32 $0x4000, s31;
	s1 =	sadd.s32 s1, s30  }
0xb9: {  	s0 =	sor.u32 s3, s0;
	s1 =	sshll.u32 s1, $0x11  }
0xba: {  	s0 =	sor.u32 s1, s0  }
0xbb: {  	s0 =	sadd.s32 $0x8F2B, s0  }
0xbc: {  	[sflag:s0] =	ssyncadd.remote.s32 $0x1  }
0xbd: {  	_ =	sfence.sel $0xFFFF  }
0xbe: {  	[dreg:$0x0] =	wrdreg $0xFFFFFFFF;
	(pc) =	sbr.abs _section_cstart, $3  }
0xbf: {  	[dreg:$0x1] =	wrdreg $0xFFFFFFFF  }
0xc0: {  	_ =	task.clear_ibuf [dreg:s6], $0x2FFFF;
	_ =	strace $0x9FFFFFFF  }
0xc1: {  	(tm) =	ssettm $0x7FFFFFFF  }
tec
execute0_lowered:
.L_overlay_start_1:
0x0: {  	(tag) =	ssettag $0x1  }
0x1: {  	s0 =	srdreg.scid;
	s1 =	stileid.u32  }
0x2: {  	s5 =	rddreg [dreg:$0x0];
	s2 =	simm.s32 $0x0;
	s8 =	simm.s32 $0x6  }
0x3: {  	s30 =	simm.s32 $0x15800;
	s31 =	simm.s32 $0x16000;
	s9 =	simm.s32 $0x17000  }
0x4: {  	s10 =	simm.s32 $0x17800;
	s11 =	simm.s32 $0x1;
	s12 =	simm.s32 $0x2  }
0x5: {  	s13 =	simm.s32 $0x3;
	s0 =	sand.u32 $0x1, s0;
	s1 =	sshll.u32 s1, $0x1  }
0x6: {  	s14 =	simm.s32 $0x4;
	s15 =	simm.s32 $0x5;
	s1 =	sor.u32 s0, s1  }
0x7: {  	s16 =	simm.s32 $0x17C00;
	s17 =	simm.s32 $0x0;
	s4 =	smul.u32 $0xA00, s1  }
0x8: {  	[smem:$0x7FF] =	sst s2;
	s0 =	ssub.s32 $0x2, s0;
	s1 =	smul.u32 $0x600, s1  }
0x9: {  	s3 =	sadd.s32 $0xE00, s5;
	_ =	strace $0x80000047;
	s6 =	sshrl.u32 s0, $0x1  }
0xa: {  	v2 =	vlaneseq.u32;
	s0 =	ssub.s32 s0, s6;
	s4 =	sadd.s32 s4, s5;
	s1 =	sadd.s32 s1, s5  }
0xb: {  	vm0 =	vmmov $0xffff;
	vm1 =	vmmov $0xff;
	v1 =	vshrl.u32 v2, $0x3;
	s5 =	sadd.s32 $0xF00, s5;
	s7 =	smax.u32 s0, $0x1;
	s0 =	simm.s32 $0x16C00  }
0xc: {  	v0 =	vand.u32 $0x7, v2;
	v2 =	vor.u32 $0x8, v2;
	v1 =	vmul.u32 $0x8, v1;
	s4 =	sadd.s32 $0x24B000, s4;
	s6 =	sadd.s32 $0x25F000, s1;
	s1 =	simm.s32 $0x16400  }
.LBB2_1:
0xd: {  	[tilespmem:s2], [sflag:$0x6] =	stream.linear.gather [hbm4b:s4+s2], $0x5000, $0x38;
	[tilespmem:$0x1AC00] =	vst v63  }
0xe: {  	_ =	swait.ge [sflag:s8], $0x5000  }
0xf: {  	[sflag:s8] =	ssyncset.done $0x0  }
0x10: {  	[sflag:s8] =	ssyncadd.s32 $0xFFFFB000  }
0x11: {  	v3 =	vld [tilespmem:$0x0];
	_ =	sdelay $0x4  }
0x12: {  	v4 =	vshrl.u32 v3, $0x3  }
0x13: {  	v4 =	vmul.u32 $0x18, v4  }
0x14: {  	v3 =	vand.u32 $0x7, v3  }
0x15: {  	v3 =	vor.u32 v3, v4  }
0x16: {  	v4 =	vperm.xlane v3, v0;
	_ =	sdelay $0x1  }
0x17: {  	v4 =	vadd.s32 v1, v4;
	_ =	sdelay $0x1  }
0x18: {  	v3 =	vperm.xlane v3, v2;
	_ =	sdelay $0x1  }
0x19: {  	s18 =	simm.s32 $0x5000;
	v3 =	vadd.s32 v1, v3  }
0x1a: {  	[tilespmem:s18], [sflag:$0x1] =	stream.indirect_vreg.gather [hbm4b:s3+s2], $0x80, v4, vm0, $0xb8;
	[tilespmem:$0x1AC00] =	vst v63  }
0x1b: {  	s26 =	simm.s32 $0x5800  }
0x1c: {  	[tilespmem:s26], [sflag:$0x1] =	stream.indirect_vreg.gather [hbm4b:s5+s2], $0x80, v4, vm1, $0xb8;
	[tilespmem:$0x1AC00] =	vst v63  }
0x1d: {  	s28 =	simm.s32 $0x5C00  }
0x1e: {  	[tilespmem:s28], [sflag:$0x1] =	stream.indirect_vreg.gather [hbm4b:s3+s2], $0x80, v3, vm0, $0xb8;
	[tilespmem:$0x1AC00] =	vst v63  }
0x1f: {  	s29 =	simm.s32 $0x6400  }
0x20: {  	[tilespmem:s29], [sflag:$0x1] =	stream.indirect_vreg.gather [hbm4b:s5+s2], $0x80, v3, vm1, $0xb8;
	[tilespmem:$0x1AC00] =	vst v63  }
0x21: {  	v3 =	vld [tilespmem:$0x10];
	_ =	sdelay $0x4  }
0x22: {  	v50 =	vshrl.u32 v3, $0x3  }
0x23: {  	v4 =	vmul.u32 $0x18, v50  }
0x24: {  	v3 =	vand.u32 $0x7, v3  }
0x25: {  	v3 =	vor.u32 v3, v4  }
0x26: {  	v4 =	vperm.xlane v3, v0;
	_ =	sdelay $0x1  }
0x27: {  	v4 =	vadd.s32 v1, v4;
	_ =	sdelay $0x1  }
0x28: {  	v3 =	vperm.xlane v3, v2;
	_ =	sdelay $0x1  }
0x29: {  	s19 =	simm.s32 $0x6800;
	v3 =	vadd.s32 v1, v3  }
0x2a: {  	[tilespmem:s19], [sflag:$0x1] =	stream.indirect_vreg.gather [hbm4b:s3+s2], $0x80, v4, vm0, $0xb8;
	[tilespmem:$0x1AC00] =	vst v63  }
0x2b: {  	s20 =	simm.s32 $0x7000  }
0x2c: {  	[tilespmem:s20], [sflag:$0x1] =	stream.indirect_vreg.gather [hbm4b:s5+s2], $0x80, v4, vm1, $0xb8;
	[tilespmem:$0x1AC00] =	vst v63  }
0x2d: {  	s21 =	simm.s32 $0x7400  }
0x2e: {  	[tilespmem:s21], [sflag:$0x1] =	stream.indirect_vreg.gather [hbm4b:s3+s2], $0x80, v3, vm0, $0xb8;
	[tilespmem:$0x1AC00] =	vst v63  }
0x2f: {  	s22 =	simm.s32 $0x7C00  }
0x30: {  	[tilespmem:s22], [sflag:$0x1] =	stream.indirect_vreg.gather [hbm4b:s5+s2], $0x80, v3, vm1, $0xb8;
	[tilespmem:$0x1AC00] =	vst v63  }
0x31: {  	v3 =	vld.msk [tilespmem:$0x20], $0xff;
	_ =	sdelay $0x4  }
0x32: {  	v51 =	vshrl.u32 v3, $0x3  }
0x33: {  	v4 =	vmul.u32 $0x18, v51  }
0x34: {  	v3 =	vand.u32 $0x7, v3  }
0x35: {  	v3 =	vor.u32 v3, v4  }
0x36: {  	v3 =	vperm.xlane v3, v0;
	_ =	sdelay $0x1  }
0x37: {  	v3 =	vadd.s32 v1, v3;
	_ =	sdelay $0x3  }
0x38: {  	s23 =	simm.s32 $0x8000  }
0x39: {  	[tilespmem:s23], [sflag:$0x1] =	stream.indirect_vreg.gather [hbm4b:s3+s2], $0x80, v3, vm0, $0xb8;
	[tilespmem:$0x1AC00] =	vst v63  }
0x3a: {  	s24 =	simm.s32 $0x8800  }
0x3b: {  	[tilespmem:s24], [sflag:$0x1] =	stream.indirect_vreg.gather [hbm4b:s5+s2], $0x80, v3, vm1, $0xb8;
	[tilespmem:$0x1AC00] =	vst v63  }
0x3c: {  	v3 =	vld [tilespmem:$0x80];
	_ =	sdelay $0x4  }
0x3d: {  	v52 =	vshrl.u32 v3, $0x3  }
0x3e: {  	v4 =	vmul.u32 $0x18, v52  }
0x3f: {  	v3 =	vand.u32 $0x7, v3  }
0x40: {  	v3 =	vor.u32 v3, v4  }
0x41: {  	v4 =	vperm.xlane v3, v0;
	_ =	sdelay $0x1  }
0x42: {  	v4 =	vadd.s32 v1, v4;
	_ =	sdelay $0x1  }
0x43: {  	v3 =	vperm.xlane v3, v2;
	_ =	sdelay $0x1  }
0x44: {  	s25 =	simm.s32 $0x8C00;
	v3 =	vadd.s32 v1, v3  }
0x45: {  	[tilespmem:s25], [sflag:$0x2] =	stream.indirect_vreg.gather [hbm4b:s3+s2], $0x80, v4, vm0, $0xb8;
	[tilespmem:$0x1AC00] =	vst v63  }
0x46: {  	s26 =	simm.s32 $0x9400  }
0x47: {  	[tilespmem:s26], [sflag:$0x2] =	stream.indirect_vreg.gather [hbm4b:s5+s2], $0x80, v4, vm1, $0xb8;
	[tilespmem:$0x1AC00] =	vst v63  }
0x48: {  	s28 =	simm.s32 $0x9800  }
0x49: {  	[tilespmem:s28], [sflag:$0x2] =	stream.indirect_vreg.gather [hbm4b:s3+s2], $0x80, v3, vm0, $0xb8;
	[tilespmem:$0x1AC00] =	vst v63  }
0x4a: {  	s29 =	simm.s32 $0xA000  }
0x4b: {  	[tilespmem:s29], [sflag:$0x2] =	stream.indirect_vreg.gather [hbm4b:s5+s2], $0x80, v3, vm1, $0xb8;
	[tilespmem:$0x1AC00] =	vst v63  }
0x4c: {  	v3 =	vld [tilespmem:$0x90];
	_ =	sdelay $0x4  }
0x4d: {  	v53 =	vshrl.u32 v3, $0x3  }
0x4e: {  	v4 =	vmul.u32 $0x18, v53  }
0x4f: {  	v3 =	vand.u32 $0x7, v3  }
0x50: {  	v3 =	vor.u32 v3, v4  }
0x51: {  	v4 =	vperm.xlane v3, v0;
	_ =	sdelay $0x1  }
0x52: {  	v4 =	vadd.s32 v1, v4;
	_ =	sdelay $0x1  }
0x53: {  	v3 =	vperm.xlane v3, v2;
	_ =	sdelay $0x1  }
0x54: {  	s19 =	simm.s32 $0xA400;
	v3 =	vadd.s32 v1, v3  }
0x55: {  	[tilespmem:s19], [sflag:$0x2] =	stream.indirect_vreg.gather [hbm4b:s3+s2], $0x80, v4, vm0, $0xb8;
	[tilespmem:$0x1AC00] =	vst v63  }
0x56: {  	s20 =	simm.s32 $0xAC00  }
0x57: {  	[tilespmem:s20], [sflag:$0x2] =	stream.indirect_vreg.gather [hbm4b:s5+s2], $0x80, v4, vm1, $0xb8;
	[tilespmem:$0x1AC00] =	vst v63  }
0x58: {  	s21 =	simm.s32 $0xB000  }
0x59: {  	[tilespmem:s21], [sflag:$0x2] =	stream.indirect_vreg.gather [hbm4b:s3+s2], $0x80, v3, vm0, $0xb8;
	[tilespmem:$0x1AC00] =	vst v63  }
0x5a: {  	s22 =	simm.s32 $0xB800  }
0x5b: {  	[tilespmem:s22], [sflag:$0x2] =	stream.indirect_vreg.gather [hbm4b:s5+s2], $0x80, v3, vm1, $0xb8;
	[tilespmem:$0x1AC00] =	vst v63  }
0x5c: {  	v3 =	vld.msk [tilespmem:$0xA0], $0xff;
	_ =	sdelay $0x4  }
0x5d: {  	v54 =	vshrl.u32 v3, $0x3  }
0x5e: {  	v4 =	vmul.u32 $0x18, v54  }
0x5f: {  	v3 =	vand.u32 $0x7, v3  }
0x60: {  	v3 =	vor.u32 v3, v4  }
0x61: {  	v3 =	vperm.xlane v3, v0;
	_ =	sdelay $0x1  }
0x62: {  	v3 =	vadd.s32 v1, v3;
	_ =	sdelay $0x3  }
0x63: {  	s23 =	simm.s32 $0xBC00  }
0x64: {  	[tilespmem:s23], [sflag:$0x2] =	stream.indirect_vreg.gather [hbm4b:s3+s2], $0x80, v3, vm0, $0xb8;
	[tilespmem:$0x1AC00] =	vst v63  }
0x65: {  	s24 =	simm.s32 $0xC400  }
0x66: {  	[tilespmem:s24], [sflag:$0x2] =	stream.indirect_vreg.gather [hbm4b:s5+s2], $0x80, v3, vm1, $0xb8;
	[tilespmem:$0x1AC00] =	vst v63  }
0x67: {  	v3 =	vld [tilespmem:$0x100];
	_ =	sdelay $0x4  }
0x68: {  	v55 =	vshrl.u32 v3, $0x3  }
0x69: {  	v4 =	vmul.u32 $0x18, v55  }
0x6a: {  	v3 =	vand.u32 $0x7, v3  }
0x6b: {  	v3 =	vor.u32 v3, v4  }
0x6c: {  	v4 =	vperm.xlane v3, v0;
	_ =	sdelay $0x1  }
0x6d: {  	v4 =	vadd.s32 v1, v4;
	_ =	sdelay $0x1  }
0x6e: {  	v3 =	vperm.xlane v3, v2;
	_ =	sdelay $0x1  }
0x6f: {  	s25 =	simm.s32 $0xC800;
	v3 =	vadd.s32 v1, v3  }
0x70: {  	[tilespmem:s25], [sflag:$0x3] =	stream.indirect_vreg.gather [hbm4b:s3+s2], $0x80, v4, vm0, $0xb8;
	[tilespmem:$0x1AC00] =	vst v63  }
0x71: {  	s26 =	simm.s32 $0xD000  }
0x72: {  	[tilespmem:s26], [sflag:$0x3] =	stream.indirect_vreg.gather [hbm4b:s5+s2], $0x80, v4, vm1, $0xb8;
	[tilespmem:$0x1AC00] =	vst v63  }
0x73: {  	s28 =	simm.s32 $0xD400  }
0x74: {  	[tilespmem:s28], [sflag:$0x3] =	stream.indirect_vreg.gather [hbm4b:s3+s2], $0x80, v3, vm0, $0xb8;
	[tilespmem:$0x1AC00] =	vst v63  }
0x75: {  	s29 =	simm.s32 $0xDC00  }
0x76: {  	[tilespmem:s29], [sflag:$0x3] =	stream.indirect_vreg.gather [hbm4b:s5+s2], $0x80, v3, vm1, $0xb8;
	[tilespmem:$0x1AC00] =	vst v63  }
0x77: {  	v3 =	vld [tilespmem:$0x110];
	_ =	sdelay $0x4  }
0x78: {  	v56 =	vshrl.u32 v3, $0x3  }
0x79: {  	v4 =	vmul.u32 $0x18, v56  }
0x7a: {  	v3 =	vand.u32 $0x7, v3  }
0x7b: {  	v3 =	vor.u32 v3, v4  }
0x7c: {  	v4 =	vperm.xlane v3, v0;
	_ =	sdelay $0x1  }
0x7d: {  	v4 =	vadd.s32 v1, v4;
	_ =	sdelay $0x1  }
0x7e: {  	v3 =	vperm.xlane v3, v2;
	_ =	sdelay $0x1  }
0x7f: {  	s19 =	simm.s32 $0xE000;
	v3 =	vadd.s32 v1, v3  }
0x80: {  	[tilespmem:s19], [sflag:$0x3] =	stream.indirect_vreg.gather [hbm4b:s3+s2], $0x80, v4, vm0, $0xb8;
	[tilespmem:$0x1AC00] =	vst v63  }
0x81: {  	s20 =	simm.s32 $0xE800  }
0x82: {  	[tilespmem:s20], [sflag:$0x3] =	stream.indirect_vreg.gather [hbm4b:s5+s2], $0x80, v4, vm1, $0xb8;
	[tilespmem:$0x1AC00] =	vst v63  }
0x83: {  	s21 =	simm.s32 $0xEC00  }
0x84: {  	[tilespmem:s21], [sflag:$0x3] =	stream.indirect_vreg.gather [hbm4b:s3+s2], $0x80, v3, vm0, $0xb8;
	[tilespmem:$0x1AC00] =	vst v63  }
0x85: {  	s22 =	simm.s32 $0xF400  }
0x86: {  	[tilespmem:s22], [sflag:$0x3] =	stream.indirect_vreg.gather [hbm4b:s5+s2], $0x80, v3, vm1, $0xb8;
	[tilespmem:$0x1AC00] =	vst v63  }
0x87: {  	v3 =	vld.msk [tilespmem:$0x120], $0xff;
	_ =	sdelay $0x4  }
0x88: {  	v57 =	vshrl.u32 v3, $0x3  }
0x89: {  	v4 =	vmul.u32 $0x18, v57  }
0x8a: {  	v3 =	vand.u32 $0x7, v3  }
0x8b: {  	v3 =	vor.u32 v3, v4  }
0x8c: {  	v3 =	vperm.xlane v3, v0;
	_ =	sdelay $0x1  }
0x8d: {  	v3 =	vadd.s32 v1, v3;
	_ =	sdelay $0x3  }
0x8e: {  	s23 =	simm.s32 $0xF800  }
0x8f: {  	[tilespmem:s23], [sflag:$0x3] =	stream.indirect_vreg.gather [hbm4b:s3+s2], $0x80, v3, vm0, $0xb8;
	[tilespmem:$0x1AC00] =	vst v63  }
0x90: {  	s24 =	simm.s32 $0x10000  }
0x91: {  	[tilespmem:s24], [sflag:$0x3] =	stream.indirect_vreg.gather [hbm4b:s5+s2], $0x80, v3, vm1, $0xb8;
	[tilespmem:$0x1AC00] =	vst v63  }
0x92: {  	v3 =	vld [tilespmem:$0x180];
	_ =	sdelay $0x4  }
0x93: {  	v58 =	vshrl.u32 v3, $0x3  }
0x94: {  	v4 =	vmul.u32 $0x18, v58  }
0x95: {  	v3 =	vand.u32 $0x7, v3  }
0x96: {  	v3 =	vor.u32 v3, v4  }
0x97: {  	v4 =	vperm.xlane v3, v0;
	_ =	sdelay $0x1  }
0x98: {  	v4 =	vadd.s32 v1, v4;
	_ =	sdelay $0x1  }
0x99: {  	v3 =	vperm.xlane v3, v2;
	_ =	sdelay $0x1  }
0x9a: {  	s25 =	simm.s32 $0x10400;
	v3 =	vadd.s32 v1, v3  }
0x9b: {  	[tilespmem:s25], [sflag:$0x4] =	stream.indirect_vreg.gather [hbm4b:s3+s2], $0x80, v4, vm0, $0xb8;
	[tilespmem:$0x1AC00] =	vst v63  }
0x9c: {  	s26 =	simm.s32 $0x10C00  }
0x9d: {  	[tilespmem:s26], [sflag:$0x4] =	stream.indirect_vreg.gather [hbm4b:s5+s2], $0x80, v4, vm1, $0xb8;
	[tilespmem:$0x1AC00] =	vst v63  }
0x9e: {  	s28 =	simm.s32 $0x11000  }
0x9f: {  	[tilespmem:s28], [sflag:$0x4] =	stream.indirect_vreg.gather [hbm4b:s3+s2], $0x80, v3, vm0, $0xb8;
	[tilespmem:$0x1AC00] =	vst v63  }
0xa0: {  	s29 =	simm.s32 $0x11800  }
0xa1: {  	[tilespmem:s29], [sflag:$0x4] =	stream.indirect_vreg.gather [hbm4b:s5+s2], $0x80, v3, vm1, $0xb8;
	[tilespmem:$0x1AC00] =	vst v63  }
0xa2: {  	v3 =	vld [tilespmem:$0x190];
	_ =	sdelay $0x4  }
0xa3: {  	v59 =	vshrl.u32 v3, $0x3  }
0xa4: {  	v4 =	vmul.u32 $0x18, v59  }
0xa5: {  	v3 =	vand.u32 $0x7, v3  }
0xa6: {  	v3 =	vor.u32 v3, v4  }
0xa7: {  	v4 =	vperm.xlane v3, v0;
	_ =	sdelay $0x1  }
0xa8: {  	v4 =	vadd.s32 v1, v4;
	_ =	sdelay $0x1  }
0xa9: {  	v3 =	vperm.xlane v3, v2;
	_ =	sdelay $0x1  }
0xaa: {  	s19 =	simm.s32 $0x11C00;
	v3 =	vadd.s32 v1, v3  }
0xab: {  	[tilespmem:s19], [sflag:$0x4] =	stream.indirect_vreg.gather [hbm4b:s3+s2], $0x80, v4, vm0, $0xb8;
	[tilespmem:$0x1AC00] =	vst v63  }
0xac: {  	s20 =	simm.s32 $0x12400  }
0xad: {  	[tilespmem:s20], [sflag:$0x4] =	stream.indirect_vreg.gather [hbm4b:s5+s2], $0x80, v4, vm1, $0xb8;
	[tilespmem:$0x1AC00] =	vst v63  }
0xae: {  	s21 =	simm.s32 $0x12800  }
0xaf: {  	[tilespmem:s21], [sflag:$0x4] =	stream.indirect_vreg.gather [hbm4b:s3+s2], $0x80, v3, vm0, $0xb8;
	[tilespmem:$0x1AC00] =	vst v63  }
0xb0: {  	s22 =	simm.s32 $0x13000  }
0xb1: {  	[tilespmem:s22], [sflag:$0x4] =	stream.indirect_vreg.gather [hbm4b:s5+s2], $0x80, v3, vm1, $0xb8;
	[tilespmem:$0x1AC00] =	vst v63  }
0xb2: {  	v3 =	vld.msk [tilespmem:$0x1A0], $0xff;
	_ =	sdelay $0x4  }
0xb3: {  	v60 =	vshrl.u32 v3, $0x3  }
0xb4: {  	v4 =	vmul.u32 $0x18, v60  }
0xb5: {  	v3 =	vand.u32 $0x7, v3  }
0xb6: {  	v3 =	vor.u32 v3, v4  }
0xb7: {  	v3 =	vperm.xlane v3, v0;
	_ =	sdelay $0x1  }
0xb8: {  	v3 =	vadd.s32 v1, v3;
	_ =	sdelay $0x3  }
0xb9: {  	s23 =	simm.s32 $0x13400  }
0xba: {  	[tilespmem:s23], [sflag:$0x4] =	stream.indirect_vreg.gather [hbm4b:s3+s2], $0x80, v3, vm0, $0xb8;
	[tilespmem:$0x1AC00] =	vst v63  }
0xbb: {  	s24 =	simm.s32 $0x13C00  }
0xbc: {  	[tilespmem:s24], [sflag:$0x4] =	stream.indirect_vreg.gather [hbm4b:s5+s2], $0x80, v3, vm1, $0xb8;
	[tilespmem:$0x1AC00] =	vst v63  }
0xbd: {  	v3 =	vld [tilespmem:$0x200];
	_ =	sdelay $0x4  }
0xbe: {  	v61 =	vshrl.u32 v3, $0x3  }
0xbf: {  	v4 =	vmul.u32 $0x18, v61  }
0xc0: {  	v3 =	vand.u32 $0x7, v3  }
0xc1: {  	v3 =	vor.u32 v3, v4  }
0xc2: {  	v4 =	vperm.xlane v3, v0;
	_ =	sdelay $0x1  }
0xc3: {  	v4 =	vadd.s32 v1, v4;
	_ =	sdelay $0x1  }
0xc4: {  	v3 =	vperm.xlane v3, v2;
	_ =	sdelay $0x1  }
0xc5: {  	s25 =	simm.s32 $0x14000;
	v3 =	vadd.s32 v1, v3  }
0xc6: {  	[tilespmem:s25], [sflag:$0x5] =	stream.indirect_vreg.gather [hbm4b:s3+s2], $0x80, v4, vm0, $0xb8;
	[tilespmem:$0x1AC00] =	vst v63  }
0xc7: {  	s26 =	simm.s32 $0x14800  }
0xc8: {  	[tilespmem:s26], [sflag:$0x5] =	stream.indirect_vreg.gather [hbm4b:s5+s2], $0x80, v4, vm1, $0xb8;
	[tilespmem:$0x1AC00] =	vst v63  }
0xc9: {  	s28 =	simm.s32 $0x14C00  }
0xca: {  	[tilespmem:s28], [sflag:$0x5] =	stream.indirect_vreg.gather [hbm4b:s3+s2], $0x80, v3, vm0, $0xb8;
	[tilespmem:$0x1AC00] =	vst v63  }
0xcb: {  	s29 =	simm.s32 $0x15400  }
0xcc: {  	[tilespmem:s29], [sflag:$0x5] =	stream.indirect_vreg.gather [hbm4b:s5+s2], $0x80, v3, vm1, $0xb8;
	[tilespmem:$0x1AC00] =	vst v63  }
0xcd: {  	v3 =	vld [tilespmem:$0x210];
	_ =	sdelay $0x4  }
0xce: {  	v62 =	vshrl.u32 v3, $0x3  }
0xcf: {  	v4 =	vmul.u32 $0x18, v62  }
0xd0: {  	v3 =	vand.u32 $0x7, v3  }
0xd1: {  	v3 =	vor.u32 v3, v4  }
0xd2: {  	v4 =	vperm.xlane v3, v0;
	_ =	sdelay $0x1  }
0xd3: {  	v4 =	vadd.s32 v1, v4;
	_ =	sdelay $0x1  }
0xd4: {  	v3 =	vperm.xlane v3, v2;
	_ =	sdelay $0x1  }
0xd5: {  	v3 =	vadd.s32 v1, v3  }
0xd6: {  	[tilespmem:s30], [sflag:$0x5] =	stream.indirect_vreg.gather [hbm4b:s3+s2], $0x80, v4, vm0, $0xb8;
	[tilespmem:$0x1AC00] =	vst v63  }
0xd7: {  	_ = 	snop  }
0xd8: {  	[tilespmem:s31], [sflag:$0x5] =	stream.indirect_vreg.gather [hbm4b:s5+s2], $0x80, v4, vm1, $0xb8;
	[tilespmem:$0x1AC00] =	vst v63  }
0xd9: {  	_ = 	snop  }
0xda: {  	[tilespmem:s1], [sflag:$0x5] =	stream.indirect_vreg.gather [hbm4b:s3+s2], $0x80, v3, vm0, $0xb8;
	[tilespmem:$0x1AC00] =	vst v63  }
0xdb: {  	_ = 	snop  }
0xdc: {  	[tilespmem:s0], [sflag:$0x5] =	stream.indirect_vreg.gather [hbm4b:s5+s2], $0x80, v3, vm1, $0xb8;
	[tilespmem:$0x1AC00] =	vst v63  }
0xdd: {  	v3 =	vld.msk [tilespmem:$0x220], $0xff;
	_ =	sdelay $0x4  }
0xde: {  	v63 =	vshrl.u32 v3, $0x3  }
0xdf: {  	v4 =	vmul.u32 $0x18, v63  }
0xe0: {  	v3 =	vand.u32 $0x7, v3  }
0xe1: {  	v3 =	vor.u32 v3, v4  }
0xe2: {  	v3 =	vperm.xlane v3, v0;
	_ =	sdelay $0x1  }
0xe3: {  	v3 =	vadd.s32 v1, v3;
	_ =	sdelay $0x4  }
0xe4: {  	[tilespmem:s9], [sflag:$0x5] =	stream.indirect_vreg.gather [hbm4b:s3+s2], $0x80, v3, vm0, $0xb8;
	[tilespmem:$0x1AC00] =	vst v63  }
0xe5: {  	s18 =	simm.s32 $0x0  }
0xe6: {  	[tilespmem:s10], [sflag:$0x5] =	stream.indirect_vreg.gather [hbm4b:s5+s2], $0x80, v3, vm1, $0xb8;
	[tilespmem:$0x1AC00] =	vst v63  }
.LBB2_2:
0xe7: {  	s19 =	simm.s32 $0x0  }
0xe8: {  	s21 =	smul.u32 $0x3000, s19  }
0xe9: {  	s19 =	simm.s32 $0x0  }
0xea: {  	_ =	swait.ge [sflag:s11], $0x3C00;
	s20 =	sand.u32 $0x300, s19;
	s21 =	sshra.s32 s21, $0x2  }
0xeb: {  	[sflag:s11] =	ssyncset.done $0x0;
	s24 =	sor.u32 $0x80, s20;
	s22 =	sadd.s32 $0x5000, s21  }
0xec: {  	[sflag:s11] =	ssyncadd.s32 $0xFFFFC400;
	s23 =	sor.u32 s24, s22  }
0xed: {  	v3 =	vld [tilespmem:s23+$0x0]  }
0xee: {  	v4 =	vld [tilespmem:s23+$0x10]  }
0xef: {  	v5 =	vld [tilespmem:s23+$0x20]  }
0xf0: {  	v8 =	vld [tilespmem:s23+$0x30]  }
0xf1: {  	v9 =	vld [tilespmem:s23+$0x40]  }
0xf2: {  	v16 =	vld [tilespmem:s23+$0x50]  }
0xf3: {  	s25 =	sadd.s32 $0x5400, s21;
	v17 =	vld [tilespmem:s23+$0x60]  }
0xf4: {  	s26 =	sor.u32 s24, s25;
	v19 =	vld [tilespmem:s23+$0x70]  }
0xf5: {  	v30 =	vld [tilespmem:s26+$0x0]  }
0xf6: {  	v25 =	vld [tilespmem:s26+$0x10]  }
0xf7: {  	v34 =	vld [tilespmem:s26+$0x20]  }
0xf8: {  	v13 =	vld [tilespmem:s26+$0x30]  }
0xf9: {  	v14 =	vld [tilespmem:s26+$0x40]  }
0xfa: {  	s22 =	sor.u32 s20, s22;
	v12 =	vld [tilespmem:s26+$0x50]  }
0xfb: {  	v6 =	vld [tilespmem:s22+$0x0]  }
0xfc: {  	v7 =	vld [tilespmem:s22+$0x10]  }
0xfd: {  	v11 =	vld [tilespmem:s22+$0x20]  }
0xfe: {  	v20 =	vld [tilespmem:s22+$0x30]  }
0xff: {  	v21 =	vld [tilespmem:s22+$0x40]  }
0x100: {  	v22 =	vld [tilespmem:s22+$0x50]  }
0x101: {  	v23 =	vld [tilespmem:s22+$0x60]  }
0x102: {  	v10 =	vimm.f32 $0.0e+00;
	s23 =	sadd.s32 $0x5800, s21;
	v15 =	vld [tilespmem:s26+$0x60]  }
0x103: {  	v35 =	vld [tilespmem:s22+$0x70];
	s21 =	sor.u32 s24, s23;
	v6 =	vadd.f32 v6, v10  }
0x104: {  	v31 =	vimm.f32 $0.0e+00;
	s24 =	sor.u32 s20, s25;
	v18 =	vld [tilespmem:s21+$0x0];
	v7 =	vadd.f32 v7, v10;
	v24 =	vadd.f32 v11, v10  }
0x105: {  	v28 =	vimm.f32 $0.0e+00;
	v29 =	vimm.f32 $0.0e+00;
	v42 =	vld [tilespmem:s24+$0x0];
	v6 =	vadd.f32 v3, v6  }
0x106: {  	v27 =	vimm.f32 $0.0e+00;
	v41 =	vld [tilespmem:s24+$0x10];
	v3 =	vadd.f32 v4, v7;
	v7 =	vadd.f32 v5, v24  }
0x107: {  	v26 =	vimm.f32 $0.0e+00;
	v43 =	vld [tilespmem:s24+$0x20];
	v4 =	vadd.f32 v20, v10;
	v5 =	vadd.f32 v21, v10  }
0x108: {  	v36 =	vld [tilespmem:s24+$0x30];
	v20 =	vadd.f32 v22, v10;
	v21 =	vadd.f32 v23, v10;
	v24 =	vimm.f32 $0.0e+00  }
0x109: {  	v38 =	vld [tilespmem:s24+$0x40];
	v23 =	vimm.f32 $0.0e+00;
	v4 =	vadd.f32 v8, v4;
	v8 =	vadd.f32 v9, v5  }
0x10a: {  	v39 =	vld [tilespmem:s24+$0x50];
	v22 =	vimm.f32 $0.0e+00;
	v5 =	vadd.f32 v16, v20;
	v9 =	vadd.f32 v17, v21  }
0x10b: {  	s22 =	simm.s32 $0x0;
	v11 =	vld [tilespmem:s26+$0x70];
	v17 =	vimm.f32 $0.0e+00;
	v20 =	vimm.f32 $0.0e+00;
	v21 =	vimm.f32 $0.0e+00  }
.LBB2_3:
0x10c: {  	s22 =	sadd.s32 $0x2, s22;
	v10 =	vadd.f32 v35, v10;
	v16 =	vadd.f32 v42, v31;
	v32 =	vld [tilespmem:s24+$0x60]  }
0x10d: {  	v28 =	vadd.f32 v41, v28;
	s23 =	sor.u32 s20, s23;
	s25 =	sshrl.u32 s22, $0x3;
	p0 =	slt.u32 s22, $0x26;
	v29 =	vadd.f32 v43, v29;
	v33 =	vld [tilespmem:s24+$0x70]  }
0x10e: {  	s24 =	smul.u32 $0x3000, s25;
	v35 =	vld [tilespmem:s23+$0x0];
	v10 =	vadd.f32 v19, v10;
	v31 =	vadd.f32 v30, v16  }
0x10f: {  	s19 =	sadd.s32 $0x100, s19;
	v28 =	vadd.f32 v25, v28;
	v16 =	vld [tilespmem:s23+$0x10];
	v29 =	vadd.f32 v34, v29  }
0x110: {  	s20 =	sand.u32 $0x300, s19;
	v17 =	vadd.f32 v36, v17;
	v19 =	vadd.f32 v38, v27;
	s24 =	sshra.s32 s24, $0x2;
	v25 =	vld [tilespmem:s23+$0x20]  }
0x111: {  	s26 =	sor.u32 $0x80, s20;
	v24 =	vadd.f32 v39, v24;
	s25 =	sadd.s32 $0x5000, s24;
	v26 =	vadd.f32 v32, v26;
	v30 =	vld [tilespmem:s21+$0x10]  }
0x112: {  	v17 =	vadd.f32 v13, v17;
	v27 =	vadd.f32 v14, v19;
	s23 =	sor.u32 s26, s25;
	v13 =	vld [tilespmem:s21+$0x20]  }
0x113: {  	v24 =	vadd.f32 v12, v24;
	v32 =	vld [tilespmem:s23+$0x0];
	v26 =	vadd.f32 v15, v26  }
0x114: {  	v12 =	vadd.f32 v33, v20;
	v14 =	vadd.f32 v35, v23;
	v36 =	vld [tilespmem:s23+$0x10]  }
0x115: {  	v15 =	vadd.f32 v16, v21;
	v33 =	vld [tilespmem:s23+$0x20];
	v16 =	vadd.f32 v25, v22  }
0x116: {  	v20 =	vadd.f32 v11, v12;
	v23 =	vadd.f32 v18, v14;
	v37 =	vld [tilespmem:s23+$0x30]  }
0x117: {  	v21 =	vadd.f32 v30, v15;
	v39 =	vld [tilespmem:s23+$0x40];
	v22 =	vadd.f32 v13, v16  }
0x118: {  	v16 =	vld [tilespmem:s23+$0x50]  }
0x119: {  	s28 =	sadd.s32 $0x5400, s24;
	v40 =	vld [tilespmem:s23+$0x60]  }
0x11a: {  	s21 =	sor.u32 s26, s28;
	v19 =	vld [tilespmem:s23+$0x70]  }
0x11b: {  	v30 =	vld [tilespmem:s21+$0x0]  }
0x11c: {  	v25 =	vld [tilespmem:s21+$0x10]  }
0x11d: {  	v34 =	vld [tilespmem:s21+$0x20]  }
0x11e: {  	v13 =	vld [tilespmem:s21+$0x30]  }
0x11f: {  	v14 =	vld [tilespmem:s21+$0x40]  }
0x120: {  	v12 =	vld [tilespmem:s21+$0x50]  }
0x121: {  	s23 =	sadd.s32 $0x5800, s24;
	v15 =	vld [tilespmem:s21+$0x60]  }
0x122: {  	v11 =	vld [tilespmem:s21+$0x70];
	s21 =	sor.u32 s26, s23  }
0x123: {  	s24 =	sor.u32 s20, s25;
	v18 =	vld [tilespmem:s21+$0x0]  }
0x124: {  	v35 =	vld [tilespmem:s24+$0x0]  }
0x125: {  	v38 =	vld [tilespmem:s24+$0x10]  }
0x126: {  	v41 =	vld [tilespmem:s24+$0x20]  }
0x127: {  	v43 =	vld [tilespmem:s24+$0x30]  }
0x128: {  	v44 =	vld [tilespmem:s24+$0x40]  }
0x129: {  	v45 =	vld [tilespmem:s24+$0x50]  }
0x12a: {  	v6 =	vadd.f32 v35, v6;
	v46 =	vld [tilespmem:s24+$0x60]  }
0x12b: {  	v3 =	vadd.f32 v38, v3;
	v7 =	vadd.f32 v41, v7;
	v35 =	vld [tilespmem:s24+$0x70];
	s24 =	sor.u32 s20, s28  }
0x12c: {  	v6 =	vadd.f32 v32, v6;
	v42 =	vld [tilespmem:s24+$0x0]  }
.Ltmp0:
0x12d: {  	v3 =	vadd.f32 v36, v3;
	v41 =	vld [tilespmem:s24+$0x10];
	v7 =	vadd.f32 v33, v7;
	(pc) =	sbr.rel @p0 .LBB2_3-.Ltmp0, $4  }
0x12e: {  	v4 =	vadd.f32 v43, v4;
	v8 =	vadd.f32 v44, v8;
	v43 =	vld [tilespmem:s24+$0x20]  }
0x12f: {  	v5 =	vadd.f32 v45, v5;
	v9 =	vadd.f32 v46, v9;
	v36 =	vld [tilespmem:s24+$0x30]  }
0x130: {  	v4 =	vadd.f32 v37, v4;
	v8 =	vadd.f32 v39, v8;
	v38 =	vld [tilespmem:s24+$0x40]  }
0x131: {  	v5 =	vadd.f32 v16, v5;
	v39 =	vld [tilespmem:s24+$0x50];
	v9 =	vadd.f32 v40, v9  }
0x132: {  	p0 =	seq.s32 s18, $0x1F  }
0x133: {  	s19 =	smul.u32 @!p0 $0xA00, s18;
	_ =	sdelay $0x1  }
0x134: {  	s19 =	sshra.s32 @!p0 s19, $0x2  }
0x135: {  	v16 =	vld @!p0 [tilespmem:s19+$0x280];
	_ =	sdelay $0x4  }
0x136: {  	v32 =	vshrl.u32 @!p0 v16, $0x3  }
0x137: {  	v32 =	vmul.u32 @!p0 $0x18, v32  }
0x138: {  	v33 =	vlaneseq.u32 @!p0;
	v16 =	vand.u32 @!p0 $0x7, v16  }
0x139: {  	v37 =	vshrl.u32 @!p0 v33, $0x3;
	v16 =	vor.u32 @!p0 v16, v32;
	v32 =	vand.u32 @!p0 $0x7, v33  }
0x13a: {  	v37 =	vmul.u32 @!p0 $0x8, v37;
	v40 =	vperm.xlane @!p0 v16, v32  }
0x13b: {  	v44 =	vld [tilespmem:s24+$0x60]  }
0x13c: {  	v49 =	vld [tilespmem:s21+$0x10];
	v40 =	vadd.s32 @!p0 v37, v40  }
0x13d: {  	s20 =	sor.u32 s20, s23;
	v50 =	vld [tilespmem:s21+$0x20];
	v33 =	vor.u32 @!p0 $0x8, v33  }
0x13e: {  	v46 =	vld [tilespmem:s20+$0x0];
	v16 =	vperm.xlane @!p0 v16, v33  }
0x13f: {  	v47 =	vld [tilespmem:s20+$0x10]  }
0x140: {  	v48 =	vld [tilespmem:s20+$0x20];
	vm2 =	vmmov @!p0 $0xffff;
	s20 =	simm.s32 @!p0 $0x0;
	s21 =	simm.s32 @!p0 $0x5000;
	v16 =	vadd.s32 @!p0 v37, v16  }
0x141: {  	v45 =	vld [tilespmem:s24+$0x70];
	[tilespmem:s21], [sflag:$0x1] =	stream.indirect_vreg.gather @!p0 [hbm4b:s3+s20], $0x80, v40, vm2, $0xb8  }
0x142: {  	vm3 =	vmmov @!p0 $0xff;
	s21 =	simm.s32 @!p0 $0x5800  }
0x143: {  	[tilespmem:s21], [sflag:$0x1] =	stream.indirect_vreg.gather @!p0 [hbm4b:s5+s20], $0x80, v40, vm3, $0xb8;
	[tilespmem:$0x1AC00] =	vst v63  }
0x144: {  	s21 =	simm.s32 @!p0 $0x5C00  }
0x145: {  	[tilespmem:s21], [sflag:$0x1] =	stream.indirect_vreg.gather @!p0 [hbm4b:s3+s20], $0x80, v16, vm2, $0xb8;
	[tilespmem:$0x1AC00] =	vst v63  }
0x146: {  	s21 =	simm.s32 @!p0 $0x6400  }
0x147: {  	[tilespmem:s21], [sflag:$0x1] =	stream.indirect_vreg.gather @!p0 [hbm4b:s5+s20], $0x80, v16, vm3, $0xb8;
	[tilespmem:$0x1AC00] =	vst v63  }
0x148: {  	v16 =	vld @!p0 [tilespmem:s19+$0x290];
	_ =	sdelay $0x4  }
0x149: {  	v40 =	vshrl.u32 @!p0 v16, $0x3  }
0x14a: {  	v40 =	vmul.u32 @!p0 $0x18, v40  }
0x14b: {  	v16 =	vand.u32 @!p0 $0x7, v16  }
0x14c: {  	v16 =	vor.u32 @!p0 v16, v40  }
0x14d: {  	v40 =	vperm.xlane @!p0 v16, v32;
	_ =	sdelay $0x1  }
0x14e: {  	v40 =	vadd.s32 @!p0 v37, v40;
	_ =	sdelay $0x1  }
0x14f: {  	v16 =	vperm.xlane @!p0 v16, v33;
	_ =	sdelay $0x1  }
0x150: {  	s21 =	simm.s32 @!p0 $0x6800;
	v16 =	vadd.s32 @!p0 v37, v16  }
0x151: {  	[tilespmem:s21], [sflag:$0x1] =	stream.indirect_vreg.gather @!p0 [hbm4b:s3+s20], $0x80, v40, vm2, $0xb8;
	[tilespmem:$0x1AC00] =	vst v63  }
0x152: {  	s21 =	simm.s32 @!p0 $0x7000  }
0x153: {  	[tilespmem:s21], [sflag:$0x1] =	stream.indirect_vreg.gather @!p0 [hbm4b:s5+s20], $0x80, v40, vm3, $0xb8;
	[tilespmem:$0x1AC00] =	vst v63  }
0x154: {  	s21 =	simm.s32 @!p0 $0x7400  }
0x155: {  	[tilespmem:s21], [sflag:$0x1] =	stream.indirect_vreg.gather @!p0 [hbm4b:s3+s20], $0x80, v16, vm2, $0xb8;
	[tilespmem:$0x1AC00] =	vst v63  }
0x156: {  	s21 =	simm.s32 @!p0 $0x7C00  }
0x157: {  	[tilespmem:s21], [sflag:$0x1] =	stream.indirect_vreg.gather @!p0 [hbm4b:s5+s20], $0x80, v16, vm3, $0xb8;
	[tilespmem:$0x1AC00] =	vst v63  }
0x158: {  	v16 =	vld.msk @!p0 [tilespmem:s19+$0x2A0], $0xff;
	_ =	sdelay $0x4  }
0x159: {  	v33 =	vshrl.u32 @!p0 v16, $0x3  }
0x15a: {  	v33 =	vmul.u32 @!p0 $0x18, v33  }
0x15b: {  	v16 =	vand.u32 @!p0 $0x7, v16  }
0x15c: {  	v16 =	vor.u32 @!p0 v16, v33  }
0x15d: {  	v16 =	vperm.xlane @!p0 v16, v32;
	_ =	sdelay $0x1  }
0x15e: {  	v16 =	vadd.s32 @!p0 v37, v16;
	_ =	sdelay $0x3  }
0x15f: {  	s28 =	simm.s32 $0x0;
	s21 =	simm.s32 @!p0 $0x8000  }
0x160: {  	[tilespmem:s21], [sflag:$0x1] =	stream.indirect_vreg.gather @!p0 [hbm4b:s3+s20], $0x80, v16, vm2, $0xb8;
	[tilespmem:$0x1AC00] =	vst v63  }
0x161: {  	s22 =	smul.u32 $0x3000, s28;
	s21 =	simm.s32 @!p0 $0x8800  }
0x162: {  	[tilespmem:s21], [sflag:$0x1] =	stream.indirect_vreg.gather @!p0 [hbm4b:s5+s20], $0x80, v16, vm3, $0xb8;
	[tilespmem:$0x1AC00] =	vst v63  }
0x163: {  	s20 =	simm.s32 $0x0  }
0x164: {  	s22 =	sshra.s32 s22, $0x2;
	_ =	swait.ge [sflag:s12], $0x3C00;
	s21 =	sand.u32 $0x300, s20  }
0x165: {  	s23 =	sadd.s32 $0x8C00, s22;
	[sflag:s12] =	ssyncset.done $0x0;
	s25 =	sor.u32 $0x80, s21  }
0x166: {  	[sflag:s12] =	ssyncadd.s32 $0xFFFFC400;
	s29 =	sor.u32 s25, s23  }
0x167: {  	v51 =	vld [tilespmem:s29+$0x0]  }
0x168: {  	v52 =	vld [tilespmem:s29+$0x10]  }
0x169: {  	v53 =	vld [tilespmem:s29+$0x20]  }
0x16a: {  	v54 =	vld [tilespmem:s29+$0x30]  }
0x16b: {  	v55 =	vld [tilespmem:s29+$0x40]  }
0x16c: {  	v56 =	vld [tilespmem:s29+$0x50]  }
0x16d: {  	s26 =	sadd.s32 $0x9000, s22;
	v57 =	vld [tilespmem:s29+$0x60]  }
0x16e: {  	s28 =	sor.u32 s25, s26;
	v32 =	vld [tilespmem:s29+$0x70]  }
0x16f: {  	v33 =	vld [tilespmem:s28+$0x0]  }
0x170: {  	v37 =	vld [tilespmem:s28+$0x10]  }
0x171: {  	v40 =	vld [tilespmem:s28+$0x20]  }
0x172: {  	v16 =	vld [tilespmem:s28+$0x30]  }
0x173: {  	v10 =	vadd.f32 v35, v10;
	v62 =	vadd.f32 v42, v31;
	v31 =	vld [tilespmem:s28+$0x40]  }
0x174: {  	v41 =	vadd.f32 v41, v28;
	v63 =	vadd.f32 v43, v29;
	v28 =	vld [tilespmem:s28+$0x50]  }
0x175: {  	v29 =	vadd.f32 v19, v10;
	v30 =	vadd.f32 v30, v62;
	v35 =	vld [tilespmem:s28+$0x60]  }
0x176: {  	v19 =	vadd.f32 v25, v41;
	v58 =	vadd.f32 v36, v17;
	s23 =	sor.u32 s21, s23;
	v10 =	vld [tilespmem:s28+$0x70]  }
0x177: {  	v27 =	vadd.f32 v38, v27;
	v24 =	vadd.f32 v39, v24;
	v60 =	vld [tilespmem:s23+$0x0]  }
0x178: {  	v59 =	vadd.f32 v44, v26;
	v26 =	vadd.f32 v13, v58;
	v61 =	vld [tilespmem:s23+$0x10]  }
0x179: {  	v27 =	vadd.f32 v14, v27;
	v14 =	vadd.f32 v12, v24;
	v24 =	vld [tilespmem:s23+$0x20]  }
0x17a: {  	v12 =	vadd.f32 v45, v20;
	v13 =	vadd.f32 v46, v23;
	v23 =	vld [tilespmem:s23+$0x30]  }
0x17b: {  	v25 =	vadd.f32 v34, v63;
	v20 =	vadd.f32 v47, v21;
	v62 =	vld [tilespmem:s23+$0x40]  }
0x17c: {  	s24 =	sadd.s32 $0x9400, s22;
	v11 =	vadd.f32 v11, v12;
	v12 =	vadd.f32 v18, v13;
	v18 =	vld [tilespmem:s23+$0x50]  }
0x17d: {  	v21 =	vadd.f32 v48, v22;
	v15 =	vadd.f32 v15, v59;
	s22 =	sor.u32 s25, s24;
	v63 =	vld [tilespmem:s23+$0x60]  }
0x17e: {  	v13 =	vadd.f32 v49, v20;
	s25 =	sor.u32 s21, s26;
	v17 =	vld [tilespmem:s22+$0x0];
	v20 =	vadd.f32 v60, v6  }
0x17f: {  	v34 =	vld [tilespmem:s25+$0x0];
	v22 =	vadd.f32 v61, v3;
	v7 =	vadd.f32 v24, v7  }
0x180: {  	v36 =	vld [tilespmem:s25+$0x10];
	v6 =	vadd.f32 v50, v21;
	v4 =	vadd.f32 v23, v4  }
0x181: {  	v3 =	vld [tilespmem:s23+$0x70];
	v8 =	vadd.f32 v62, v8;
	v18 =	vadd.f32 v18, v5  }
0x182: {  	v42 =	vld [tilespmem:s25+$0x20];
	v24 =	vadd.f32 v63, v9;
	v20 =	vadd.f32 v51, v20  }
0x183: {  	v5 =	vld [tilespmem:s25+$0x30];
	v21 =	vadd.f32 v52, v22;
	v22 =	vadd.f32 v53, v7  }
0x184: {  	v9 =	vld [tilespmem:s25+$0x50];
	v4 =	vadd.f32 v54, v4;
	v8 =	vadd.f32 v55, v8  }
0x185: {  	s23 =	simm.s32 $0x0;
	v7 =	vld [tilespmem:s25+$0x40];
	v23 =	vadd.f32 v56, v18;
	v24 =	vadd.f32 v57, v24  }
.LBB2_5:
0x186: {  	s23 =	sadd.s32 $0x2, s23;
	v3 =	vadd.f32 v3, v29;
	v18 =	vadd.f32 v34, v30;
	v34 =	vld [tilespmem:s25+$0x60]  }
0x187: {  	v19 =	vadd.f32 v36, v19;
	s24 =	sor.u32 s21, s24;
	s26 =	sshrl.u32 s23, $0x3;
	p1 =	slt.u32 s23, $0x26;
	v25 =	vadd.f32 v42, v25;
	v36 =	vld [tilespmem:s25+$0x70]  }
0x188: {  	s25 =	smul.u32 $0x3000, s26;
	v38 =	vld [tilespmem:s24+$0x0];
	v29 =	vadd.f32 v32, v3;
	v30 =	vadd.f32 v33, v18  }
0x189: {  	s20 =	sadd.s32 $0x100, s20;
	v19 =	vadd.f32 v37, v19;
	v3 =	vld [tilespmem:s24+$0x10];
	v25 =	vadd.f32 v40, v25  }
0x18a: {  	s21 =	sand.u32 $0x300, s20;
	v5 =	vadd.f32 v5, v26;
	v7 =	vadd.f32 v7, v27;
	s25 =	sshra.s32 s25, $0x2;
	v18 =	vld [tilespmem:s24+$0x20]  }
0x18b: {  	s28 =	sor.u32 $0x80, s21;
	v9 =	vadd.f32 v9, v14;
	s26 =	sadd.s32 $0x8C00, s25;
	v15 =	vadd.f32 v34, v15;
	v32 =	vld [tilespmem:s22+$0x10]  }
0x18c: {  	v26 =	vadd.f32 v16, v5;
	v27 =	vadd.f32 v31, v7;
	s24 =	sor.u32 s28, s26;
	v5 =	vld [tilespmem:s22+$0x20]  }
0x18d: {  	v14 =	vadd.f32 v28, v9;
	v7 =	vld [tilespmem:s24+$0x0];
	v15 =	vadd.f32 v35, v15  }
0x18e: {  	v11 =	vadd.f32 v36, v11;
	v12 =	vadd.f32 v38, v12;
	v9 =	vld [tilespmem:s24+$0x10]  }
0x18f: {  	v3 =	vadd.f32 v3, v13;
	v38 =	vld [tilespmem:s24+$0x20];
	v6 =	vadd.f32 v18, v6  }
0x190: {  	v11 =	vadd.f32 v10, v11;
	v12 =	vadd.f32 v17, v12;
	v18 =	vld [tilespmem:s24+$0x30]  }
0x191: {  	v13 =	vadd.f32 v32, v3;
	v39 =	vld [tilespmem:s24+$0x40];
	v6 =	vadd.f32 v5, v6  }
0x192: {  	v41 =	vld [tilespmem:s24+$0x50]  }
0x193: {  	s29 =	sadd.s32 $0x9000, s25;
	v43 =	vld [tilespmem:s24+$0x60]  }
0x194: {  	s22 =	sor.u32 s28, s29;
	v32 =	vld [tilespmem:s24+$0x70]  }
0x195: {  	v33 =	vld [tilespmem:s22+$0x0]  }
0x196: {  	v37 =	vld [tilespmem:s22+$0x10]  }
0x197: {  	v40 =	vld [tilespmem:s22+$0x20]  }
0x198: {  	v16 =	vld [tilespmem:s22+$0x30]  }
0x199: {  	v31 =	vld [tilespmem:s22+$0x40]  }
0x19a: {  	v28 =	vld [tilespmem:s22+$0x50]  }
0x19b: {  	s24 =	sadd.s32 $0x9400, s25;
	v35 =	vld [tilespmem:s22+$0x60]  }
0x19c: {  	v10 =	vld [tilespmem:s22+$0x70];
	s22 =	sor.u32 s28, s24  }
0x19d: {  	s25 =	sor.u32 s21, s26;
	v17 =	vld [tilespmem:s22+$0x0]  }
0x19e: {  	v3 =	vld [tilespmem:s25+$0x0]  }
0x19f: {  	v5 =	vld [tilespmem:s25+$0x10]  }
0x1a0: {  	v34 =	vld [tilespmem:s25+$0x20]  }
0x1a1: {  	v42 =	vld [tilespmem:s25+$0x30]  }
0x1a2: {  	v44 =	vld [tilespmem:s25+$0x40]  }
0x1a3: {  	v45 =	vld [tilespmem:s25+$0x50]  }
0x1a4: {  	v20 =	vadd.f32 v3, v20;
	v46 =	vld [tilespmem:s25+$0x60]  }
0x1a5: {  	v5 =	vadd.f32 v5, v21;
	v22 =	vadd.f32 v34, v22;
	v3 =	vld [tilespmem:s25+$0x70];
	s25 =	sor.u32 s21, s29  }
0x1a6: {  	v20 =	vadd.f32 v7, v20;
	v34 =	vld [tilespmem:s25+$0x0]  }
.Ltmp1:
0x1a7: {  	v21 =	vadd.f32 v9, v5;
	v36 =	vld [tilespmem:s25+$0x10];
	v22 =	vadd.f32 v38, v22;
	(pc) =	sbr.rel @p1 .LBB2_5-.Ltmp1, $4  }
0x1a8: {  	v4 =	vadd.f32 v42, v4;
	v8 =	vadd.f32 v44, v8;
	v42 =	vld [tilespmem:s25+$0x20]  }
0x1a9: {  	v23 =	vadd.f32 v45, v23;
	v24 =	vadd.f32 v46, v24;
	v5 =	vld [tilespmem:s25+$0x30]  }
0x1aa: {  	v4 =	vadd.f32 v18, v4;
	v8 =	vadd.f32 v39, v8;
	v7 =	vld [tilespmem:s25+$0x40]  }
0x1ab: {  	v23 =	vadd.f32 v41, v23;
	v9 =	vld [tilespmem:s25+$0x50];
	v24 =	vadd.f32 v43, v24  }
0x1ac: {  	v18 =	vld @!p0 [tilespmem:s19+$0x300];
	_ =	sdelay $0x4  }
0x1ad: {  	v38 =	vshrl.u32 @!p0 v18, $0x3  }
0x1ae: {  	v38 =	vmul.u32 @!p0 $0x18, v38  }
0x1af: {  	v39 =	vlaneseq.u32 @!p0;
	v18 =	vand.u32 @!p0 $0x7, v18  }
0x1b0: {  	v41 =	vshrl.u32 @!p0 v39, $0x3;
	v18 =	vor.u32 @!p0 v18, v38;
	v38 =	vand.u32 @!p0 $0x7, v39  }
0x1b1: {  	v41 =	vmul.u32 @!p0 $0x8, v41;
	v43 =	vperm.xlane @!p0 v18, v38  }
0x1b2: {  	v44 =	vld [tilespmem:s25+$0x60]  }
0x1b3: {  	v45 =	vld [tilespmem:s25+$0x70];
	v43 =	vadd.s32 @!p0 v41, v43  }
0x1b4: {  	s20 =	sor.u32 s21, s24;
	v49 =	vld [tilespmem:s22+$0x10];
	v39 =	vor.u32 @!p0 $0x8, v39  }
0x1b5: {  	v46 =	vld [tilespmem:s20+$0x0];
	v18 =	vperm.xlane @!p0 v18, v39  }
0x1b6: {  	v47 =	vld [tilespmem:s20+$0x10]  }
0x1b7: {  	s21 =	simm.s32 @!p0 $0x8C00;
	v48 =	vld [tilespmem:s20+$0x20];
	s20 =	simm.s32 @!p0 $0x0;
	v18 =	vadd.s32 @!p0 v41, v18  }
0x1b8: {  	v50 =	vld [tilespmem:s22+$0x20];
	[tilespmem:s21], [sflag:$0x2] =	stream.indirect_vreg.gather @!p0 [hbm4b:s3+s20], $0x80, v43, vm2, $0xb8  }
0x1b9: {  	s21 =	simm.s32 @!p0 $0x9400  }
0x1ba: {  	[tilespmem:s21], [sflag:$0x2] =	stream.indirect_vreg.gather @!p0 [hbm4b:s5+s20], $0x80, v43, vm3, $0xb8;
	[tilespmem:$0x1AC00] =	vst v63  }
0x1bb: {  	s21 =	simm.s32 @!p0 $0x9800  }
0x1bc: {  	[tilespmem:s21], [sflag:$0x2] =	stream.indirect_vreg.gather @!p0 [hbm4b:s3+s20], $0x80, v18, vm2, $0xb8;
	[tilespmem:$0x1AC00] =	vst v63  }
0x1bd: {  	s21 =	simm.s32 @!p0 $0xA000  }
0x1be: {  	[tilespmem:s21], [sflag:$0x2] =	stream.indirect_vreg.gather @!p0 [hbm4b:s5+s20], $0x80, v18, vm3, $0xb8;
	[tilespmem:$0x1AC00] =	vst v63  }
0x1bf: {  	v18 =	vld @!p0 [tilespmem:s19+$0x310];
	_ =	sdelay $0x4  }
0x1c0: {  	v43 =	vshrl.u32 @!p0 v18, $0x3  }
0x1c1: {  	v43 =	vmul.u32 @!p0 $0x18, v43  }
0x1c2: {  	v18 =	vand.u32 @!p0 $0x7, v18  }
0x1c3: {  	v18 =	vor.u32 @!p0 v18, v43  }
0x1c4: {  	v43 =	vperm.xlane @!p0 v18, v38;
	_ =	sdelay $0x1  }
0x1c5: {  	v43 =	vadd.s32 @!p0 v41, v43;
	_ =	sdelay $0x1  }
0x1c6: {  	v18 =	vperm.xlane @!p0 v18, v39;
	_ =	sdelay $0x1  }
0x1c7: {  	s21 =	simm.s32 @!p0 $0xA400;
	v18 =	vadd.s32 @!p0 v41, v18  }
0x1c8: {  	[tilespmem:s21], [sflag:$0x2] =	stream.indirect_vreg.gather @!p0 [hbm4b:s3+s20], $0x80, v43, vm2, $0xb8;
	[tilespmem:$0x1AC00] =	vst v63  }
0x1c9: {  	s21 =	simm.s32 @!p0 $0xAC00  }
0x1ca: {  	[tilespmem:s21], [sflag:$0x2] =	stream.indirect_vreg.gather @!p0 [hbm4b:s5+s20], $0x80, v43, vm3, $0xb8;
	[tilespmem:$0x1AC00] =	vst v63  }
0x1cb: {  	s21 =	simm.s32 @!p0 $0xB000  }
0x1cc: {  	[tilespmem:s21], [sflag:$0x2] =	stream.indirect_vreg.gather @!p0 [hbm4b:s3+s20], $0x80, v18, vm2, $0xb8;
	[tilespmem:$0x1AC00] =	vst v63  }
0x1cd: {  	s21 =	simm.s32 @!p0 $0xB800  }
0x1ce: {  	[tilespmem:s21], [sflag:$0x2] =	stream.indirect_vreg.gather @!p0 [hbm4b:s5+s20], $0x80, v18, vm3, $0xb8;
	[tilespmem:$0x1AC00] =	vst v63  }
0x1cf: {  	v18 =	vld.msk @!p0 [tilespmem:s19+$0x320], $0xff;
	_ =	sdelay $0x4  }
0x1d0: {  	v39 =	vshrl.u32 @!p0 v18, $0x3  }
0x1d1: {  	v39 =	vmul.u32 @!p0 $0x18, v39  }
0x1d2: {  	v18 =	vand.u32 @!p0 $0x7, v18  }
0x1d3: {  	v18 =	vor.u32 @!p0 v18, v39  }
0x1d4: {  	v18 =	vperm.xlane @!p0 v18, v38;
	_ =	sdelay $0x1  }
0x1d5: {  	v18 =	vadd.s32 @!p0 v41, v18;
	_ =	sdelay $0x3  }
0x1d6: {  	s26 =	simm.s32 $0x0;
	s21 =	simm.s32 @!p0 $0xBC00  }
0x1d7: {  	[tilespmem:s21], [sflag:$0x2] =	stream.indirect_vreg.gather @!p0 [hbm4b:s3+s20], $0x80, v18, vm2, $0xb8;
	[tilespmem:$0x1AC00] =	vst v63  }
0x1d8: {  	s28 =	smul.u32 $0x3000, s26;
	s21 =	simm.s32 @!p0 $0xC400  }
0x1d9: {  	[tilespmem:s21], [sflag:$0x2] =	stream.indirect_vreg.gather @!p0 [hbm4b:s5+s20], $0x80, v18, vm3, $0xb8;
	[tilespmem:$0x1AC00] =	vst v63  }
0x1da: {  	s20 =	simm.s32 $0x0  }
0x1db: {  	s22 =	sshra.s32 s28, $0x2;
	_ =	swait.ge [sflag:s13], $0x3C00;
	s21 =	sand.u32 $0x300, s20  }
0x1dc: {  	s23 =	sadd.s32 $0xC800, s22;
	[sflag:s13] =	ssyncset.done $0x0;
	s25 =	sor.u32 $0x80, s21  }
0x1dd: {  	[sflag:s13] =	ssyncadd.s32 $0xFFFFC400;
	s29 =	sor.u32 s25, s23  }
0x1de: {  	v51 =	vld [tilespmem:s29+$0x0]  }
0x1df: {  	v52 =	vld [tilespmem:s29+$0x10]  }
0x1e0: {  	v53 =	vld [tilespmem:s29+$0x20]  }
0x1e1: {  	v54 =	vld [tilespmem:s29+$0x30]  }
0x1e2: {  	v55 =	vld [tilespmem:s29+$0x40]  }
0x1e3: {  	v56 =	vld [tilespmem:s29+$0x50]  }
0x1e4: {  	s26 =	sadd.s32 $0xCC00, s22;
	v57 =	vld [tilespmem:s29+$0x60]  }
0x1e5: {  	s28 =	sor.u32 s25, s26;
	v38 =	vld [tilespmem:s29+$0x70]  }
0x1e6: {  	v43 =	vld [tilespmem:s28+$0x0]  }
0x1e7: {  	v39 =	vld [tilespmem:s28+$0x10]  }
0x1e8: {  	v41 =	vld [tilespmem:s28+$0x20]  }
0x1e9: {  	v18 =	vld [tilespmem:s28+$0x30]  }
0x1ea: {  	v3 =	vadd.f32 v3, v29;
	v29 =	vadd.f32 v34, v30;
	v34 =	vld [tilespmem:s28+$0x40]  }
0x1eb: {  	v19 =	vadd.f32 v36, v19;
	v42 =	vadd.f32 v42, v25;
	v30 =	vld [tilespmem:s28+$0x50]  }
0x1ec: {  	v32 =	vadd.f32 v32, v3;
	v33 =	vadd.f32 v33, v29;
	s24 =	sadd.s32 $0x5000, s22;
	v36 =	vld [tilespmem:s28+$0x60]  }
0x1ed: {  	v25 =	vadd.f32 v37, v19;
	v5 =	vadd.f32 v5, v26;
	s22 =	sor.u32 s25, s24;
	v3 =	vld [tilespmem:s28+$0x70]  }
0x1ee: {  	v29 =	vadd.f32 v40, v42;
	v7 =	vadd.f32 v7, v27;
	s23 =	sor.u32 s21, s23;
	v19 =	vld [tilespmem:s22+$0x8000]  }
0x1ef: {  	v9 =	vadd.f32 v9, v14;
	v14 =	vadd.f32 v44, v15;
	v15 =	vld [tilespmem:s23+$0x0]  }
0x1f0: {  	v26 =	vadd.f32 v16, v5;
	v27 =	vadd.f32 v31, v7;
	v16 =	vld [tilespmem:s23+$0x10]  }
0x1f1: {  	v5 =	vadd.f32 v45, v11;
	v9 =	vadd.f32 v28, v9;
	v28 =	vld [tilespmem:s23+$0x20]  }
0x1f2: {  	v7 =	vadd.f32 v46, v12;
	v12 =	vadd.f32 v47, v13;
	v62 =	vld [tilespmem:s23+$0x40]  }
0x1f3: {  	v13 =	vadd.f32 v48, v6;
	v5 =	vadd.f32 v10, v5;
	v10 =	vld [tilespmem:s23+$0x50]  }
0x1f4: {  	v14 =	vadd.f32 v35, v14;
	v6 =	vadd.f32 v17, v7;
	v11 =	vld [tilespmem:s23+$0x30]  }
0x1f5: {  	v7 =	vadd.f32 v49, v12;
	s25 =	sor.u32 s21, s26;
	v12 =	vadd.f32 v15, v20;
	v20 =	vld [tilespmem:s23+$0x60]  }
0x1f6: {  	v35 =	vadd.f32 v50, v13;
	v31 =	vld [tilespmem:s25+$0x0];
	v16 =	vadd.f32 v16, v21  }
0x1f7: {  	v17 =	vadd.f32 v28, v22;
	v22 =	vld [tilespmem:s23+$0x70];
	v21 =	vadd.f32 v62, v8  }
0x1f8: {  	v28 =	vld [tilespmem:s25+$0x10];
	v23 =	vadd.f32 v10, v23;
	v15 =	vadd.f32 v51, v12  }
0x1f9: {  	v16 =	vadd.f32 v52, v16;
	v12 =	vadd.f32 v11, v4;
	v4 =	vld [tilespmem:s25+$0x20]  }
0x1fa: {  	v13 =	vld [tilespmem:s25+$0x40];
	v17 =	vadd.f32 v53, v17;
	v63 =	vadd.f32 v20, v24  }
0x1fb: {  	v11 =	vld [tilespmem:s25+$0x30];
	v10 =	vadd.f32 v55, v21;
	v8 =	vadd.f32 v54, v12  }
0x1fc: {  	s23 =	simm.s32 $0x0;
	v24 =	vld [tilespmem:s25+$0x50];
	v20 =	vadd.f32 v56, v23;
	v21 =	vadd.f32 v57, v63  }
.LBB2_7:
0x1fd: {  	s23 =	sadd.s32 $0x2, s23;
	v12 =	vadd.f32 v22, v32;
	v22 =	vadd.f32 v31, v33;
	v23 =	vld [tilespmem:s25+$0x60]  }
0x1fe: {  	v25 =	vadd.f32 v28, v25;
	s24 =	sor.u32 s21, s24;
	s26 =	sshrl.u32 s23, $0x3;
	p1 =	slt.u32 s23, $0x26;
	v4 =	vadd.f32 v4, v29;
	v28 =	vld [tilespmem:s25+$0x70]  }
0x1ff: {  	s25 =	smul.u32 $0x3000, s26;
	v31 =	vld [tilespmem:s24+$0x8000];
	v32 =	vadd.f32 v38, v12;
	v33 =	vadd.f32 v43, v22  }
0x200: {  	s20 =	sadd.s32 $0x100, s20;
	v25 =	vadd.f32 v39, v25;
	v12 =	vld [tilespmem:s24+$0x8010];
	v29 =	vadd.f32 v41, v4  }
0x201: {  	s21 =	sand.u32 $0x300, s20;
	v4 =	vadd.f32 v11, v26;
	v11 =	vadd.f32 v13, v27;
	s25 =	sshra.s32 s25, $0x2;
	v13 =	vld [tilespmem:s24+$0x8020]  }
0x202: {  	s28 =	sor.u32 $0x80, s21;
	v9 =	vadd.f32 v24, v9;
	s26 =	sadd.s32 $0xC800, s25;
	v14 =	vadd.f32 v23, v14;
	v22 =	vld [tilespmem:s22+$0x8010]  }
0x203: {  	v26 =	vadd.f32 v18, v4;
	v27 =	vadd.f32 v34, v11;
	s24 =	sor.u32 s28, s26;
	v4 =	vld [tilespmem:s22+$0x8020]  }
0x204: {  	v9 =	vadd.f32 v30, v9;
	v11 =	vld [tilespmem:s24+$0x0];
	v14 =	vadd.f32 v36, v14  }
0x205: {  	v5 =	vadd.f32 v28, v5;
	v6 =	vadd.f32 v31, v6;
	v23 =	vld [tilespmem:s24+$0x10]  }
0x206: {  	v7 =	vadd.f32 v12, v7;
	v24 =	vld [tilespmem:s24+$0x20];
	v12 =	vadd.f32 v13, v35  }
0x207: {  	v5 =	vadd.f32 v3, v5;
	v6 =	vadd.f32 v19, v6;
	v37 =	vld [tilespmem:s24+$0x30]  }
0x208: {  	v7 =	vadd.f32 v22, v7;
	v40 =	vld [tilespmem:s24+$0x40];
	v35 =	vadd.f32 v4, v12  }
0x209: {  	v12 =	vld [tilespmem:s24+$0x50]  }
0x20a: {  	s29 =	sadd.s32 $0xCC00, s25;
	v42 =	vld [tilespmem:s24+$0x60]  }
0x20b: {  	s22 =	sor.u32 s28, s29;
	v38 =	vld [tilespmem:s24+$0x70]  }
0x20c: {  	v43 =	vld [tilespmem:s22+$0x0]  }
0x20d: {  	v39 =	vld [tilespmem:s22+$0x10]  }
0x20e: {  	v41 =	vld [tilespmem:s22+$0x20]  }
0x20f: {  	v18 =	vld [tilespmem:s22+$0x30]  }
0x210: {  	v34 =	vld [tilespmem:s22+$0x40]  }
0x211: {  	v30 =	vld [tilespmem:s22+$0x50]  }
0x212: {  	s24 =	sadd.s32 $0x5000, s25;
	v36 =	vld [tilespmem:s22+$0x60]  }
0x213: {  	v3 =	vld [tilespmem:s22+$0x70];
	s22 =	sor.u32 s28, s24  }
0x214: {  	s25 =	sor.u32 s21, s26;
	v19 =	vld [tilespmem:s22+$0x8000]  }
0x215: {  	v4 =	vld [tilespmem:s25+$0x0]  }
0x216: {  	v13 =	vld [tilespmem:s25+$0x10]  }
0x217: {  	v22 =	vld [tilespmem:s25+$0x20]  }
0x218: {  	v44 =	vld [tilespmem:s25+$0x30]  }
0x219: {  	v45 =	vld [tilespmem:s25+$0x40]  }
0x21a: {  	v46 =	vld [tilespmem:s25+$0x50]  }
0x21b: {  	v4 =	vadd.f32 v4, v15;
	v47 =	vld [tilespmem:s25+$0x60]  }
0x21c: {  	v13 =	vadd.f32 v13, v16;
	v17 =	vadd.f32 v22, v17;
	v22 =	vld [tilespmem:s25+$0x70];
	s25 =	sor.u32 s21, s29  }
0x21d: {  	v15 =	vadd.f32 v11, v4;
	v31 =	vld [tilespmem:s25+$0x0]  }
.Ltmp2:
0x21e: {  	v16 =	vadd.f32 v23, v13;
	v28 =	vld [tilespmem:s25+$0x10];
	v17 =	vadd.f32 v24, v17;
	(pc) =	sbr.rel @p1 .LBB2_7-.Ltmp2, $4  }
0x21f: {  	v8 =	vadd.f32 v44, v8;
	v10 =	vadd.f32 v45, v10;
	v4 =	vld [tilespmem:s25+$0x20]  }
0x220: {  	v20 =	vadd.f32 v46, v20;
	v21 =	vadd.f32 v47, v21;
	v11 =	vld [tilespmem:s25+$0x30]  }
0x221: {  	v8 =	vadd.f32 v37, v8;
	v10 =	vadd.f32 v40, v10;
	v13 =	vld [tilespmem:s25+$0x40]  }
0x222: {  	v20 =	vadd.f32 v12, v20;
	v24 =	vld [tilespmem:s25+$0x50];
	v21 =	vadd.f32 v42, v21  }
0x223: {  	v12 =	vld @!p0 [tilespmem:s19+$0x380];
	_ =	sdelay $0x4  }
0x224: {  	v23 =	vshrl.u32 @!p0 v12, $0x3  }
0x225: {  	v23 =	vmul.u32 @!p0 $0x18, v23  }
0x226: {  	v37 =	vlaneseq.u32 @!p0;
	v12 =	vand.u32 @!p0 $0x7, v12  }
0x227: {  	v40 =	vshrl.u32 @!p0 v37, $0x3;
	v12 =	vor.u32 @!p0 v12, v23;
	v23 =	vand.u32 @!p0 $0x7, v37  }
0x228: {  	v40 =	vmul.u32 @!p0 $0x8, v40;
	v42 =	vperm.xlane @!p0 v12, v23  }
0x229: {  	v45 =	vld [tilespmem:s25+$0x60]  }
0x22a: {  	v46 =	vld [tilespmem:s25+$0x70];
	v42 =	vadd.s32 @!p0 v40, v42  }
0x22b: {  	s20 =	sor.u32 s21, s24;
	v50 =	vld [tilespmem:s22+$0x8010];
	v37 =	vor.u32 @!p0 $0x8, v37  }
0x22c: {  	v47 =	vld [tilespmem:s20+$0x8000];
	v12 =	vperm.xlane @!p0 v12, v37  }
0x22d: {  	v48 =	vld [tilespmem:s20+$0x8010]  }
0x22e: {  	s21 =	simm.s32 @!p0 $0xC800;
	v49 =	vld [tilespmem:s20+$0x8020];
	s20 =	simm.s32 @!p0 $0x0;
	v12 =	vadd.s32 @!p0 v40, v12  }
0x22f: {  	v51 =	vld [tilespmem:s22+$0x8020];
	[tilespmem:s21], [sflag:$0x3] =	stream.indirect_vreg.gather @!p0 [hbm4b:s3+s20], $0x80, v42, vm2, $0xb8  }
0x230: {  	s21 =	simm.s32 @!p0 $0xD000  }
0x231: {  	[tilespmem:s21], [sflag:$0x3] =	stream.indirect_vreg.gather @!p0 [hbm4b:s5+s20], $0x80, v42, vm3, $0xb8;
	[tilespmem:$0x1AC00] =	vst v63  }
0x232: {  	s21 =	simm.s32 @!p0 $0xD400  }
0x233: {  	[tilespmem:s21], [sflag:$0x3] =	stream.indirect_vreg.gather @!p0 [hbm4b:s3+s20], $0x80, v12, vm2, $0xb8;
	[tilespmem:$0x1AC00] =	vst v63  }
0x234: {  	s21 =	simm.s32 @!p0 $0xDC00  }
0x235: {  	[tilespmem:s21], [sflag:$0x3] =	stream.indirect_vreg.gather @!p0 [hbm4b:s5+s20], $0x80, v12, vm3, $0xb8;
	[tilespmem:$0x1AC00] =	vst v63  }
0x236: {  	v12 =	vld @!p0 [tilespmem:s19+$0x390];
	_ =	sdelay $0x4  }
0x237: {  	v42 =	vshrl.u32 @!p0 v12, $0x3  }
0x238: {  	v42 =	vmul.u32 @!p0 $0x18, v42  }
0x239: {  	v12 =	vand.u32 @!p0 $0x7, v12  }
0x23a: {  	v12 =	vor.u32 @!p0 v12, v42  }
0x23b: {  	v42 =	vperm.xlane @!p0 v12, v23;
	_ =	sdelay $0x1  }
0x23c: {  	v42 =	vadd.s32 @!p0 v40, v42;
	_ =	sdelay $0x1  }
0x23d: {  	v12 =	vperm.xlane @!p0 v12, v37;
	_ =	sdelay $0x1  }
0x23e: {  	s21 =	simm.s32 @!p0 $0xE000;
	v12 =	vadd.s32 @!p0 v40, v12  }
0x23f: {  	[tilespmem:s21], [sflag:$0x3] =	stream.indirect_vreg.gather @!p0 [hbm4b:s3+s20], $0x80, v42, vm2, $0xb8;
	[tilespmem:$0x1AC00] =	vst v63  }
0x240: {  	s21 =	simm.s32 @!p0 $0xE800  }
0x241: {  	[tilespmem:s21], [sflag:$0x3] =	stream.indirect_vreg.gather @!p0 [hbm4b:s5+s20], $0x80, v42, vm3, $0xb8;
	[tilespmem:$0x1AC00] =	vst v63  }
0x242: {  	s21 =	simm.s32 @!p0 $0xEC00  }
0x243: {  	[tilespmem:s21], [sflag:$0x3] =	stream.indirect_vreg.gather @!p0 [hbm4b:s3+s20], $0x80, v12, vm2, $0xb8;
	[tilespmem:$0x1AC00] =	vst v63  }
0x244: {  	s21 =	simm.s32 @!p0 $0xF400  }
0x245: {  	[tilespmem:s21], [sflag:$0x3] =	stream.indirect_vreg.gather @!p0 [hbm4b:s5+s20], $0x80, v12, vm3, $0xb8;
	[tilespmem:$0x1AC00] =	vst v63  }
0x246: {  	v12 =	vld.msk @!p0 [tilespmem:s19+$0x3A0], $0xff;
	_ =	sdelay $0x4  }
0x247: {  	v37 =	vshrl.u32 @!p0 v12, $0x3  }
0x248: {  	v37 =	vmul.u32 @!p0 $0x18, v37  }
0x249: {  	v12 =	vand.u32 @!p0 $0x7, v12  }
0x24a: {  	v12 =	vor.u32 @!p0 v12, v37  }
0x24b: {  	v12 =	vperm.xlane @!p0 v12, v23;
	_ =	sdelay $0x1  }
0x24c: {  	v12 =	vadd.s32 @!p0 v40, v12;
	_ =	sdelay $0x3  }
0x24d: {  	s26 =	simm.s32 $0x0;
	s21 =	simm.s32 @!p0 $0xF800  }
0x24e: {  	[tilespmem:s21], [sflag:$0x3] =	stream.indirect_vreg.gather @!p0 [hbm4b:s3+s20], $0x80, v12, vm2, $0xb8;
	[tilespmem:$0x1AC00] =	vst v63  }
0x24f: {  	s28 =	smul.u32 $0x3000, s26;
	s21 =	simm.s32 @!p0 $0x10000  }
0x250: {  	[tilespmem:s21], [sflag:$0x3] =	stream.indirect_vreg.gather @!p0 [hbm4b:s5+s20], $0x80, v12, vm3, $0xb8;
	[tilespmem:$0x1AC00] =	vst v63  }
0x251: {  	s20 =	simm.s32 $0x0  }
0x252: {  	s22 =	sshra.s32 s28, $0x2;
	_ =	swait.ge [sflag:s14], $0x3C00;
	s21 =	sand.u32 $0x300, s20  }
0x253: {  	s23 =	sadd.s32 $0x10400, s22;
	[sflag:s14] =	ssyncset.done $0x0;
	s25 =	sor.u32 $0x80, s21  }
0x254: {  	[sflag:s14] =	ssyncadd.s32 $0xFFFFC400;
	s29 =	sor.u32 s25, s23  }
0x255: {  	v52 =	vld [tilespmem:s29+$0x0]  }
0x256: {  	v53 =	vld [tilespmem:s29+$0x10]  }
0x257: {  	v54 =	vld [tilespmem:s29+$0x20]  }
0x258: {  	v55 =	vld [tilespmem:s29+$0x30]  }
0x259: {  	v56 =	vld [tilespmem:s29+$0x40]  }
0x25a: {  	v57 =	vld [tilespmem:s29+$0x50]  }
0x25b: {  	s26 =	sadd.s32 $0x10800, s22;
	v58 =	vld [tilespmem:s29+$0x60]  }
0x25c: {  	s28 =	sor.u32 s25, s26;
	v37 =	vld [tilespmem:s29+$0x70]  }
0x25d: {  	v44 =	vld [tilespmem:s28+$0x0]  }
0x25e: {  	v40 =	vld [tilespmem:s28+$0x10]  }
0x25f: {  	v42 =	vld [tilespmem:s28+$0x20]  }
0x260: {  	v22 =	vadd.f32 v22, v32;
	v12 =	vld [tilespmem:s28+$0x30]  }
0x261: {  	v60 =	vadd.f32 v28, v25;
	v23 =	vadd.f32 v31, v33;
	v31 =	vld [tilespmem:s28+$0x40]  }
0x262: {  	v4 =	vadd.f32 v4, v29;
	v25 =	vld [tilespmem:s28+$0x50]  }
0x263: {  	v28 =	vadd.f32 v38, v22;
	v22 =	vadd.f32 v39, v60;
	s24 =	sadd.s32 $0x10C00, s22;
	v32 =	vld [tilespmem:s28+$0x60]  }
0x264: {  	v29 =	vadd.f32 v43, v23;
	v23 =	vadd.f32 v41, v4;
	s22 =	sor.u32 s25, s24;
	v4 =	vld [tilespmem:s28+$0x70]  }
0x265: {  	v11 =	vadd.f32 v11, v26;
	v26 =	vadd.f32 v13, v27;
	s23 =	sor.u32 s21, s23;
	v13 =	vld [tilespmem:s22+$0x0]  }
0x266: {  	v9 =	vadd.f32 v24, v9;
	v14 =	vadd.f32 v45, v14;
	v27 =	vld [tilespmem:s23+$0x0]  }
0x267: {  	v18 =	vadd.f32 v18, v11;
	v24 =	vadd.f32 v34, v26;
	v26 =	vld [tilespmem:s23+$0x10]  }
0x268: {  	v5 =	vadd.f32 v46, v5;
	v11 =	vadd.f32 v36, v14;
	v14 =	vld [tilespmem:s23+$0x20]  }
0x269: {  	v9 =	vadd.f32 v30, v9;
	v6 =	vadd.f32 v47, v6;
	v61 =	vld [tilespmem:s23+$0x30]  }
0x26a: {  	v7 =	vadd.f32 v48, v7;
	v30 =	vadd.f32 v49, v35;
	v62 =	vld [tilespmem:s23+$0x40]  }
0x26b: {  	v3 =	vadd.f32 v3, v5;
	v5 =	vadd.f32 v19, v6;
	v63 =	vld [tilespmem:s23+$0x50]  }
0x26c: {  	v6 =	vadd.f32 v50, v7;
	s25 =	sor.u32 s21, s26;
	v7 =	vadd.f32 v27, v15;
	v27 =	vld [tilespmem:s23+$0x60]  }
0x26d: {  	v43 =	vld [tilespmem:s25+$0x0];
	v15 =	vadd.f32 v26, v16;
	v16 =	vadd.f32 v14, v17  }
0x26e: {  	v19 =	vadd.f32 v51, v30;
	v30 =	vld [tilespmem:s25+$0x10];
	v14 =	vadd.f32 v52, v7  }
0x26f: {  	v26 =	vld [tilespmem:s23+$0x70];
	v15 =	vadd.f32 v53, v15;
	v16 =	vadd.f32 v54, v16  }
0x270: {  	v45 =	vld [tilespmem:s25+$0x20];
	v7 =	vadd.f32 v61, v8;
	v8 =	vadd.f32 v62, v10  }
0x271: {  	v38 =	vld [tilespmem:s25+$0x30];
	v10 =	vadd.f32 v63, v20;
	v17 =	vadd.f32 v27, v21  }
0x272: {  	v39 =	vld [tilespmem:s25+$0x40];
	v7 =	vadd.f32 v55, v7;
	v8 =	vadd.f32 v56, v8  }
0x273: {  	v41 =	vld [tilespmem:s25+$0x50];
	s23 =	simm.s32 $0x0;
	v10 =	vadd.f32 v57, v10;
	v17 =	vadd.f32 v58, v17  }
.LBB2_9:
0x274: {  	s23 =	sadd.s32 $0x2, s23;
	v20 =	vadd.f32 v26, v28;
	v21 =	vadd.f32 v43, v29;
	v26 =	vld [tilespmem:s25+$0x60]  }
0x275: {  	v22 =	vadd.f32 v30, v22;
	s24 =	sor.u32 s21, s24;
	s26 =	sshrl.u32 s23, $0x3;
	p1 =	slt.u32 s23, $0x26;
	v23 =	vadd.f32 v45, v23;
	v27 =	vld [tilespmem:s25+$0x70]  }
0x276: {  	s25 =	smul.u32 $0x3000, s26;
	v30 =	vld [tilespmem:s24+$0x0];
	v28 =	vadd.f32 v37, v20;
	v29 =	vadd.f32 v44, v21  }
0x277: {  	s20 =	sadd.s32 $0x100, s20;
	v22 =	vadd.f32 v40, v22;
	v20 =	vld [tilespmem:s24+$0x10];
	v23 =	vadd.f32 v42, v23  }
0x278: {  	s21 =	sand.u32 $0x300, s20;
	v18 =	vadd.f32 v38, v18;
	v21 =	vadd.f32 v39, v24;
	s25 =	sshra.s32 s25, $0x2;
	v33 =	vld [tilespmem:s24+$0x20]  }
0x279: {  	s28 =	sor.u32 $0x80, s21;
	v9 =	vadd.f32 v41, v9;
	s26 =	sadd.s32 $0x10400, s25;
	v11 =	vadd.f32 v26, v11;
	v26 =	vld [tilespmem:s22+$0x10]  }
0x27a: {  	v18 =	vadd.f32 v12, v18;
	v24 =	vadd.f32 v31, v21;
	s24 =	sor.u32 s28, s26;
	v12 =	vld [tilespmem:s22+$0x20]  }
0x27b: {  	v9 =	vadd.f32 v25, v9;
	v21 =	vld [tilespmem:s24+$0x0];
	v11 =	vadd.f32 v32, v11  }
0x27c: {  	v3 =	vadd.f32 v27, v3;
	v5 =	vadd.f32 v30, v5;
	v34 =	vld [tilespmem:s24+$0x10]  }
0x27d: {  	v6 =	vadd.f32 v20, v6;
	v27 =	vld [tilespmem:s24+$0x20];
	v19 =	vadd.f32 v33, v19  }
0x27e: {  	v3 =	vadd.f32 v4, v3;
	v5 =	vadd.f32 v13, v5;
	v20 =	vld [tilespmem:s24+$0x30]  }
0x27f: {  	v6 =	vadd.f32 v26, v6;
	v33 =	vld [tilespmem:s24+$0x40];
	v19 =	vadd.f32 v12, v19  }
0x280: {  	v35 =	vld [tilespmem:s24+$0x50]  }
0x281: {  	s29 =	sadd.s32 $0x10800, s25;
	v36 =	vld [tilespmem:s24+$0x60]  }
0x282: {  	s22 =	sor.u32 s28, s29;
	v37 =	vld [tilespmem:s24+$0x70]  }
0x283: {  	v44 =	vld [tilespmem:s22+$0x0]  }
0x284: {  	v40 =	vld [tilespmem:s22+$0x10]  }
0x285: {  	v42 =	vld [tilespmem:s22+$0x20]  }
0x286: {  	v12 =	vld [tilespmem:s22+$0x30]  }
0x287: {  	v31 =	vld [tilespmem:s22+$0x40]  }
0x288: {  	v25 =	vld [tilespmem:s22+$0x50]  }
0x289: {  	s24 =	sadd.s32 $0x10C00, s25;
	v32 =	vld [tilespmem:s22+$0x60]  }
0x28a: {  	v4 =	vld [tilespmem:s22+$0x70];
	s22 =	sor.u32 s28, s24  }
0x28b: {  	s25 =	sor.u32 s21, s26;
	v13 =	vld [tilespmem:s22+$0x0]  }
0x28c: {  	v26 =	vld [tilespmem:s25+$0x0]  }
0x28d: {  	v30 =	vld [tilespmem:s25+$0x10]  }
0x28e: {  	v38 =	vld [tilespmem:s25+$0x20]  }
0x28f: {  	v39 =	vld [tilespmem:s25+$0x30]  }
0x290: {  	v41 =	vld [tilespmem:s25+$0x40]  }
0x291: {  	v46 =	vld [tilespmem:s25+$0x50]  }
0x292: {  	v14 =	vadd.f32 v26, v14;
	v47 =	vld [tilespmem:s25+$0x60]  }
0x293: {  	v15 =	vadd.f32 v30, v15;
	v16 =	vadd.f32 v38, v16;
	v26 =	vld [tilespmem:s25+$0x70];
	s25 =	sor.u32 s21, s29  }
0x294: {  	v14 =	vadd.f32 v21, v14;
	v43 =	vld [tilespmem:s25+$0x0]  }
.Ltmp3:
0x295: {  	v15 =	vadd.f32 v34, v15;
	v30 =	vld [tilespmem:s25+$0x10];
	v16 =	vadd.f32 v27, v16;
	(pc) =	sbr.rel @p1 .LBB2_9-.Ltmp3, $4  }
0x296: {  	v7 =	vadd.f32 v39, v7;
	v8 =	vadd.f32 v41, v8;
	v45 =	vld [tilespmem:s25+$0x20]  }
0x297: {  	v10 =	vadd.f32 v46, v10;
	v17 =	vadd.f32 v47, v17;
	v38 =	vld [tilespmem:s25+$0x30]  }
0x298: {  	v7 =	vadd.f32 v20, v7;
	v8 =	vadd.f32 v33, v8;
	v39 =	vld [tilespmem:s25+$0x40]  }
0x299: {  	v10 =	vadd.f32 v35, v10;
	v41 =	vld [tilespmem:s25+$0x50];
	v17 =	vadd.f32 v36, v17  }
0x29a: {  	v20 =	vld @!p0 [tilespmem:s19+$0x400];
	_ =	sdelay $0x4  }
0x29b: {  	v21 =	vshrl.u32 @!p0 v20, $0x3  }
0x29c: {  	v21 =	vmul.u32 @!p0 $0x18, v21  }
0x29d: {  	v27 =	vlaneseq.u32 @!p0;
	v20 =	vand.u32 @!p0 $0x7, v20  }
0x29e: {  	v33 =	vshrl.u32 @!p0 v27, $0x3;
	v20 =	vor.u32 @!p0 v20, v21;
	v21 =	vand.u32 @!p0 $0x7, v27  }
0x29f: {  	v33 =	vmul.u32 @!p0 $0x8, v33;
	v34 =	vperm.xlane @!p0 v20, v21  }
0x2a0: {  	v46 =	vld [tilespmem:s25+$0x60]  }
0x2a1: {  	v47 =	vld [tilespmem:s25+$0x70];
	v34 =	vadd.s32 @!p0 v33, v34  }
0x2a2: {  	s20 =	sor.u32 s21, s24;
	v51 =	vld [tilespmem:s22+$0x10];
	v27 =	vor.u32 @!p0 $0x8, v27  }
0x2a3: {  	v48 =	vld [tilespmem:s20+$0x0];
	v20 =	vperm.xlane @!p0 v20, v27  }
0x2a4: {  	v49 =	vld [tilespmem:s20+$0x10]  }
0x2a5: {  	s21 =	simm.s32 @!p0 $0x10400;
	v50 =	vld [tilespmem:s20+$0x20];
	s20 =	simm.s32 @!p0 $0x0;
	v20 =	vadd.s32 @!p0 v33, v20  }
0x2a6: {  	v52 =	vld [tilespmem:s22+$0x20];
	[tilespmem:s21], [sflag:$0x4] =	stream.indirect_vreg.gather @!p0 [hbm4b:s3+s20], $0x80, v34, vm2, $0xb8  }
0x2a7: {  	s21 =	simm.s32 @!p0 $0x10C00  }
0x2a8: {  	[tilespmem:s21], [sflag:$0x4] =	stream.indirect_vreg.gather @!p0 [hbm4b:s5+s20], $0x80, v34, vm3, $0xb8;
	[tilespmem:$0x1AC00] =	vst v63  }
0x2a9: {  	s21 =	simm.s32 @!p0 $0x11000  }
0x2aa: {  	[tilespmem:s21], [sflag:$0x4] =	stream.indirect_vreg.gather @!p0 [hbm4b:s3+s20], $0x80, v20, vm2, $0xb8;
	[tilespmem:$0x1AC00] =	vst v63  }
0x2ab: {  	s21 =	simm.s32 @!p0 $0x11800  }
0x2ac: {  	[tilespmem:s21], [sflag:$0x4] =	stream.indirect_vreg.gather @!p0 [hbm4b:s5+s20], $0x80, v20, vm3, $0xb8;
	[tilespmem:$0x1AC00] =	vst v63  }
0x2ad: {  	v20 =	vld @!p0 [tilespmem:s19+$0x410];
	_ =	sdelay $0x4  }
0x2ae: {  	v34 =	vshrl.u32 @!p0 v20, $0x3  }
0x2af: {  	v34 =	vmul.u32 @!p0 $0x18, v34  }
0x2b0: {  	v20 =	vand.u32 @!p0 $0x7, v20  }
0x2b1: {  	v20 =	vor.u32 @!p0 v20, v34  }
0x2b2: {  	v34 =	vperm.xlane @!p0 v20, v21;
	_ =	sdelay $0x1  }
0x2b3: {  	v34 =	vadd.s32 @!p0 v33, v34;
	_ =	sdelay $0x1  }
0x2b4: {  	v20 =	vperm.xlane @!p0 v20, v27;
	_ =	sdelay $0x1  }
0x2b5: {  	s21 =	simm.s32 @!p0 $0x11C00;
	v20 =	vadd.s32 @!p0 v33, v20  }
0x2b6: {  	[tilespmem:s21], [sflag:$0x4] =	stream.indirect_vreg.gather @!p0 [hbm4b:s3+s20], $0x80, v34, vm2, $0xb8;
	[tilespmem:$0x1AC00] =	vst v63  }
0x2b7: {  	s21 =	simm.s32 @!p0 $0x12400  }
0x2b8: {  	[tilespmem:s21], [sflag:$0x4] =	stream.indirect_vreg.gather @!p0 [hbm4b:s5+s20], $0x80, v34, vm3, $0xb8;
	[tilespmem:$0x1AC00] =	vst v63  }
0x2b9: {  	s21 =	simm.s32 @!p0 $0x12800  }
0x2ba: {  	[tilespmem:s21], [sflag:$0x4] =	stream.indirect_vreg.gather @!p0 [hbm4b:s3+s20], $0x80, v20, vm2, $0xb8;
	[tilespmem:$0x1AC00] =	vst v63  }
0x2bb: {  	s21 =	simm.s32 @!p0 $0x13000  }
0x2bc: {  	[tilespmem:s21], [sflag:$0x4] =	stream.indirect_vreg.gather @!p0 [hbm4b:s5+s20], $0x80, v20, vm3, $0xb8;
	[tilespmem:$0x1AC00] =	vst v63  }
0x2bd: {  	v20 =	vld.msk @!p0 [tilespmem:s19+$0x420], $0xff;
	_ =	sdelay $0x4  }
0x2be: {  	v27 =	vshrl.u32 @!p0 v20, $0x3  }
0x2bf: {  	v27 =	vmul.u32 @!p0 $0x18, v27  }
0x2c0: {  	v20 =	vand.u32 @!p0 $0x7, v20  }
0x2c1: {  	v20 =	vor.u32 @!p0 v20, v27  }
0x2c2: {  	v20 =	vperm.xlane @!p0 v20, v21;
	_ =	sdelay $0x1  }
0x2c3: {  	v20 =	vadd.s32 @!p0 v33, v20;
	_ =	sdelay $0x3  }
0x2c4: {  	s26 =	simm.s32 $0x0;
	s21 =	simm.s32 @!p0 $0x13400  }
0x2c5: {  	[tilespmem:s21], [sflag:$0x4] =	stream.indirect_vreg.gather @!p0 [hbm4b:s3+s20], $0x80, v20, vm2, $0xb8;
	[tilespmem:$0x1AC00] =	vst v63  }
0x2c6: {  	s28 =	smul.u32 $0x3000, s26;
	s21 =	simm.s32 @!p0 $0x13C00  }
0x2c7: {  	[tilespmem:s21], [sflag:$0x4] =	stream.indirect_vreg.gather @!p0 [hbm4b:s5+s20], $0x80, v20, vm3, $0xb8;
	[tilespmem:$0x1AC00] =	vst v63  }
0x2c8: {  	s20 =	simm.s32 $0x0  }
0x2c9: {  	s22 =	sshra.s32 s28, $0x2;
	_ =	swait.ge [sflag:s15], $0x3C00;
	s21 =	sand.u32 $0x300, s20  }
0x2ca: {  	s23 =	sadd.s32 $0x14000, s22;
	[sflag:s15] =	ssyncset.done $0x0;
	s25 =	sor.u32 $0x80, s21  }
0x2cb: {  	[sflag:s15] =	ssyncadd.s32 $0xFFFFC400;
	s29 =	sor.u32 s25, s23  }
0x2cc: {  	v53 =	vld [tilespmem:s29+$0x0]  }
0x2cd: {  	v54 =	vld [tilespmem:s29+$0x10]  }
0x2ce: {  	v55 =	vld [tilespmem:s29+$0x20]  }
0x2cf: {  	v56 =	vld [tilespmem:s29+$0x30]  }
0x2d0: {  	v57 =	vld [tilespmem:s29+$0x40]  }
0x2d1: {  	v58 =	vld [tilespmem:s29+$0x50]  }
0x2d2: {  	s26 =	sadd.s32 $0x14400, s22;
	v59 =	vld [tilespmem:s29+$0x60]  }
0x2d3: {  	s28 =	sor.u32 s25, s26;
	v35 =	vld [tilespmem:s29+$0x70]  }
0x2d4: {  	v36 =	vld [tilespmem:s28+$0x0]  }
0x2d5: {  	v34 =	vld [tilespmem:s28+$0x10]  }
0x2d6: {  	v33 =	vld [tilespmem:s28+$0x20]  }
0x2d7: {  	v27 =	vld [tilespmem:s28+$0x30]  }
0x2d8: {  	v22 =	vadd.f32 v30, v22;
	v21 =	vadd.f32 v43, v29;
	v29 =	vld [tilespmem:s28+$0x40]  }
0x2d9: {  	v62 =	vadd.f32 v45, v23;
	v20 =	vadd.f32 v26, v28;
	v28 =	vld [tilespmem:s28+$0x50]  }
0x2da: {  	v63 =	vadd.f32 v38, v18;
	v23 =	vadd.f32 v44, v21;
	v30 =	vld [tilespmem:s28+$0x60]  }
0x2db: {  	v44 =	vadd.f32 v39, v24;
	v26 =	vadd.f32 v37, v20;
	s23 =	sor.u32 s21, s23;
	v20 =	vld [tilespmem:s28+$0x70]  }
0x2dc: {  	v9 =	vadd.f32 v41, v9;
	v45 =	vadd.f32 v46, v11;
	v46 =	vld [tilespmem:s23+$0x0]  }
0x2dd: {  	v24 =	vadd.f32 v12, v63;
	v12 =	vadd.f32 v31, v44;
	v31 =	vld [tilespmem:s23+$0x10]  }
0x2de: {  	v22 =	vadd.f32 v40, v22;
	v11 =	vadd.f32 v25, v9;
	v25 =	vld [tilespmem:s23+$0x20]  }
0x2df: {  	v3 =	vadd.f32 v47, v3;
	v47 =	vadd.f32 v48, v5;
	v48 =	vld [tilespmem:s23+$0x30]  }
0x2e0: {  	v6 =	vadd.f32 v49, v6;
	v19 =	vadd.f32 v50, v19;
	v60 =	vld [tilespmem:s23+$0x40]  }
0x2e1: {  	s24 =	sadd.s32 $0x14800, s22;
	v9 =	vadd.f32 v32, v45;
	v5 =	vadd.f32 v4, v3;
	v61 =	vld [tilespmem:s23+$0x50]  }
0x2e2: {  	v3 =	vadd.f32 v13, v47;
	v21 =	vadd.f32 v42, v62;
	s22 =	sor.u32 s25, s24;
	v62 =	vld [tilespmem:s23+$0x60]  }
0x2e3: {  	v4 =	vadd.f32 v51, v6;
	v6 =	vadd.f32 v52, v19;
	s25 =	sor.u32 s21, s26;
	v18 =	vld [tilespmem:s22+$0x0]  }
0x2e4: {  	v37 =	vld [tilespmem:s25+$0x0];
	v13 =	vadd.f32 v46, v14;
	v14 =	vadd.f32 v31, v15  }
0x2e5: {  	v32 =	vld [tilespmem:s25+$0x10];
	v15 =	vadd.f32 v25, v16;
	v7 =	vadd.f32 v48, v7  }
0x2e6: {  	v31 =	vld [tilespmem:s23+$0x70];
	v8 =	vadd.f32 v60, v8;
	v10 =	vadd.f32 v61, v10  }
0x2e7: {  	v38 =	vld [tilespmem:s25+$0x20];
	v63 =	vadd.f32 v62, v17;
	v13 =	vadd.f32 v53, v13  }
0x2e8: {  	v19 =	vld [tilespmem:s25+$0x50];
	v14 =	vadd.f32 v54, v14;
	v15 =	vadd.f32 v55, v15  }
0x2e9: {  	v25 =	vld [tilespmem:s25+$0x30];
	v16 =	vadd.f32 v56, v7;
	v8 =	vadd.f32 v57, v8  }
0x2ea: {  	v17 =	vld [tilespmem:s25+$0x40];
	s23 =	simm.s32 $0x0;
	v10 =	vadd.f32 v58, v10;
	v7 =	vadd.f32 v59, v63  }
.LBB2_11:
0x2eb: {  	s23 =	sadd.s32 $0x2, s23;
	v26 =	vadd.f32 v31, v26;
	v23 =	vadd.f32 v37, v23;
	v31 =	vld [tilespmem:s25+$0x60]  }
0x2ec: {  	v22 =	vadd.f32 v32, v22;
	s24 =	sor.u32 s21, s24;
	s26 =	sshrl.u32 s23, $0x3;
	p1 =	slt.u32 s23, $0x26;
	v21 =	vadd.f32 v38, v21;
	v32 =	vld [tilespmem:s25+$0x70]  }
0x2ed: {  	s25 =	smul.u32 $0x3000, s26;
	v37 =	vld [tilespmem:s24+$0x0];
	v26 =	vadd.f32 v35, v26;
	v23 =	vadd.f32 v36, v23  }
0x2ee: {  	s20 =	sadd.s32 $0x100, s20;
	v22 =	vadd.f32 v34, v22;
	v35 =	vld [tilespmem:s24+$0x10];
	v21 =	vadd.f32 v33, v21  }
0x2ef: {  	s21 =	sand.u32 $0x300, s20;
	v24 =	vadd.f32 v25, v24;
	v12 =	vadd.f32 v17, v12;
	s25 =	sshra.s32 s25, $0x2;
	v17 =	vld [tilespmem:s24+$0x20]  }
0x2f0: {  	s28 =	sor.u32 $0x80, s21;
	v11 =	vadd.f32 v19, v11;
	s26 =	sadd.s32 $0x14000, s25;
	v9 =	vadd.f32 v31, v9;
	v19 =	vld [tilespmem:s22+$0x10]  }
0x2f1: {  	v24 =	vadd.f32 v27, v24;
	v12 =	vadd.f32 v29, v12;
	s24 =	sor.u32 s28, s26;
	v25 =	vld [tilespmem:s22+$0x20]  }
0x2f2: {  	v11 =	vadd.f32 v28, v11;
	v38 =	vld [tilespmem:s24+$0x0];
	v9 =	vadd.f32 v30, v9  }
0x2f3: {  	v5 =	vadd.f32 v32, v5;
	v3 =	vadd.f32 v37, v3;
	v39 =	vld [tilespmem:s24+$0x10]  }
0x2f4: {  	v4 =	vadd.f32 v35, v4;
	v40 =	vld [tilespmem:s24+$0x20];
	v6 =	vadd.f32 v17, v6  }
0x2f5: {  	v5 =	vadd.f32 v20, v5;
	v3 =	vadd.f32 v18, v3;
	v41 =	vld [tilespmem:s24+$0x30]  }
0x2f6: {  	v4 =	vadd.f32 v19, v4;
	v42 =	vld [tilespmem:s24+$0x40];
	v6 =	vadd.f32 v25, v6  }
0x2f7: {  	v43 =	vld [tilespmem:s24+$0x50]  }
0x2f8: {  	s29 =	sadd.s32 $0x14400, s25;
	v44 =	vld [tilespmem:s24+$0x60]  }
0x2f9: {  	s22 =	sor.u32 s28, s29;
	v35 =	vld [tilespmem:s24+$0x70]  }
0x2fa: {  	v36 =	vld [tilespmem:s22+$0x0]  }
0x2fb: {  	v34 =	vld [tilespmem:s22+$0x10]  }
0x2fc: {  	v33 =	vld [tilespmem:s22+$0x20]  }
0x2fd: {  	v27 =	vld [tilespmem:s22+$0x30]  }
0x2fe: {  	v29 =	vld [tilespmem:s22+$0x40]  }
0x2ff: {  	v28 =	vld [tilespmem:s22+$0x50]  }
0x300: {  	s24 =	sadd.s32 $0x14800, s25;
	v30 =	vld [tilespmem:s22+$0x60]  }
0x301: {  	v20 =	vld [tilespmem:s22+$0x70];
	s22 =	sor.u32 s28, s24  }
0x302: {  	s25 =	sor.u32 s21, s26;
	v18 =	vld [tilespmem:s22+$0x0]  }
0x303: {  	v17 =	vld [tilespmem:s25+$0x0]  }
0x304: {  	v19 =	vld [tilespmem:s25+$0x10]  }
0x305: {  	v25 =	vld [tilespmem:s25+$0x20]  }
0x306: {  	v45 =	vld [tilespmem:s25+$0x30]  }
0x307: {  	v46 =	vld [tilespmem:s25+$0x40]  }
0x308: {  	v47 =	vld [tilespmem:s25+$0x50]  }
0x309: {  	v13 =	vadd.f32 v17, v13;
	v17 =	vld [tilespmem:s25+$0x60]  }
0x30a: {  	v14 =	vadd.f32 v19, v14;
	v15 =	vadd.f32 v25, v15;
	v31 =	vld [tilespmem:s25+$0x70];
	s25 =	sor.u32 s21, s29  }
0x30b: {  	v13 =	vadd.f32 v38, v13;
	v37 =	vld [tilespmem:s25+$0x0]  }
.Ltmp4:
0x30c: {  	v14 =	vadd.f32 v39, v14;
	v32 =	vld [tilespmem:s25+$0x10];
	v15 =	vadd.f32 v40, v15;
	(pc) =	sbr.rel @p1 .LBB2_11-.Ltmp4, $4  }
0x30d: {  	v16 =	vadd.f32 v45, v16;
	v8 =	vadd.f32 v46, v8;
	v38 =	vld [tilespmem:s25+$0x20]  }
0x30e: {  	v10 =	vadd.f32 v47, v10;
	v7 =	vadd.f32 v17, v7;
	v25 =	vld [tilespmem:s25+$0x30]  }
0x30f: {  	v16 =	vadd.f32 v41, v16;
	v8 =	vadd.f32 v42, v8;
	v17 =	vld [tilespmem:s25+$0x40]  }
0x310: {  	v10 =	vadd.f32 v43, v10;
	v19 =	vld [tilespmem:s25+$0x50];
	v7 =	vadd.f32 v44, v7  }
0x311: {  	v39 =	vld @!p0 [tilespmem:s19+$0x480];
	_ =	sdelay $0x4  }
0x312: {  	v40 =	vshrl.u32 @!p0 v39, $0x3  }
0x313: {  	v40 =	vmul.u32 @!p0 $0x18, v40  }
0x314: {  	v41 =	vlaneseq.u32 @!p0;
	v39 =	vand.u32 @!p0 $0x7, v39  }
0x315: {  	v42 =	vshrl.u32 @!p0 v41, $0x3;
	v39 =	vor.u32 @!p0 v39, v40;
	v40 =	vand.u32 @!p0 $0x7, v41  }
0x316: {  	v42 =	vmul.u32 @!p0 $0x8, v42;
	v44 =	vperm.xlane @!p0 v39, v40  }
0x317: {  	v43 =	vld [tilespmem:s25+$0x60]  }
0x318: {  	v45 =	vld [tilespmem:s25+$0x70];
	v44 =	vadd.s32 @!p0 v42, v44  }
0x319: {  	s20 =	sor.u32 s21, s24;
	v49 =	vld [tilespmem:s22+$0x10];
	v41 =	vor.u32 @!p0 $0x8, v41  }
0x31a: {  	v46 =	vld [tilespmem:s20+$0x0];
	v39 =	vperm.xlane @!p0 v39, v41  }
0x31b: {  	v47 =	vld [tilespmem:s20+$0x10]  }
0x31c: {  	s21 =	simm.s32 @!p0 $0x14000;
	v48 =	vld [tilespmem:s20+$0x20];
	s20 =	simm.s32 @!p0 $0x0;
	v39 =	vadd.s32 @!p0 v42, v39  }
0x31d: {  	v50 =	vld [tilespmem:s22+$0x20];
	[tilespmem:s21], [sflag:$0x5] =	stream.indirect_vreg.gather @!p0 [hbm4b:s3+s20], $0x80, v44, vm2, $0xb8  }
0x31e: {  	s21 =	simm.s32 @!p0 $0x14800  }
0x31f: {  	[tilespmem:s21], [sflag:$0x5] =	stream.indirect_vreg.gather @!p0 [hbm4b:s5+s20], $0x80, v44, vm3, $0xb8;
	[tilespmem:$0x1AC00] =	vst v63  }
0x320: {  	s21 =	simm.s32 @!p0 $0x14C00  }
0x321: {  	[tilespmem:s21], [sflag:$0x5] =	stream.indirect_vreg.gather @!p0 [hbm4b:s3+s20], $0x80, v39, vm2, $0xb8;
	[tilespmem:$0x1AC00] =	vst v63  }
0x322: {  	s21 =	simm.s32 @!p0 $0x15400  }
0x323: {  	[tilespmem:s21], [sflag:$0x5] =	stream.indirect_vreg.gather @!p0 [hbm4b:s5+s20], $0x80, v39, vm3, $0xb8;
	[tilespmem:$0x1AC00] =	vst v63  }
0x324: {  	v39 =	vld @!p0 [tilespmem:s19+$0x490];
	_ =	sdelay $0x4  }
0x325: {  	v44 =	vshrl.u32 @!p0 v39, $0x3  }
0x326: {  	v44 =	vmul.u32 @!p0 $0x18, v44  }
0x327: {  	v39 =	vand.u32 @!p0 $0x7, v39  }
0x328: {  	v39 =	vor.u32 @!p0 v39, v44  }
0x329: {  	v44 =	vperm.xlane @!p0 v39, v40;
	_ =	sdelay $0x1  }
0x32a: {  	v44 =	vadd.s32 @!p0 v42, v44;
	_ =	sdelay $0x1  }
0x32b: {  	v39 =	vperm.xlane @!p0 v39, v41;
	_ =	sdelay $0x1  }
0x32c: {  	s21 =	simm.s32 @!p0 $0x15800;
	v39 =	vadd.s32 @!p0 v42, v39  }
0x32d: {  	[tilespmem:s21], [sflag:$0x5] =	stream.indirect_vreg.gather @!p0 [hbm4b:s3+s20], $0x80, v44, vm2, $0xb8;
	[tilespmem:$0x1AC00] =	vst v63  }
0x32e: {  	s21 =	simm.s32 @!p0 $0x16000  }
0x32f: {  	[tilespmem:s21], [sflag:$0x5] =	stream.indirect_vreg.gather @!p0 [hbm4b:s5+s20], $0x80, v44, vm3, $0xb8;
	[tilespmem:$0x1AC00] =	vst v63  }
0x330: {  	s21 =	simm.s32 @!p0 $0x16400  }
0x331: {  	[tilespmem:s21], [sflag:$0x5] =	stream.indirect_vreg.gather @!p0 [hbm4b:s3+s20], $0x80, v39, vm2, $0xb8;
	[tilespmem:$0x1AC00] =	vst v63  }
0x332: {  	s21 =	simm.s32 @!p0 $0x16C00  }
0x333: {  	[tilespmem:s21], [sflag:$0x5] =	stream.indirect_vreg.gather @!p0 [hbm4b:s5+s20], $0x80, v39, vm3, $0xb8;
	[tilespmem:$0x1AC00] =	vst v63  }
0x334: {  	v39 =	vld.msk @!p0 [tilespmem:s19+$0x4A0], $0xff;
	_ =	sdelay $0x4  }
0x335: {  	v41 =	vshrl.u32 @!p0 v39, $0x3  }
0x336: {  	v41 =	vmul.u32 @!p0 $0x18, v41  }
0x337: {  	v39 =	vand.u32 @!p0 $0x7, v39  }
0x338: {  	v39 =	vor.u32 @!p0 v39, v41  }
0x339: {  	v39 =	vperm.xlane @!p0 v39, v40;
	_ =	sdelay $0x1  }
0x33a: {  	v39 =	vadd.s32 @!p0 v42, v39;
	_ =	sdelay $0x3  }
0x33b: {  	s19 =	simm.s32 @!p0 $0x17000  }
0x33c: {  	[tilespmem:s19], [sflag:$0x5] =	stream.indirect_vreg.gather @!p0 [hbm4b:s3+s20], $0x80, v39, vm2, $0xb8;
	[tilespmem:$0x1AC00] =	vst v63  }
0x33d: {  	s25 =	sshrl.u32 s18, $0x3;
	s19 =	simm.s32 @!p0 $0x17800  }
0x33e: {  	[tilespmem:s19], [sflag:$0x5] =	stream.indirect_vreg.gather @!p0 [hbm4b:s5+s20], $0x80, v39, vm3, $0xb8;
	[tilespmem:$0x1AC00] =	vst v63  }
0x33f: {  	s19 =	smul.u32 $0x3000, s25  }
0x340: {  	s26 =	sshll.u32 s18, $0x7  }
0x341: {  	s20 =	sand.u32 $0x380, s26;
	s19 =	sshra.s32 s19, $0x2  }
0x342: {  	s19 =	sor.u32 s20, s19  }
0x343: {  	[tilespmem:s19+$0x17C00] =	vst v13;
	s20 =	sadd.s32 $0x17C00, s19  }
0x344: {  	[tilespmem:s20+$0x10] =	vst v14  }
0x345: {  	[tilespmem:s20+$0x20] =	vst v15  }
0x346: {  	v54 =	vadd.f32 v31, v26;
	[tilespmem:s20+$0x30] =	vst v16  }
0x347: {  	v55 =	vadd.f32 v37, v23;
	[tilespmem:s20+$0x40] =	vst v8  }
0x348: {  	v12 =	vadd.f32 v17, v12;
	v13 =	vadd.f32 v35, v54;
	[tilespmem:s20+$0x50] =	vst v10  }
0x349: {  	v11 =	vadd.f32 v19, v11;
	v14 =	vadd.f32 v36, v55;
	[tilespmem:s20+$0x60] =	vst v7  }
0x34a: {  	v60 =	vadd.f32 v43, v9;
	v61 =	vadd.f32 v29, v12;
	[tilespmem:s20+$0x70] =	vst v13  }
0x34b: {  	v5 =	vadd.f32 v45, v5;
	v62 =	vadd.f32 v28, v11;
	s28 =	sadd.s32 $0x18000, s19;
	[tilespmem:s19+$0x18000] =	vst v14  }
0x34c: {  	v56 =	vadd.f32 v32, v22;
	v7 =	vadd.f32 v30, v60;
	[tilespmem:s28+$0x40] =	vst v61  }
0x34d: {  	v57 =	vadd.f32 v38, v21;
	v5 =	vadd.f32 v20, v5;
	[tilespmem:s28+$0x50] =	vst v62  }
0x34e: {  	v58 =	vadd.f32 v34, v56;
	v59 =	vadd.f32 v25, v24;
	[tilespmem:s28+$0x60] =	vst v7  }
0x34f: {  	s18 =	sadd.s32 $0x1, s18;
	v3 =	vadd.f32 v46, v3;
	v10 =	vadd.f32 v33, v57;
	[tilespmem:s28+$0x70] =	vst v5  }
0x350: {  	v4 =	vadd.f32 v47, v4;
	p0 =	sne.s32 s18, $0x20;
	v8 =	vadd.f32 v27, v59;
	[tilespmem:s28+$0x10] =	vst v58  }
.Ltmp5:
0x351: {  	v6 =	vadd.f32 v48, v6;
	v3 =	vadd.f32 v18, v3;
	[tilespmem:s28+$0x20] =	vst v10;
	(pc) =	sbr.rel @p0 .LBB2_2-.Ltmp5, $4  }
0x352: {  	v4 =	vadd.f32 v49, v4;
	[tilespmem:s28+$0x30] =	vst v8  }
0x353: {  	v63 =	vadd.f32 v50, v6;
	s29 =	sadd.s32 $0x18400, s19;
	[tilespmem:s19+$0x18400] =	vst v3  }
0x354: {  	[tilespmem:s29+$0x10] =	vst v4  }
0x355: {  	[tilespmem:s29+$0x20] =	vst v63  }
0x356: {  	s17 =	sadd.s32 $0x1, s17  }
0x357: {  	p0 =	sne.s32 s17, s7  }
.Ltmp6:
0x358: {  	_ = 	snop;
	(pc) =	sbr.rel @p0 .LBB2_1-.Ltmp6, $4  }
0x359: {  	[hbm4b:s6+s2] =	stream.linear.scatter [tilespmem:s16], [sflag:$0x6], $0x3000, $0x38;
	[tilespmem:$0x1AC00] =	vst v63  }
0x35a: {  	_ =	swait.ge [sflag:s8], $0x3000  }
0x35b: {  	[sflag:s8] =	ssyncset.done $0x0  }
0x35c: {  	[sflag:s8] =	ssyncadd.s32 $0xFFFFD000  }
0x35d: {  	_ =	sfence.sel $0x180000  }
0x35e: {  	[bflag:$0x0] =	sbarrier.arrive $0xFFFF  }
0x35f: {  	_ =	strace $0x90000047  }
0x360: {  	s0 =	stileid.u32;
	[bflag:$0x2] =	sbarrier.arrive $0xFFFF  }
0x361: {  	p0 =	sne.s32 s0, $0x0;
	s0 =	rddreg [dreg:$0x1]  }
0x362: {  	s0 =	sadd.s32 @!p0 $0x100000, s0  }
0x363: {  	[sflag:s0] =	ssyncadd.tile.s32 @!p0 $0x1;
	_ =	shalt  }
.Lfunc_end2:
_tile_overlayer_lowered:
.L_overlay_start_2:
0x364: {  	(tag) =	ssettag $0x2  }
0x365: {  	s0 =	rddreg [dreg:$0x0];
	s2 =	stileid.u32  }
0x366: {  	s1 =	rddreg [dreg:$0x1];
	p0 =	sne.s32 s2, $0x0  }
0x367: {  	s3 =	rddreg [dreg:$0x2];
	[bflag:$0x3] =	sbarrier.arrive $0xFFFF;
	s2 =	simm.s32 @!p0 $0x1C06  }
0x368: {  	[timem:s3], [sflag:s2] =	dma.local @!p0 [hbm:s0], s1  }
0x369: {  	s0 =	simm.s32 @!p0 $0x6  }
0x36a: {  	_ =	swait.ge @!p0 [sflag:s0], s1  }
0x36b: {  	s1 =	ssub.s32 @!p0 $0x0, s1;
	[sflag:s0] =	ssyncset.done @!p0 $0x0  }
0x36c: {  	[sflag:s0] =	ssyncadd.s32 @!p0 s1  }
0x36d: {  	[bflag:$0x3] =	sbarrier.arrive $0xFFFF  }
0x36e: {  	_ =	shalt  }

</sc_bundles>
